<compile_context>
chip_gen: v7x
topology: tpu7x:2x2x1
jax: 0.10.2.dev20260603
libtpu: 0.0.44.dev20260713+nightly
codegen_flags: <defaults>
</compile_context>

<pallas_src>
import functools

import jax
import jax.numpy as jnp
from jax import lax
from jax.experimental import pallas as pl
from jax.experimental.pallas import tpu as pltpu
from jax.experimental.pallas import tpu_sc as plsc

N = 10000
NP = 10240
PN = NP // 4
E = 320000
DIM = 32

NC = 2
NS = 16
NW = NC * NS

BATCH = 125
OPS_PER_TILE = (E // NW) // BATCH
ROWS_PER_TILE = NP // NS
NBUF = 4


@functools.cache
def _make_segsum_sc():
    mesh = plsc.VectorSubcoreMesh(core_axis_name="c", subcore_axis_name="s",
                                  num_cores=NC, num_subcores=NS)
    return pl.kernel(
        _segsum_sc_body,
        out_type=jax.ShapeDtypeStruct((NC, NP, DIM), jnp.float32),
        mesh=mesh,
        scratch_types=[
            pltpu.VMEM((OPS_PER_TILE, BATCH), jnp.int32),
            pltpu.VMEM((OPS_PER_TILE, BATCH), jnp.int32),
            [pltpu.VMEM((BATCH, DIM), jnp.float32)] * NBUF,
            [pltpu.SemaphoreType.DMA] * NBUF,
            pltpu.VMEM_SHARED((NP, DIM), jnp.float32),
        ],
        compiler_params=pltpu.CompilerParams(use_tc_tiling_on_sc=False),
    )


def _segsum_sc(p, edge3d, init, zeros):
    return _make_segsum_sc()(p, edge3d, init, zeros)


def _segsum_sc_body(p_hbm, edge_hbm, init_hbm, zeros_hbm, out_hbm,
                    src_idx, dst_idx, bufs, gsems, agg):
    c = lax.axis_index("c")
    s = lax.axis_index("s")

    row0 = s * ROWS_PER_TILE

    @pl.when(c == 0)
    def _init_self():
        pltpu.sync_copy(init_hbm.at[pl.ds(row0, ROWS_PER_TILE)],
                        agg.at[pl.ds(row0, ROWS_PER_TILE)])

    @pl.when(c != 0)
    def _init_zero():
        pltpu.sync_copy(zeros_hbm.at[pl.ds(row0, ROWS_PER_TILE)],
                        agg.at[pl.ds(row0, ROWS_PER_TILE)])

    idx_row0 = (c * NS + s) * OPS_PER_TILE
    pltpu.sync_copy(edge_hbm.at[0, pl.ds(idx_row0, OPS_PER_TILE)], src_idx)
    pltpu.sync_copy(edge_hbm.at[1, pl.ds(idx_row0, OPS_PER_TILE)], dst_idx)

    plsc.subcore_barrier()

    for b in range(NBUF):
        pltpu.async_copy(p_hbm.at[src_idx.at[b]], bufs[b], gsems[b])

    @pl.loop(0, OPS_PER_TILE // NBUF)
    def _edge_group(jj):
        for b in range(NBUF):
            j = jj * NBUF + b
            pltpu.make_async_copy(p_hbm.at[src_idx.at[j]], bufs[b],
                                  gsems[b]).wait()
            pltpu.sync_copy(bufs[b], agg.at[dst_idx.at[j]], add=True)

            @pl.when(jj < OPS_PER_TILE // NBUF - 1)
            def _next():
                pltpu.async_copy(p_hbm.at[src_idx.at[j + NBUF]], bufs[b],
                                 gsems[b])

    plsc.subcore_barrier()

    pltpu.sync_copy(agg.at[pl.ds(row0, ROWS_PER_TILE)],
                    out_hbm.at[c, pl.ds(row0, ROWS_PER_TILE)])


BN = 2000


def _mm0_body(x4_ref, wn_ref, ws_ref, bn_ref, wfc0_ref, p_ref, i_ref, t_ref):
    ps, is_, ts = [], [], []
    for j in range(4):
        xj = x4_ref[j]
        ps.append(jnp.dot(xj, wn_ref[...], preferred_element_type=jnp.float32))
        is_.append(bn_ref[...] + jnp.dot(xj, ws_ref[...],
                                         preferred_element_type=jnp.float32))
        ts.append(jnp.dot(xj, wfc0_ref[...],
                          preferred_element_type=jnp.float32))
    p_ref[...] = jnp.concatenate(ps, axis=1)
    i_ref[...] = jnp.concatenate(is_, axis=1)
    t_ref[...] = jnp.concatenate(ts, axis=1)


def _layer0_matmul(x4, Wn0, Ws0, bn0, Wfc0):
    n_classes = Wfc0.shape[1]
    return pl.pallas_call(
        _mm0_body,
        grid=(PN // BP,),
        in_specs=[
            pl.BlockSpec((4, BP, 128), lambda i: (0, i, 0)),
            pl.BlockSpec((128, DIM), lambda i: (0, 0)),
            pl.BlockSpec((128, DIM), lambda i: (0, 0)),
            pl.BlockSpec((1, DIM), lambda i: (0, 0)),
            pl.BlockSpec((128, n_classes), lambda i: (0, 0)),
        ],
        out_specs=[
            pl.BlockSpec((BP, 128), lambda i: (i, 0)),
            pl.BlockSpec((BP, 128), lambda i: (i, 0)),
            pl.BlockSpec((BP, 4 * n_classes), lambda i: (i, 0)),
        ],
        out_shape=[
            jax.ShapeDtypeStruct((PN, 128), jnp.float32),
            jax.ShapeDtypeStruct((PN, 128), jnp.float32),
            jax.ShapeDtypeStruct((PN, 4 * n_classes), jnp.float32),
        ],
    )(x4, Wn0, Ws0, bn0.reshape(1, DIM), Wfc0)


BP = 512


def _combine_body(agg_ref, wn_ref, ws_ref, bn_ref, h_ref, p_ref, i_ref):
    h = jnp.maximum(agg_ref[0] + agg_ref[1], 0.0)
    h_ref[...] = h
    p_ref[...] = jnp.dot(h, wn_ref[...], preferred_element_type=jnp.float32,
                         precision=lax.Precision.HIGHEST)
    i_ref[...] = bn_ref[...] + jnp.dot(h, ws_ref[...],
                                       preferred_element_type=jnp.float32,
                                       precision=lax.Precision.HIGHEST)


def _combine_matmul(agg_pk, Wn4, Ws4, bn4):
    return pl.pallas_call(
        _combine_body,
        grid=(PN // BP,),
        in_specs=[
            pl.BlockSpec((NC, BP, 128), lambda i: (0, i, 0)),
            pl.BlockSpec((128, 128), lambda i: (0, 0)),
            pl.BlockSpec((128, 128), lambda i: (0, 0)),
            pl.BlockSpec((1, 128), lambda i: (0, 0)),
        ],
        out_specs=[
            pl.BlockSpec((BP, 128), lambda i: (i, 0)),
            pl.BlockSpec((BP, 128), lambda i: (i, 0)),
            pl.BlockSpec((BP, 128), lambda i: (i, 0)),
        ],
        out_shape=[
            jax.ShapeDtypeStruct((PN, 128), jnp.float32),
            jax.ShapeDtypeStruct((PN, 128), jnp.float32),
            jax.ShapeDtypeStruct((PN, 128), jnp.float32),
        ],
    )(agg_pk, Wn4, Ws4, bn4)


def _fcpart_body(acc_ref, h_ref, w_ref, out_ref):
    out_ref[...] = acc_ref[...] + jnp.dot(
        h_ref[...], w_ref[...], preferred_element_type=jnp.float32,
        precision=lax.Precision.HIGHEST)


def _fc_partial(acc, h_pk, W4):
    w = acc.shape[1]
    return pl.pallas_call(
        _fcpart_body,
        grid=(PN // BP,),
        in_specs=[
            pl.BlockSpec((BP, w), lambda i: (i, 0)),
            pl.BlockSpec((BP, 128), lambda i: (i, 0)),
            pl.BlockSpec((128, w), lambda i: (0, 0)),
        ],
        out_specs=pl.BlockSpec((BP, w), lambda i: (i, 0)),
        out_shape=jax.ShapeDtypeStruct((PN, w), jnp.float32),
    )(acc, h_pk, W4)


def _final_body(tp_ref, agg_ref, w3_ref, bfc_ref, out_ref):
    h3 = jnp.maximum(agg_ref[0] + agg_ref[1], 0.0)
    hp = lax.Precision.HIGHEST
    t_pk = tp_ref[...] + bfc_ref[...]
    t_pk += jnp.dot(h3, w3_ref[...],
                    preferred_element_type=jnp.float32, precision=hp)
    n_classes = out_ref.shape[2]
    for j in range(4):
        t = t_pk[:, j * n_classes:(j + 1) * n_classes]
        m = jnp.max(t, axis=1, keepdims=True)
        lse = m + jnp.log(jnp.sum(jnp.exp(t - m), axis=1, keepdims=True))
        out_ref[j] = t - lse


def _final(tp_pk, agg2_pk, Wfc, bfc):
    n_classes = Wfc.shape[1]
    eye4 = jnp.eye(4, dtype=jnp.float32)
    out = pl.pallas_call(
        _final_body,
        grid=(PN // BP,),
        in_specs=[
            pl.BlockSpec((BP, 4 * n_classes), lambda i: (i, 0)),
            pl.BlockSpec((NC, BP, 128), lambda i: (0, i, 0)),
            pl.BlockSpec((128, 4 * n_classes), lambda i: (0, 0)),
            pl.BlockSpec((1, 4 * n_classes), lambda i: (0, 0)),
        ],
        out_specs=pl.BlockSpec((4, BP, n_classes), lambda i: (0, i, 0)),
        out_shape=jax.ShapeDtypeStruct((4, PN, n_classes), jnp.float32),
    )(tp_pk, agg2_pk, jnp.kron(eye4, Wfc[192:224]), jnp.tile(bfc, 4)[None])
    return out.reshape(NP, n_classes)[0:N]


def kernel(x, edge_index, Wn0, bn0, Ws0, Wn1, bn1, Ws1, Wn2, bn2, Ws2,
           Wfc, bfc):
    ev = 4 * (edge_index % PN) + edge_index // PN
    edge3d = ev.reshape(2, E // BATCH, BATCH)
    zeros = jnp.zeros((NP, DIM), jnp.float32)
    eye4 = jnp.eye(4, dtype=jnp.float32)

    def pk(v):
        return v.reshape(NP, DIM)

    x4 = jnp.pad(x, ((0, NP - N), (0, 0))).reshape(4, PN, 128)

    p0, init0, tx = _layer0_matmul(x4, Wn0, Ws0, bn0, Wfc[0:128])
    a0 = _segsum_sc(pk(p0), edge3d, pk(init0), zeros)

    h1, p1, i1 = _combine_matmul(a0.reshape(NC, PN, 128),
                                 jnp.kron(eye4, Wn1), jnp.kron(eye4, Ws1),
                                 jnp.tile(bn1, 4)[None])
    a1 = _segsum_sc(pk(p1), edge3d, pk(i1), zeros)
    tp1 = _fc_partial(tx, h1, jnp.kron(eye4, Wfc[128:160]))

    h2, p2, i2 = _combine_matmul(a1.reshape(NC, PN, 128),
                                 jnp.kron(eye4, Wn2), jnp.kron(eye4, Ws2),
                                 jnp.tile(bn2, 4)[None])
    a2 = _segsum_sc(pk(p2), edge3d, pk(i2), zeros)
    tp2 = _fc_partial(tp1, h2, jnp.kron(eye4, Wfc[160:192]))

    return _final(tp2, a2.reshape(NC, PN, 128), Wfc, bfc)

# --- scband reference (transcript-rebuilt; emitter-appended) ---
"""Pipeline reference for scband-net1-16793322127388 (READ-ONLY COPY).

The authoritative reference and input builder live on the scoring server;
editing this copy changes nothing except your own understanding.
"""

import jax, jax.numpy as jnp
import numpy as np

N = 10000
E = 320000
D_IN = 128
DIM = 32
N_LAYERS = 3
N_CLASSES = 40


def setup_inputs(seed: int = 0) -> dict:
    key = jax.random.key(seed)
    ks = jax.random.split(key, 16)
    x = jax.random.normal(ks[0], (N, D_IN), dtype=jnp.float32)
    edge_index = jax.random.randint(ks[1], (2, E), 0, N, dtype=jnp.int32)
    inp = {"x": x, "edge_index": edge_index}
    in_f = D_IN
    k_idx = 2
    for i in range(N_LAYERS):
        scale = 1.0 / np.sqrt(in_f)
        inp[f"Wn{i}"] = jax.random.normal(ks[k_idx], (in_f, DIM), dtype=jnp.float32) * scale
        inp[f"bn{i}"] = jnp.zeros((DIM,), dtype=jnp.float32)
        inp[f"Ws{i}"] = jax.random.normal(ks[k_idx + 1], (in_f, DIM), dtype=jnp.float32) * scale
        k_idx += 2
        in_f = DIM
    d_cat = D_IN + DIM * N_LAYERS
    inp["Wfc"] = jax.random.normal(ks[k_idx], (d_cat, N_CLASSES), dtype=jnp.float32) * (1.0 / np.sqrt(d_cat))
    inp["bfc"] = jnp.zeros((N_CLASSES,), dtype=jnp.float32)
    return inp


def reference(x, edge_index, Wn0, bn0, Ws0, Wn1, bn1, Ws1, Wn2, bn2, Ws2, Wfc, bfc):
    src = edge_index[0]
    dst = edge_index[1]

    def conv(h, Wn, bn, Ws):
        # GraphConvWL: DGL GraphConv(norm='none') neighbor sum-aggregation + linear, plus self linear
        msg = jnp.take(h, src, axis=0) @ Wn
        agg = jax.ops.segment_sum(msg, dst, num_segments=h.shape[0])
        neigh = agg + bn
        self_f = h @ Ws
        return neigh + self_f

    xs = [x]
    h = x
    for Wn, bn, Ws in ((Wn0, bn0, Ws0), (Wn1, bn1, Ws1), (Wn2, bn2, Ws2)):
        h = jax.nn.relu(conv(h, Wn, bn, Ws))
        xs.append(h)
    hcat = jnp.concatenate(xs, axis=1)
    logits = hcat @ Wfc + bfc
    return jax.nn.log_softmax(logits, axis=1)

if __name__ == "__main__":
    import jax
    _d = setup_inputs()
    print(jax.jit(kernel)(*tuple(_d.values())))

</pallas_src>

<mosaic_0001>
#map = affine_map<(d0, d1) -> (0, 0)>
#map1 = affine_map<(d0, d1) -> (0, 0, 0)>
module attributes {stable_mosaic.version = 14 : i64} {
  func.func @_segsum_sc_body(%arg0: i32, %arg1: i32, %arg2: memref<10240x32xf32, #tpu.memory_space<hbm>>, %arg3: memref<2x2560x125xi32, #tpu.memory_space<hbm>>, %arg4: memref<10240x32xf32, #tpu.memory_space<hbm>>, %arg5: memref<10240x32xf32, #tpu.memory_space<hbm>>, %arg6: memref<2x10240x32xf32, #tpu.memory_space<hbm>>, %arg7: memref<80x125xi32, #tpu.memory_space<vmem>>, %arg8: memref<80x125xi32, #tpu.memory_space<vmem>>, %arg9: memref<125x32xf32, #tpu.memory_space<vmem>>, %arg10: memref<125x32xf32, #tpu.memory_space<vmem>>, %arg11: memref<125x32xf32, #tpu.memory_space<vmem>>, %arg12: memref<125x32xf32, #tpu.memory_space<vmem>>, %arg13: memref<!tpu.dma_semaphore, #tpu.memory_space<semaphore_mem>>, %arg14: memref<!tpu.dma_semaphore, #tpu.memory_space<semaphore_mem>>, %arg15: memref<!tpu.dma_semaphore, #tpu.memory_space<semaphore_mem>>, %arg16: memref<!tpu.dma_semaphore, #tpu.memory_space<semaphore_mem>>, %arg17: memref<10240x32xf32, #tpu.memory_space<vmem_shared>>) attributes {dimension_semantics = [#tpu.dimension_semantics<core_parallel>, #tpu.dimension_semantics<subcore_parallel>], iteration_bounds = array<i64: 2, 16>, scalar_prefetch = 0 : i64, scratch_operands = 11 : i64, tpu.core_type = #tpu.core_type<sc_vector_subcore>, window_params = [{transform_indices = #map}, {transform_indices = #map1}, {transform_indices = #map}, {transform_indices = #map}, {transform_indices = #map1}]} {
    %mul3A = arith.constant 640 : i32
    %mul3A_0 = arith.muli %arg1, %mul3A : i32
    %eq3A = arith.constant 0 : i32
    %eq3A_1 = arith.cmpi eq, %arg0, %eq3A : i32
    %convert_element_type3A = arith.extui %eq3A_1 : i1 to i32
    %cond3A = arith.constant 0 : i32
    %cond3A_2 = arith.cmpi ne, %convert_element_type3A, %cond3A : i32
    scf.if %cond3A_2 {
      "tpu.region"() ({
        %run_scoped3A_44 = tpu.sem_alloc : memref<!tpu.dma_semaphore, #tpu.memory_space<semaphore_mem>>
        %dma_start3A_45 = arith.constant 0 : i32
        %dma_start3A_46 = tpu.memref_slice %arg17[%mul3A_0, %dma_start3A_45] : memref<10240x32xf32, #tpu.memory_space<vmem_shared>> -> memref<640x32xf32, #tpu.memory_space<vmem_shared>>
        %dma_start3A_47 = arith.constant 0 : i32
        %dma_start3A_48 = tpu.memref_slice %arg4[%mul3A_0, %dma_start3A_47] : memref<10240x32xf32, #tpu.memory_space<hbm>> -> memref<640x32xf32, #tpu.memory_space<hbm>>
        tpu.enqueue_dma source(%dma_start3A_48 : memref<640x32xf32, #tpu.memory_space<hbm>>) target(%dma_start3A_46 : memref<640x32xf32, #tpu.memory_space<vmem_shared>>) target_semaphore(%run_scoped3A_44 : memref<!tpu.dma_semaphore, #tpu.memory_space<semaphore_mem>>)
        %dma_wait3A = arith.constant 0 : i32
        %dma_wait3A_49 = tpu.memref_slice %arg17[%mul3A_0, %dma_wait3A] : memref<10240x32xf32, #tpu.memory_space<vmem_shared>> -> memref<640x32xf32, #tpu.memory_space<vmem_shared>>
        %dma_wait3A_50 = arith.constant 0 : i32
        %dma_wait3A_51 = tpu.memref_slice %arg4[%mul3A_0, %dma_wait3A_50] : memref<10240x32xf32, #tpu.memory_space<hbm>> -> memref<640x32xf32, #tpu.memory_space<hbm>>
        tpu.wait_dma2 semaphore(%run_scoped3A_44 : memref<!tpu.dma_semaphore, #tpu.memory_space<semaphore_mem>>) src(%dma_wait3A_51 : memref<640x32xf32, #tpu.memory_space<hbm>>) dst(%dma_wait3A_49 : memref<640x32xf32, #tpu.memory_space<vmem_shared>>)
        tpu.yield
      }) : () -> ()
    } else {
    }
    %ne3A = arith.constant 0 : i32
    %ne3A_3 = arith.cmpi ne, %arg0, %ne3A : i32
    %convert_element_type3A_4 = arith.extui %ne3A_3 : i1 to i32
    %cond3A_5 = arith.constant 0 : i32
    %cond3A_6 = arith.cmpi ne, %convert_element_type3A_4, %cond3A_5 : i32
    scf.if %cond3A_6 {
      "tpu.region"() ({
        %run_scoped3A_44 = tpu.sem_alloc : memref<!tpu.dma_semaphore, #tpu.memory_space<semaphore_mem>>
        %dma_start3A_45 = arith.constant 0 : i32
        %dma_start3A_46 = tpu.memref_slice %arg17[%mul3A_0, %dma_start3A_45] : memref<10240x32xf32, #tpu.memory_space<vmem_shared>> -> memref<640x32xf32, #tpu.memory_space<vmem_shared>>
        %dma_start3A_47 = arith.constant 0 : i32
        %dma_start3A_48 = tpu.memref_slice %arg5[%mul3A_0, %dma_start3A_47] : memref<10240x32xf32, #tpu.memory_space<hbm>> -> memref<640x32xf32, #tpu.memory_space<hbm>>
        tpu.enqueue_dma source(%dma_start3A_48 : memref<640x32xf32, #tpu.memory_space<hbm>>) target(%dma_start3A_46 : memref<640x32xf32, #tpu.memory_space<vmem_shared>>) target_semaphore(%run_scoped3A_44 : memref<!tpu.dma_semaphore, #tpu.memory_space<semaphore_mem>>)
        %dma_wait3A = arith.constant 0 : i32
        %dma_wait3A_49 = tpu.memref_slice %arg17[%mul3A_0, %dma_wait3A] : memref<10240x32xf32, #tpu.memory_space<vmem_shared>> -> memref<640x32xf32, #tpu.memory_space<vmem_shared>>
        %dma_wait3A_50 = arith.constant 0 : i32
        %dma_wait3A_51 = tpu.memref_slice %arg5[%mul3A_0, %dma_wait3A_50] : memref<10240x32xf32, #tpu.memory_space<hbm>> -> memref<640x32xf32, #tpu.memory_space<hbm>>
        tpu.wait_dma2 semaphore(%run_scoped3A_44 : memref<!tpu.dma_semaphore, #tpu.memory_space<semaphore_mem>>) src(%dma_wait3A_51 : memref<640x32xf32, #tpu.memory_space<hbm>>) dst(%dma_wait3A_49 : memref<640x32xf32, #tpu.memory_space<vmem_shared>>)
        tpu.yield
      }) : () -> ()
    } else {
    }
    %mul3A_7 = arith.constant 16 : i32
    %mul3A_8 = arith.muli %arg0, %mul3A_7 : i32
    %add3A = arith.addi %mul3A_8, %arg1 : i32
    %mul3A_9 = arith.constant 80 : i32
    %mul3A_10 = arith.muli %add3A, %mul3A_9 : i32
    %run_scoped3A = arith.constant 0 : i32
    "tpu.region"() ({
      %run_scoped3A_44 = tpu.sem_alloc : memref<!tpu.dma_semaphore, #tpu.memory_space<semaphore_mem>>
      %dma_start3A_45 = arith.constant 0 : i32
      %dma_start3A_46 = tpu.memref_slice %arg3[%run_scoped3A, %mul3A_10, %dma_start3A_45] : memref<2x2560x125xi32, #tpu.memory_space<hbm>> -> memref<1x80x125xi32, #tpu.memory_space<hbm>>
      %dma_start3A_47 = tpu.memref_squeeze %dma_start3A_46 : memref<1x80x125xi32, #tpu.memory_space<hbm>> -> memref<80x125xi32, #tpu.memory_space<hbm>>
      %dma_start3A_48 = arith.constant 0 : i32
      %dma_start3A_49 = tpu.memref_slice %arg3[%run_scoped3A, %mul3A_10, %dma_start3A_48] : memref<2x2560x125xi32, #tpu.memory_space<hbm>> -> memref<1x80x125xi32, #tpu.memory_space<hbm>>
      %dma_start3A_50 = tpu.memref_squeeze %dma_start3A_49 : memref<1x80x125xi32, #tpu.memory_space<hbm>> -> memref<80x125xi32, #tpu.memory_space<hbm>>
      tpu.enqueue_dma source(%dma_start3A_50 : memref<80x125xi32, #tpu.memory_space<hbm>>) target(%arg7 : memref<80x125xi32, #tpu.memory_space<vmem>>) target_semaphore(%run_scoped3A_44 : memref<!tpu.dma_semaphore, #tpu.memory_space<semaphore_mem>>)
      %dma_wait3A = arith.constant 0 : i32
      %dma_wait3A_51 = tpu.memref_slice %arg3[%run_scoped3A, %mul3A_10, %dma_wait3A] : memref<2x2560x125xi32, #tpu.memory_space<hbm>> -> memref<1x80x125xi32, #tpu.memory_space<hbm>>
      %dma_wait3A_52 = tpu.memref_squeeze %dma_wait3A_51 : memref<1x80x125xi32, #tpu.memory_space<hbm>> -> memref<80x125xi32, #tpu.memory_space<hbm>>
      %dma_wait3A_53 = arith.constant 0 : i32
      %dma_wait3A_54 = tpu.memref_slice %arg3[%run_scoped3A, %mul3A_10, %dma_wait3A_53] : memref<2x2560x125xi32, #tpu.memory_space<hbm>> -> memref<1x80x125xi32, #tpu.memory_space<hbm>>
      %dma_wait3A_55 = tpu.memref_squeeze %dma_wait3A_54 : memref<1x80x125xi32, #tpu.memory_space<hbm>> -> memref<80x125xi32, #tpu.memory_space<hbm>>
      tpu.wait_dma2 semaphore(%run_scoped3A_44 : memref<!tpu.dma_semaphore, #tpu.memory_space<semaphore_mem>>) src(%dma_wait3A_55 : memref<80x125xi32, #tpu.memory_space<hbm>>) dst(%arg7 : memref<80x125xi32, #tpu.memory_space<vmem>>)
      tpu.yield
    }) : () -> ()
    %run_scoped3A_11 = arith.constant 1 : i32
    "tpu.region"() ({
      %run_scoped3A_44 = tpu.sem_alloc : memref<!tpu.dma_semaphore, #tpu.memory_space<semaphore_mem>>
      %dma_start3A_45 = arith.constant 0 : i32
      %dma_start3A_46 = tpu.memref_slice %arg3[%run_scoped3A_11, %mul3A_10, %dma_start3A_45] : memref<2x2560x125xi32, #tpu.memory_space<hbm>> -> memref<1x80x125xi32, #tpu.memory_space<hbm>>
      %dma_start3A_47 = tpu.memref_squeeze %dma_start3A_46 : memref<1x80x125xi32, #tpu.memory_space<hbm>> -> memref<80x125xi32, #tpu.memory_space<hbm>>
      %dma_start3A_48 = arith.constant 0 : i32
      %dma_start3A_49 = tpu.memref_slice %arg3[%run_scoped3A_11, %mul3A_10, %dma_start3A_48] : memref<2x2560x125xi32, #tpu.memory_space<hbm>> -> memref<1x80x125xi32, #tpu.memory_space<hbm>>
      %dma_start3A_50 = tpu.memref_squeeze %dma_start3A_49 : memref<1x80x125xi32, #tpu.memory_space<hbm>> -> memref<80x125xi32, #tpu.memory_space<hbm>>
      tpu.enqueue_dma source(%dma_start3A_50 : memref<80x125xi32, #tpu.memory_space<hbm>>) target(%arg8 : memref<80x125xi32, #tpu.memory_space<vmem>>) target_semaphore(%run_scoped3A_44 : memref<!tpu.dma_semaphore, #tpu.memory_space<semaphore_mem>>)
      %dma_wait3A = arith.constant 0 : i32
      %dma_wait3A_51 = tpu.memref_slice %arg3[%run_scoped3A_11, %mul3A_10, %dma_wait3A] : memref<2x2560x125xi32, #tpu.memory_space<hbm>> -> memref<1x80x125xi32, #tpu.memory_space<hbm>>
      %dma_wait3A_52 = tpu.memref_squeeze %dma_wait3A_51 : memref<1x80x125xi32, #tpu.memory_space<hbm>> -> memref<80x125xi32, #tpu.memory_space<hbm>>
      %dma_wait3A_53 = arith.constant 0 : i32
      %dma_wait3A_54 = tpu.memref_slice %arg3[%run_scoped3A_11, %mul3A_10, %dma_wait3A_53] : memref<2x2560x125xi32, #tpu.memory_space<hbm>> -> memref<1x80x125xi32, #tpu.memory_space<hbm>>
      %dma_wait3A_55 = tpu.memref_squeeze %dma_wait3A_54 : memref<1x80x125xi32, #tpu.memory_space<hbm>> -> memref<80x125xi32, #tpu.memory_space<hbm>>
      tpu.wait_dma2 semaphore(%run_scoped3A_44 : memref<!tpu.dma_semaphore, #tpu.memory_space<semaphore_mem>>) src(%dma_wait3A_55 : memref<80x125xi32, #tpu.memory_space<hbm>>) dst(%arg8 : memref<80x125xi32, #tpu.memory_space<vmem>>)
      tpu.yield
    }) : () -> ()
    %barrier3A = arith.constant 0 : index
    tpu.barrier barrier_id(%barrier3A)
    %dma_start3A = arith.constant 0 : i32
    %dma_start3A_12 = arith.constant 0 : i32
    %dma_start3A_13 = tpu.memref_slice %arg7[%dma_start3A, %dma_start3A_12] : memref<80x125xi32, #tpu.memory_space<vmem>> -> memref<1x125xi32, #tpu.memory_space<vmem>>
    %dma_start3A_14 = tpu.memref_squeeze %dma_start3A_13 : memref<1x125xi32, #tpu.memory_space<vmem>> -> memref<125xi32, #tpu.memory_space<vmem>>
    %dma_start3A_15 = arith.constant 0 : i32
    %dma_start3A_16 = arith.constant 0 : i32
    %dma_start3A_17 = tpu.memref_slice %arg2[%dma_start3A_15, %dma_start3A_16] : memref<10240x32xf32, #tpu.memory_space<hbm>> -> memref<10240x32xf32, #tpu.memory_space<hbm>>
    tpu.enqueue_indirect_dma source(%dma_start3A_17 : memref<10240x32xf32, #tpu.memory_space<hbm>>) target(%arg9 : memref<125x32xf32, #tpu.memory_space<vmem>>) offsets(%dma_start3A_14 : memref<125xi32, #tpu.memory_space<vmem>>) semaphore(%arg13 : memref<!tpu.dma_semaphore, #tpu.memory_space<semaphore_mem>>)
    %dma_start3A_18 = arith.constant 1 : i32
    %dma_start3A_19 = arith.constant 0 : i32
    %dma_start3A_20 = tpu.memref_slice %arg7[%dma_start3A_18, %dma_start3A_19] : memref<80x125xi32, #tpu.memory_space<vmem>> -> memref<1x125xi32, #tpu.memory_space<vmem>>
    %dma_start3A_21 = tpu.memref_squeeze %dma_start3A_20 : memref<1x125xi32, #tpu.memory_space<vmem>> -> memref<125xi32, #tpu.memory_space<vmem>>
    %dma_start3A_22 = arith.constant 0 : i32
    %dma_start3A_23 = arith.constant 0 : i32
    %dma_start3A_24 = tpu.memref_slice %arg2[%dma_start3A_22, %dma_start3A_23] : memref<10240x32xf32, #tpu.memory_space<hbm>> -> memref<10240x32xf32, #tpu.memory_space<hbm>>
    tpu.enqueue_indirect_dma source(%dma_start3A_24 : memref<10240x32xf32, #tpu.memory_space<hbm>>) target(%arg10 : memref<125x32xf32, #tpu.memory_space<vmem>>) offsets(%dma_start3A_21 : memref<125xi32, #tpu.memory_space<vmem>>) semaphore(%arg14 : memref<!tpu.dma_semaphore, #tpu.memory_space<semaphore_mem>>)
    %dma_start3A_25 = arith.constant 2 : i32
    %dma_start3A_26 = arith.constant 0 : i32
    %dma_start3A_27 = tpu.memref_slice %arg7[%dma_start3A_25, %dma_start3A_26] : memref<80x125xi32, #tpu.memory_space<vmem>> -> memref<1x125xi32, #tpu.memory_space<vmem>>
    %dma_start3A_28 = tpu.memref_squeeze %dma_start3A_27 : memref<1x125xi32, #tpu.memory_space<vmem>> -> memref<125xi32, #tpu.memory_space<vmem>>
    %dma_start3A_29 = arith.constant 0 : i32
    %dma_start3A_30 = arith.constant 0 : i32
    %dma_start3A_31 = tpu.memref_slice %arg2[%dma_start3A_29, %dma_start3A_30] : memref<10240x32xf32, #tpu.memory_space<hbm>> -> memref<10240x32xf32, #tpu.memory_space<hbm>>
    tpu.enqueue_indirect_dma source(%dma_start3A_31 : memref<10240x32xf32, #tpu.memory_space<hbm>>) target(%arg11 : memref<125x32xf32, #tpu.memory_space<vmem>>) offsets(%dma_start3A_28 : memref<125xi32, #tpu.memory_space<vmem>>) semaphore(%arg15 : memref<!tpu.dma_semaphore, #tpu.memory_space<semaphore_mem>>)
    %dma_start3A_32 = arith.constant 3 : i32
    %dma_start3A_33 = arith.constant 0 : i32
    %dma_start3A_34 = tpu.memref_slice %arg7[%dma_start3A_32, %dma_start3A_33] : memref<80x125xi32, #tpu.memory_space<vmem>> -> memref<1x125xi32, #tpu.memory_space<vmem>>
    %dma_start3A_35 = tpu.memref_squeeze %dma_start3A_34 : memref<1x125xi32, #tpu.memory_space<vmem>> -> memref<125xi32, #tpu.memory_space<vmem>>
    %dma_start3A_36 = arith.constant 0 : i32
    %dma_start3A_37 = arith.constant 0 : i32
    %dma_start3A_38 = tpu.memref_slice %arg2[%dma_start3A_36, %dma_start3A_37] : memref<10240x32xf32, #tpu.memory_space<hbm>> -> memref<10240x32xf32, #tpu.memory_space<hbm>>
    tpu.enqueue_indirect_dma source(%dma_start3A_38 : memref<10240x32xf32, #tpu.memory_space<hbm>>) target(%arg12 : memref<125x32xf32, #tpu.memory_space<vmem>>) offsets(%dma_start3A_35 : memref<125xi32, #tpu.memory_space<vmem>>) semaphore(%arg16 : memref<!tpu.dma_semaphore, #tpu.memory_space<semaphore_mem>>)
    %scan3A = arith.constant 0 : i32
    %scan3A_39 = arith.constant 20 : i32
    %scan3A_40 = arith.addi %scan3A, %scan3A_39 : i32
    %scan3A_41 = arith.constant 1 : i32
    scf.for %scan3A_44 = %scan3A to %scan3A_40 step %scan3A_41  : i32 {
      %mul3A_45 = arith.constant 1 : i32
      %mul3A_46 = arith.muli %scan3A_44, %mul3A_45 : i32
      %add3A_47 = arith.constant 0 : i32
      %add3A_48 = arith.addi %add3A_47, %mul3A_46 : i32
      %mul3A_49 = arith.constant 4 : i32
      %mul3A_50 = arith.muli %add3A_48, %mul3A_49 : i32
      %add3A_51 = arith.constant 0 : i32
      %add3A_52 = arith.addi %mul3A_50, %add3A_51 : i32
      %dma_wait3A = arith.constant 0 : i32
      %dma_wait3A_53 = tpu.memref_slice %arg7[%add3A_52, %dma_wait3A] : memref<80x125xi32, #tpu.memory_space<vmem>> -> memref<1x125xi32, #tpu.memory_space<vmem>>
      %dma_wait3A_54 = tpu.memref_squeeze %dma_wait3A_53 : memref<1x125xi32, #tpu.memory_space<vmem>> -> memref<125xi32, #tpu.memory_space<vmem>>
      %dma_wait3A_55 = arith.constant 0 : i32
      %dma_wait3A_56 = arith.constant 0 : i32
      %dma_wait3A_57 = tpu.memref_slice %arg2[%dma_wait3A_55, %dma_wait3A_56] : memref<10240x32xf32, #tpu.memory_space<hbm>> -> memref<10240x32xf32, #tpu.memory_space<hbm>>
      tpu.wait_indirect_dma semaphore(%arg13 : memref<!tpu.dma_semaphore, #tpu.memory_space<semaphore_mem>>) src(%dma_wait3A_57 : memref<10240x32xf32, #tpu.memory_space<hbm>>) dst(%arg9 : memref<125x32xf32, #tpu.memory_space<vmem>>)
      "tpu.region"() ({
        %run_scoped3A_107 = tpu.sem_alloc : memref<!tpu.dma_semaphore, #tpu.memory_space<semaphore_mem>>
        %dma_start3A_108 = arith.constant 0 : i32
        %dma_start3A_109 = tpu.memref_slice %arg8[%add3A_52, %dma_start3A_108] : memref<80x125xi32, #tpu.memory_space<vmem>> -> memref<1x125xi32, #tpu.memory_space<vmem>>
        %dma_start3A_110 = tpu.memref_squeeze %dma_start3A_109 : memref<1x125xi32, #tpu.memory_space<vmem>> -> memref<125xi32, #tpu.memory_space<vmem>>
        %dma_start3A_111 = arith.constant 0 : i32
        %dma_start3A_112 = arith.constant 0 : i32
        %dma_start3A_113 = tpu.memref_slice %arg17[%dma_start3A_111, %dma_start3A_112] : memref<10240x32xf32, #tpu.memory_space<vmem_shared>> -> memref<10240x32xf32, #tpu.memory_space<vmem_shared>>
        tpu.enqueue_indirect_dma source(%arg9 : memref<125x32xf32, #tpu.memory_space<vmem>>) target(%dma_start3A_113 : memref<10240x32xf32, #tpu.memory_space<vmem_shared>>) offsets(%dma_start3A_110 : memref<125xi32, #tpu.memory_space<vmem>>) semaphore(%run_scoped3A_107 : memref<!tpu.dma_semaphore, #tpu.memory_space<semaphore_mem>>) {add = true}
        %dma_wait3A_114 = arith.constant 0 : i32
        %dma_wait3A_115 = tpu.memref_slice %arg8[%add3A_52, %dma_wait3A_114] : memref<80x125xi32, #tpu.memory_space<vmem>> -> memref<1x125xi32, #tpu.memory_space<vmem>>
        %dma_wait3A_116 = tpu.memref_squeeze %dma_wait3A_115 : memref<1x125xi32, #tpu.memory_space<vmem>> -> memref<125xi32, #tpu.memory_space<vmem>>
        %dma_wait3A_117 = arith.constant 0 : i32
        %dma_wait3A_118 = arith.constant 0 : i32
        %dma_wait3A_119 = tpu.memref_slice %arg17[%dma_wait3A_117, %dma_wait3A_118] : memref<10240x32xf32, #tpu.memory_space<vmem_shared>> -> memref<10240x32xf32, #tpu.memory_space<vmem_shared>>
        tpu.wait_indirect_dma semaphore(%run_scoped3A_107 : memref<!tpu.dma_semaphore, #tpu.memory_space<semaphore_mem>>) src(%arg9 : memref<125x32xf32, #tpu.memory_space<vmem>>) dst(%dma_wait3A_119 : memref<10240x32xf32, #tpu.memory_space<vmem_shared>>)
        tpu.yield
      }) : () -> ()
      %lt3A = arith.constant 19 : i32
      %lt3A_58 = arith.cmpi slt, %add3A_48, %lt3A : i32
      %convert_element_type3A_59 = arith.extui %lt3A_58 : i1 to i32
      %cond3A_60 = arith.constant 0 : i32
      %cond3A_61 = arith.cmpi ne, %convert_element_type3A_59, %cond3A_60 : i32
      scf.if %cond3A_61 {
        %add3A_107 = arith.constant 4 : i32
        %add3A_108 = arith.addi %add3A_52, %add3A_107 : i32
        %dma_start3A_109 = arith.constant 0 : i32
        %dma_start3A_110 = tpu.memref_slice %arg7[%add3A_108, %dma_start3A_109] : memref<80x125xi32, #tpu.memory_space<vmem>> -> memref<1x125xi32, #tpu.memory_space<vmem>>
        %dma_start3A_111 = tpu.memref_squeeze %dma_start3A_110 : memref<1x125xi32, #tpu.memory_space<vmem>> -> memref<125xi32, #tpu.memory_space<vmem>>
        %dma_start3A_112 = arith.constant 0 : i32
        %dma_start3A_113 = arith.constant 0 : i32
        %dma_start3A_114 = tpu.memref_slice %arg2[%dma_start3A_112, %dma_start3A_113] : memref<10240x32xf32, #tpu.memory_space<hbm>> -> memref<10240x32xf32, #tpu.memory_space<hbm>>
        tpu.enqueue_indirect_dma source(%dma_start3A_114 : memref<10240x32xf32, #tpu.memory_space<hbm>>) target(%arg9 : memref<125x32xf32, #tpu.memory_space<vmem>>) offsets(%dma_start3A_111 : memref<125xi32, #tpu.memory_space<vmem>>) semaphore(%arg13 : memref<!tpu.dma_semaphore, #tpu.memory_space<semaphore_mem>>)
      } else {
      }
      %mul3A_62 = arith.constant 4 : i32
      %mul3A_63 = arith.muli %add3A_48, %mul3A_62 : i32
      %add3A_64 = arith.constant 1 : i32
      %add3A_65 = arith.addi %mul3A_63, %add3A_64 : i32
      %dma_wait3A_66 = arith.constant 0 : i32
      %dma_wait3A_67 = tpu.memref_slice %arg7[%add3A_65, %dma_wait3A_66] : memref<80x125xi32, #tpu.memory_space<vmem>> -> memref<1x125xi32, #tpu.memory_space<vmem>>
      %dma_wait3A_68 = tpu.memref_squeeze %dma_wait3A_67 : memref<1x125xi32, #tpu.memory_space<vmem>> -> memref<125xi32, #tpu.memory_space<vmem>>
      %dma_wait3A_69 = arith.constant 0 : i32
      %dma_wait3A_70 = arith.constant 0 : i32
      %dma_wait3A_71 = tpu.memref_slice %arg2[%dma_wait3A_69, %dma_wait3A_70] : memref<10240x32xf32, #tpu.memory_space<hbm>> -> memref<10240x32xf32, #tpu.memory_space<hbm>>
      tpu.wait_indirect_dma semaphore(%arg14 : memref<!tpu.dma_semaphore, #tpu.memory_space<semaphore_mem>>) src(%dma_wait3A_71 : memref<10240x32xf32, #tpu.memory_space<hbm>>) dst(%arg10 : memref<125x32xf32, #tpu.memory_space<vmem>>)
      "tpu.region"() ({
        %run_scoped3A_107 = tpu.sem_alloc : memref<!tpu.dma_semaphore, #tpu.memory_space<semaphore_mem>>
        %dma_start3A_108 = arith.constant 0 : i32
        %dma_start3A_109 = tpu.memref_slice %arg8[%add3A_65, %dma_start3A_108] : memref<80x125xi32, #tpu.memory_space<vmem>> -> memref<1x125xi32, #tpu.memory_space<vmem>>
        %dma_start3A_110 = tpu.memref_squeeze %dma_start3A_109 : memref<1x125xi32, #tpu.memory_space<vmem>> -> memref<125xi32, #tpu.memory_space<vmem>>
        %dma_start3A_111 = arith.constant 0 : i32
        %dma_start3A_112 = arith.constant 0 : i32
        %dma_start3A_113 = tpu.memref_slice %arg17[%dma_start3A_111, %dma_start3A_112] : memref<10240x32xf32, #tpu.memory_space<vmem_shared>> -> memref<10240x32xf32, #tpu.memory_space<vmem_shared>>
        tpu.enqueue_indirect_dma source(%arg10 : memref<125x32xf32, #tpu.memory_space<vmem>>) target(%dma_start3A_113 : memref<10240x32xf32, #tpu.memory_space<vmem_shared>>) offsets(%dma_start3A_110 : memref<125xi32, #tpu.memory_space<vmem>>) semaphore(%run_scoped3A_107 : memref<!tpu.dma_semaphore, #tpu.memory_space<semaphore_mem>>) {add = true}
        %dma_wait3A_114 = arith.constant 0 : i32
        %dma_wait3A_115 = tpu.memref_slice %arg8[%add3A_65, %dma_wait3A_114] : memref<80x125xi32, #tpu.memory_space<vmem>> -> memref<1x125xi32, #tpu.memory_space<vmem>>
        %dma_wait3A_116 = tpu.memref_squeeze %dma_wait3A_115 : memref<1x125xi32, #tpu.memory_space<vmem>> -> memref<125xi32, #tpu.memory_space<vmem>>
        %dma_wait3A_117 = arith.constant 0 : i32
        %dma_wait3A_118 = arith.constant 0 : i32
        %dma_wait3A_119 = tpu.memref_slice %arg17[%dma_wait3A_117, %dma_wait3A_118] : memref<10240x32xf32, #tpu.memory_space<vmem_shared>> -> memref<10240x32xf32, #tpu.memory_space<vmem_shared>>
        tpu.wait_indirect_dma semaphore(%run_scoped3A_107 : memref<!tpu.dma_semaphore, #tpu.memory_space<semaphore_mem>>) src(%arg10 : memref<125x32xf32, #tpu.memory_space<vmem>>) dst(%dma_wait3A_119 : memref<10240x32xf32, #tpu.memory_space<vmem_shared>>)
        tpu.yield
      }) : () -> ()
      %lt3A_72 = arith.constant 19 : i32
      %lt3A_73 = arith.cmpi slt, %add3A_48, %lt3A_72 : i32
      %convert_element_type3A_74 = arith.extui %lt3A_73 : i1 to i32
      %cond3A_75 = arith.constant 0 : i32
      %cond3A_76 = arith.cmpi ne, %convert_element_type3A_74, %cond3A_75 : i32
      scf.if %cond3A_76 {
        %add3A_107 = arith.constant 4 : i32
        %add3A_108 = arith.addi %add3A_65, %add3A_107 : i32
        %dma_start3A_109 = arith.constant 0 : i32
        %dma_start3A_110 = tpu.memref_slice %arg7[%add3A_108, %dma_start3A_109] : memref<80x125xi32, #tpu.memory_space<vmem>> -> memref<1x125xi32, #tpu.memory_space<vmem>>
        %dma_start3A_111 = tpu.memref_squeeze %dma_start3A_110 : memref<1x125xi32, #tpu.memory_space<vmem>> -> memref<125xi32, #tpu.memory_space<vmem>>
        %dma_start3A_112 = arith.constant 0 : i32
        %dma_start3A_113 = arith.constant 0 : i32
        %dma_start3A_114 = tpu.memref_slice %arg2[%dma_start3A_112, %dma_start3A_113] : memref<10240x32xf32, #tpu.memory_space<hbm>> -> memref<10240x32xf32, #tpu.memory_space<hbm>>
        tpu.enqueue_indirect_dma source(%dma_start3A_114 : memref<10240x32xf32, #tpu.memory_space<hbm>>) target(%arg10 : memref<125x32xf32, #tpu.memory_space<vmem>>) offsets(%dma_start3A_111 : memref<125xi32, #tpu.memory_space<vmem>>) semaphore(%arg14 : memref<!tpu.dma_semaphore, #tpu.memory_space<semaphore_mem>>)
      } else {
      }
      %mul3A_77 = arith.constant 4 : i32
      %mul3A_78 = arith.muli %add3A_48, %mul3A_77 : i32
      %add3A_79 = arith.constant 2 : i32
      %add3A_80 = arith.addi %mul3A_78, %add3A_79 : i32
      %dma_wait3A_81 = arith.constant 0 : i32
      %dma_wait3A_82 = tpu.memref_slice %arg7[%add3A_80, %dma_wait3A_81] : memref<80x125xi32, #tpu.memory_space<vmem>> -> memref<1x125xi32, #tpu.memory_space<vmem>>
      %dma_wait3A_83 = tpu.memref_squeeze %dma_wait3A_82 : memref<1x125xi32, #tpu.memory_space<vmem>> -> memref<125xi32, #tpu.memory_space<vmem>>
      %dma_wait3A_84 = arith.constant 0 : i32
      %dma_wait3A_85 = arith.constant 0 : i32
      %dma_wait3A_86 = tpu.memref_slice %arg2[%dma_wait3A_84, %dma_wait3A_85] : memref<10240x32xf32, #tpu.memory_space<hbm>> -> memref<10240x32xf32, #tpu.memory_space<hbm>>
      tpu.wait_indirect_dma semaphore(%arg15 : memref<!tpu.dma_semaphore, #tpu.memory_space<semaphore_mem>>) src(%dma_wait3A_86 : memref<10240x32xf32, #tpu.memory_space<hbm>>) dst(%arg11 : memref<125x32xf32, #tpu.memory_space<vmem>>)
      "tpu.region"() ({
        %run_scoped3A_107 = tpu.sem_alloc : memref<!tpu.dma_semaphore, #tpu.memory_space<semaphore_mem>>
        %dma_start3A_108 = arith.constant 0 : i32
        %dma_start3A_109 = tpu.memref_slice %arg8[%add3A_80, %dma_start3A_108] : memref<80x125xi32, #tpu.memory_space<vmem>> -> memref<1x125xi32, #tpu.memory_space<vmem>>
        %dma_start3A_110 = tpu.memref_squeeze %dma_start3A_109 : memref<1x125xi32, #tpu.memory_space<vmem>> -> memref<125xi32, #tpu.memory_space<vmem>>
        %dma_start3A_111 = arith.constant 0 : i32
        %dma_start3A_112 = arith.constant 0 : i32
        %dma_start3A_113 = tpu.memref_slice %arg17[%dma_start3A_111, %dma_start3A_112] : memref<10240x32xf32, #tpu.memory_space<vmem_shared>> -> memref<10240x32xf32, #tpu.memory_space<vmem_shared>>
        tpu.enqueue_indirect_dma source(%arg11 : memref<125x32xf32, #tpu.memory_space<vmem>>) target(%dma_start3A_113 : memref<10240x32xf32, #tpu.memory_space<vmem_shared>>) offsets(%dma_start3A_110 : memref<125xi32, #tpu.memory_space<vmem>>) semaphore(%run_scoped3A_107 : memref<!tpu.dma_semaphore, #tpu.memory_space<semaphore_mem>>) {add = true}
        %dma_wait3A_114 = arith.constant 0 : i32
        %dma_wait3A_115 = tpu.memref_slice %arg8[%add3A_80, %dma_wait3A_114] : memref<80x125xi32, #tpu.memory_space<vmem>> -> memref<1x125xi32, #tpu.memory_space<vmem>>
        %dma_wait3A_116 = tpu.memref_squeeze %dma_wait3A_115 : memref<1x125xi32, #tpu.memory_space<vmem>> -> memref<125xi32, #tpu.memory_space<vmem>>
        %dma_wait3A_117 = arith.constant 0 : i32
        %dma_wait3A_118 = arith.constant 0 : i32
        %dma_wait3A_119 = tpu.memref_slice %arg17[%dma_wait3A_117, %dma_wait3A_118] : memref<10240x32xf32, #tpu.memory_space<vmem_shared>> -> memref<10240x32xf32, #tpu.memory_space<vmem_shared>>
        tpu.wait_indirect_dma semaphore(%run_scoped3A_107 : memref<!tpu.dma_semaphore, #tpu.memory_space<semaphore_mem>>) src(%arg11 : memref<125x32xf32, #tpu.memory_space<vmem>>) dst(%dma_wait3A_119 : memref<10240x32xf32, #tpu.memory_space<vmem_shared>>)
        tpu.yield
      }) : () -> ()
      %lt3A_87 = arith.constant 19 : i32
      %lt3A_88 = arith.cmpi slt, %add3A_48, %lt3A_87 : i32
      %convert_element_type3A_89 = arith.extui %lt3A_88 : i1 to i32
      %cond3A_90 = arith.constant 0 : i32
      %cond3A_91 = arith.cmpi ne, %convert_element_type3A_89, %cond3A_90 : i32
      scf.if %cond3A_91 {
        %add3A_107 = arith.constant 4 : i32
        %add3A_108 = arith.addi %add3A_80, %add3A_107 : i32
        %dma_start3A_109 = arith.constant 0 : i32
        %dma_start3A_110 = tpu.memref_slice %arg7[%add3A_108, %dma_start3A_109] : memref<80x125xi32, #tpu.memory_space<vmem>> -> memref<1x125xi32, #tpu.memory_space<vmem>>
        %dma_start3A_111 = tpu.memref_squeeze %dma_start3A_110 : memref<1x125xi32, #tpu.memory_space<vmem>> -> memref<125xi32, #tpu.memory_space<vmem>>
        %dma_start3A_112 = arith.constant 0 : i32
        %dma_start3A_113 = arith.constant 0 : i32
        %dma_start3A_114 = tpu.memref_slice %arg2[%dma_start3A_112, %dma_start3A_113] : memref<10240x32xf32, #tpu.memory_space<hbm>> -> memref<10240x32xf32, #tpu.memory_space<hbm>>
        tpu.enqueue_indirect_dma source(%dma_start3A_114 : memref<10240x32xf32, #tpu.memory_space<hbm>>) target(%arg11 : memref<125x32xf32, #tpu.memory_space<vmem>>) offsets(%dma_start3A_111 : memref<125xi32, #tpu.memory_space<vmem>>) semaphore(%arg15 : memref<!tpu.dma_semaphore, #tpu.memory_space<semaphore_mem>>)
      } else {
      }
      %mul3A_92 = arith.constant 4 : i32
      %mul3A_93 = arith.muli %add3A_48, %mul3A_92 : i32
      %add3A_94 = arith.constant 3 : i32
      %add3A_95 = arith.addi %mul3A_93, %add3A_94 : i32
      %dma_wait3A_96 = arith.constant 0 : i32
      %dma_wait3A_97 = tpu.memref_slice %arg7[%add3A_95, %dma_wait3A_96] : memref<80x125xi32, #tpu.memory_space<vmem>> -> memref<1x125xi32, #tpu.memory_space<vmem>>
      %dma_wait3A_98 = tpu.memref_squeeze %dma_wait3A_97 : memref<1x125xi32, #tpu.memory_space<vmem>> -> memref<125xi32, #tpu.memory_space<vmem>>
      %dma_wait3A_99 = arith.constant 0 : i32
      %dma_wait3A_100 = arith.constant 0 : i32
      %dma_wait3A_101 = tpu.memref_slice %arg2[%dma_wait3A_99, %dma_wait3A_100] : memref<10240x32xf32, #tpu.memory_space<hbm>> -> memref<10240x32xf32, #tpu.memory_space<hbm>>
      tpu.wait_indirect_dma semaphore(%arg16 : memref<!tpu.dma_semaphore, #tpu.memory_space<semaphore_mem>>) src(%dma_wait3A_101 : memref<10240x32xf32, #tpu.memory_space<hbm>>) dst(%arg12 : memref<125x32xf32, #tpu.memory_space<vmem>>)
      "tpu.region"() ({
        %run_scoped3A_107 = tpu.sem_alloc : memref<!tpu.dma_semaphore, #tpu.memory_space<semaphore_mem>>
        %dma_start3A_108 = arith.constant 0 : i32
        %dma_start3A_109 = tpu.memref_slice %arg8[%add3A_95, %dma_start3A_108] : memref<80x125xi32, #tpu.memory_space<vmem>> -> memref<1x125xi32, #tpu.memory_space<vmem>>
        %dma_start3A_110 = tpu.memref_squeeze %dma_start3A_109 : memref<1x125xi32, #tpu.memory_space<vmem>> -> memref<125xi32, #tpu.memory_space<vmem>>
        %dma_start3A_111 = arith.constant 0 : i32
        %dma_start3A_112 = arith.constant 0 : i32
        %dma_start3A_113 = tpu.memref_slice %arg17[%dma_start3A_111, %dma_start3A_112] : memref<10240x32xf32, #tpu.memory_space<vmem_shared>> -> memref<10240x32xf32, #tpu.memory_space<vmem_shared>>
        tpu.enqueue_indirect_dma source(%arg12 : memref<125x32xf32, #tpu.memory_space<vmem>>) target(%dma_start3A_113 : memref<10240x32xf32, #tpu.memory_space<vmem_shared>>) offsets(%dma_start3A_110 : memref<125xi32, #tpu.memory_space<vmem>>) semaphore(%run_scoped3A_107 : memref<!tpu.dma_semaphore, #tpu.memory_space<semaphore_mem>>) {add = true}
        %dma_wait3A_114 = arith.constant 0 : i32
        %dma_wait3A_115 = tpu.memref_slice %arg8[%add3A_95, %dma_wait3A_114] : memref<80x125xi32, #tpu.memory_space<vmem>> -> memref<1x125xi32, #tpu.memory_space<vmem>>
        %dma_wait3A_116 = tpu.memref_squeeze %dma_wait3A_115 : memref<1x125xi32, #tpu.memory_space<vmem>> -> memref<125xi32, #tpu.memory_space<vmem>>
        %dma_wait3A_117 = arith.constant 0 : i32
        %dma_wait3A_118 = arith.constant 0 : i32
        %dma_wait3A_119 = tpu.memref_slice %arg17[%dma_wait3A_117, %dma_wait3A_118] : memref<10240x32xf32, #tpu.memory_space<vmem_shared>> -> memref<10240x32xf32, #tpu.memory_space<vmem_shared>>
        tpu.wait_indirect_dma semaphore(%run_scoped3A_107 : memref<!tpu.dma_semaphore, #tpu.memory_space<semaphore_mem>>) src(%arg12 : memref<125x32xf32, #tpu.memory_space<vmem>>) dst(%dma_wait3A_119 : memref<10240x32xf32, #tpu.memory_space<vmem_shared>>)
        tpu.yield
      }) : () -> ()
      %lt3A_102 = arith.constant 19 : i32
      %lt3A_103 = arith.cmpi slt, %add3A_48, %lt3A_102 : i32
      %convert_element_type3A_104 = arith.extui %lt3A_103 : i1 to i32
      %cond3A_105 = arith.constant 0 : i32
      %cond3A_106 = arith.cmpi ne, %convert_element_type3A_104, %cond3A_105 : i32
      scf.if %cond3A_106 {
        %add3A_107 = arith.constant 4 : i32
        %add3A_108 = arith.addi %add3A_95, %add3A_107 : i32
        %dma_start3A_109 = arith.constant 0 : i32
        %dma_start3A_110 = tpu.memref_slice %arg7[%add3A_108, %dma_start3A_109] : memref<80x125xi32, #tpu.memory_space<vmem>> -> memref<1x125xi32, #tpu.memory_space<vmem>>
        %dma_start3A_111 = tpu.memref_squeeze %dma_start3A_110 : memref<1x125xi32, #tpu.memory_space<vmem>> -> memref<125xi32, #tpu.memory_space<vmem>>
        %dma_start3A_112 = arith.constant 0 : i32
        %dma_start3A_113 = arith.constant 0 : i32
        %dma_start3A_114 = tpu.memref_slice %arg2[%dma_start3A_112, %dma_start3A_113] : memref<10240x32xf32, #tpu.memory_space<hbm>> -> memref<10240x32xf32, #tpu.memory_space<hbm>>
        tpu.enqueue_indirect_dma source(%dma_start3A_114 : memref<10240x32xf32, #tpu.memory_space<hbm>>) target(%arg12 : memref<125x32xf32, #tpu.memory_space<vmem>>) offsets(%dma_start3A_111 : memref<125xi32, #tpu.memory_space<vmem>>) semaphore(%arg16 : memref<!tpu.dma_semaphore, #tpu.memory_space<semaphore_mem>>)
      } else {
      }
    }
    %scan3A_42 = arith.constant 20 : i32
    %barrier3A_43 = arith.constant 0 : index
    tpu.barrier barrier_id(%barrier3A_43)
    "tpu.region"() ({
      %run_scoped3A_44 = tpu.sem_alloc : memref<!tpu.dma_semaphore, #tpu.memory_space<semaphore_mem>>
      %dma_start3A_45 = arith.constant 0 : i32
      %dma_start3A_46 = tpu.memref_slice %arg6[%arg0, %mul3A_0, %dma_start3A_45] : memref<2x10240x32xf32, #tpu.memory_space<hbm>> -> memref<1x640x32xf32, #tpu.memory_space<hbm>>
      %dma_start3A_47 = tpu.memref_squeeze %dma_start3A_46 : memref<1x640x32xf32, #tpu.memory_space<hbm>> -> memref<640x32xf32, #tpu.memory_space<hbm>>
      %dma_start3A_48 = arith.constant 0 : i32
      %dma_start3A_49 = tpu.memref_slice %arg17[%mul3A_0, %dma_start3A_48] : memref<10240x32xf32, #tpu.memory_space<vmem_shared>> -> memref<640x32xf32, #tpu.memory_space<vmem_shared>>
      tpu.enqueue_dma source(%dma_start3A_49 : memref<640x32xf32, #tpu.memory_space<vmem_shared>>) target(%dma_start3A_47 : memref<640x32xf32, #tpu.memory_space<hbm>>) target_semaphore(%run_scoped3A_44 : memref<!tpu.dma_semaphore, #tpu.memory_space<semaphore_mem>>)
      %dma_wait3A = arith.constant 0 : i32
      %dma_wait3A_50 = tpu.memref_slice %arg6[%arg0, %mul3A_0, %dma_wait3A] : memref<2x10240x32xf32, #tpu.memory_space<hbm>> -> memref<1x640x32xf32, #tpu.memory_space<hbm>>
      %dma_wait3A_51 = tpu.memref_squeeze %dma_wait3A_50 : memref<1x640x32xf32, #tpu.memory_space<hbm>> -> memref<640x32xf32, #tpu.memory_space<hbm>>
      %dma_wait3A_52 = arith.constant 0 : i32
      %dma_wait3A_53 = tpu.memref_slice %arg17[%mul3A_0, %dma_wait3A_52] : memref<10240x32xf32, #tpu.memory_space<vmem_shared>> -> memref<640x32xf32, #tpu.memory_space<vmem_shared>>
      tpu.wait_dma2 semaphore(%run_scoped3A_44 : memref<!tpu.dma_semaphore, #tpu.memory_space<semaphore_mem>>) src(%dma_wait3A_53 : memref<640x32xf32, #tpu.memory_space<vmem_shared>>) dst(%dma_wait3A_51 : memref<640x32xf32, #tpu.memory_space<hbm>>)
      tpu.yield
    }) : () -> ()
    return
  }
}

#map = affine_map<(d0, d1) -> (0, 0)>
#map1 = affine_map<(d0, d1) -> (0, 0, 0)>
module attributes {stable_mosaic.version = 14 : i64} {
  func.func @_segsum_sc_body(%arg0: i32, %arg1: i32, %arg2: memref<10240x32xf32, #tpu.memory_space<hbm>>, %arg3: memref<2x2560x125xi32, #tpu.memory_space<hbm>>, %arg4: memref<10240x32xf32, #tpu.memory_space<hbm>>, %arg5: memref<10240x32xf32, #tpu.memory_space<hbm>>, %arg6: memref<2x10240x32xf32, #tpu.memory_space<hbm>>, %arg7: memref<80x125xi32, #tpu.memory_space<vmem>>, %arg8: memref<80x125xi32, #tpu.memory_space<vmem>>, %arg9: memref<125x32xf32, #tpu.memory_space<vmem>>, %arg10: memref<125x32xf32, #tpu.memory_space<vmem>>, %arg11: memref<125x32xf32, #tpu.memory_space<vmem>>, %arg12: memref<125x32xf32, #tpu.memory_space<vmem>>, %arg13: memref<!tpu.dma_semaphore, #tpu.memory_space<semaphore_mem>>, %arg14: memref<!tpu.dma_semaphore, #tpu.memory_space<semaphore_mem>>, %arg15: memref<!tpu.dma_semaphore, #tpu.memory_space<semaphore_mem>>, %arg16: memref<!tpu.dma_semaphore, #tpu.memory_space<semaphore_mem>>, %arg17: memref<10240x32xf32, #tpu.memory_space<vmem_shared>>) attributes {dimension_semantics = [#tpu.dimension_semantics<core_parallel>, #tpu.dimension_semantics<subcore_parallel>], iteration_bounds = array<i64: 2, 16>, scalar_prefetch = 0 : i64, scratch_operands = 11 : i64, tpu.core_type = #tpu.core_type<sc_vector_subcore>, window_params = [{transform_indices = #map}, {transform_indices = #map1}, {transform_indices = #map}, {transform_indices = #map}, {transform_indices = #map1}]} {
    %mul3A = arith.constant 640 : i32
    %mul3A_0 = arith.muli %arg1, %mul3A : i32
    %eq3A = arith.constant 0 : i32
    %eq3A_1 = arith.cmpi eq, %arg0, %eq3A : i32
    %convert_element_type3A = arith.extui %eq3A_1 : i1 to i32
    %cond3A = arith.constant 0 : i32
    %cond3A_2 = arith.cmpi ne, %convert_element_type3A, %cond3A : i32
    scf.if %cond3A_2 {
      "tpu.region"() ({
        %run_scoped3A_44 = tpu.sem_alloc : memref<!tpu.dma_semaphore, #tpu.memory_space<semaphore_mem>>
        %dma_start3A_45 = arith.constant 0 : i32
        %dma_start3A_46 = tpu.memref_slice %arg17[%mul3A_0, %dma_start3A_45] : memref<10240x32xf32, #tpu.memory_space<vmem_shared>> -> memref<640x32xf32, #tpu.memory_space<vmem_shared>>
        %dma_start3A_47 = arith.constant 0 : i32
        %dma_start3A_48 = tpu.memref_slice %arg4[%mul3A_0, %dma_start3A_47] : memref<10240x32xf32, #tpu.memory_space<hbm>> -> memref<640x32xf32, #tpu.memory_space<hbm>>
        tpu.enqueue_dma source(%dma_start3A_48 : memref<640x32xf32, #tpu.memory_space<hbm>>) target(%dma_start3A_46 : memref<640x32xf32, #tpu.memory_space<vmem_shared>>) target_semaphore(%run_scoped3A_44 : memref<!tpu.dma_semaphore, #tpu.memory_space<semaphore_mem>>)
        %dma_wait3A = arith.constant 0 : i32
        %dma_wait3A_49 = tpu.memref_slice %arg17[%mul3A_0, %dma_wait3A] : memref<10240x32xf32, #tpu.memory_space<vmem_shared>> -> memref<640x32xf32, #tpu.memory_space<vmem_shared>>
        %dma_wait3A_50 = arith.constant 0 : i32
        %dma_wait3A_51 = tpu.memref_slice %arg4[%mul3A_0, %dma_wait3A_50] : memref<10240x32xf32, #tpu.memory_space<hbm>> -> memref<640x32xf32, #tpu.memory_space<hbm>>
        tpu.wait_dma2 semaphore(%run_scoped3A_44 : memref<!tpu.dma_semaphore, #tpu.memory_space<semaphore_mem>>) src(%dma_wait3A_51 : memref<640x32xf32, #tpu.memory_space<hbm>>) dst(%dma_wait3A_49 : memref<640x32xf32, #tpu.memory_space<vmem_shared>>)
        tpu.yield
      }) : () -> ()
    } else {
    }
    %ne3A = arith.constant 0 : i32
    %ne3A_3 = arith.cmpi ne, %arg0, %ne3A : i32
    %convert_element_type3A_4 = arith.extui %ne3A_3 : i1 to i32
    %cond3A_5 = arith.constant 0 : i32
    %cond3A_6 = arith.cmpi ne, %convert_element_type3A_4, %cond3A_5 : i32
    scf.if %cond3A_6 {
      "tpu.region"() ({
        %run_scoped3A_44 = tpu.sem_alloc : memref<!tpu.dma_semaphore, #tpu.memory_space<semaphore_mem>>
        %dma_start3A_45 = arith.constant 0 : i32
        %dma_start3A_46 = tpu.memref_slice %arg17[%mul3A_0, %dma_start3A_45] : memref<10240x32xf32, #tpu.memory_space<vmem_shared>> -> memref<640x32xf32, #tpu.memory_space<vmem_shared>>
        %dma_start3A_47 = arith.constant 0 : i32
        %dma_start3A_48 = tpu.memref_slice %arg5[%mul3A_0, %dma_start3A_47] : memref<10240x32xf32, #tpu.memory_space<hbm>> -> memref<640x32xf32, #tpu.memory_space<hbm>>
        tpu.enqueue_dma source(%dma_start3A_48 : memref<640x32xf32, #tpu.memory_space<hbm>>) target(%dma_start3A_46 : memref<640x32xf32, #tpu.memory_space<vmem_shared>>) target_semaphore(%run_scoped3A_44 : memref<!tpu.dma_semaphore, #tpu.memory_space<semaphore_mem>>)
        %dma_wait3A = arith.constant 0 : i32
        %dma_wait3A_49 = tpu.memref_slice %arg17[%mul3A_0, %dma_wait3A] : memref<10240x32xf32, #tpu.memory_space<vmem_shared>> -> memref<640x32xf32, #tpu.memory_space<vmem_shared>>
        %dma_wait3A_50 = arith.constant 0 : i32
        %dma_wait3A_51 = tpu.memref_slice %arg5[%mul3A_0, %dma_wait3A_50] : memref<10240x32xf32, #tpu.memory_space<hbm>> -> memref<640x32xf32, #tpu.memory_space<hbm>>
        tpu.wait_dma2 semaphore(%run_scoped3A_44 : memref<!tpu.dma_semaphore, #tpu.memory_space<semaphore_mem>>) src(%dma_wait3A_51 : memref<640x32xf32, #tpu.memory_space<hbm>>) dst(%dma_wait3A_49 : memref<640x32xf32, #tpu.memory_space<vmem_shared>>)
        tpu.yield
      }) : () -> ()
    } else {
    }
    %mul3A_7 = arith.constant 16 : i32
    %mul3A_8 = arith.muli %arg0, %mul3A_7 : i32
    %add3A = arith.addi %mul3A_8, %arg1 : i32
    %mul3A_9 = arith.constant 80 : i32
    %mul3A_10 = arith.muli %add3A, %mul3A_9 : i32
    %run_scoped3A = arith.constant 0 : i32
    "tpu.region"() ({
      %run_scoped3A_44 = tpu.sem_alloc : memref<!tpu.dma_semaphore, #tpu.memory_space<semaphore_mem>>
      %dma_start3A_45 = arith.constant 0 : i32
      %dma_start3A_46 = tpu.memref_slice %arg3[%run_scoped3A, %mul3A_10, %dma_start3A_45] : memref<2x2560x125xi32, #tpu.memory_space<hbm>> -> memref<1x80x125xi32, #tpu.memory_space<hbm>>
      %dma_start3A_47 = tpu.memref_squeeze %dma_start3A_46 : memref<1x80x125xi32, #tpu.memory_space<hbm>> -> memref<80x125xi32, #tpu.memory_space<hbm>>
      %dma_start3A_48 = arith.constant 0 : i32
      %dma_start3A_49 = tpu.memref_slice %arg3[%run_scoped3A, %mul3A_10, %dma_start3A_48] : memref<2x2560x125xi32, #tpu.memory_space<hbm>> -> memref<1x80x125xi32, #tpu.memory_space<hbm>>
      %dma_start3A_50 = tpu.memref_squeeze %dma_start3A_49 : memref<1x80x125xi32, #tpu.memory_space<hbm>> -> memref<80x125xi32, #tpu.memory_space<hbm>>
      tpu.enqueue_dma source(%dma_start3A_50 : memref<80x125xi32, #tpu.memory_space<hbm>>) target(%arg7 : memref<80x125xi32, #tpu.memory_space<vmem>>) target_semaphore(%run_scoped3A_44 : memref<!tpu.dma_semaphore, #tpu.memory_space<semaphore_mem>>)
      %dma_wait3A = arith.constant 0 : i32
      %dma_wait3A_51 = tpu.memref_slice %arg3[%run_scoped3A, %mul3A_10, %dma_wait3A] : memref<2x2560x125xi32, #tpu.memory_space<hbm>> -> memref<1x80x125xi32, #tpu.memory_space<hbm>>
      %dma_wait3A_52 = tpu.memref_squeeze %dma_wait3A_51 : memref<1x80x125xi32, #tpu.memory_space<hbm>> -> memref<80x125xi32, #tpu.memory_space<hbm>>
      %dma_wait3A_53 = arith.constant 0 : i32
      %dma_wait3A_54 = tpu.memref_slice %arg3[%run_scoped3A, %mul3A_10, %dma_wait3A_53] : memref<2x2560x125xi32, #tpu.memory_space<hbm>> -> memref<1x80x125xi32, #tpu.memory_space<hbm>>
      %dma_wait3A_55 = tpu.memref_squeeze %dma_wait3A_54 : memref<1x80x125xi32, #tpu.memory_space<hbm>> -> memref<80x125xi32, #tpu.memory_space<hbm>>
      tpu.wait_dma2 semaphore(%run_scoped3A_44 : memref<!tpu.dma_semaphore, #tpu.memory_space<semaphore_mem>>) src(%dma_wait3A_55 : memref<80x125xi32, #tpu.memory_space<hbm>>) dst(%arg7 : memref<80x125xi32, #tpu.memory_space<vmem>>)
      tpu.yield
    }) : () -> ()
    %run_scoped3A_11 = arith.constant 1 : i32
    "tpu.region"() ({
      %run_scoped3A_44 = tpu.sem_alloc : memref<!tpu.dma_semaphore, #tpu.memory_space<semaphore_mem>>
      %dma_start3A_45 = arith.constant 0 : i32
      %dma_start3A_46 = tpu.memref_slice %arg3[%run_scoped3A_11, %mul3A_10, %dma_start3A_45] : memref<2x2560x125xi32, #tpu.memory_space<hbm>> -> memref<1x80x125xi32, #tpu.memory_space<hbm>>
      %dma_start3A_47 = tpu.memref_squeeze %dma_start3A_46 : memref<1x80x125xi32, #tpu.memory_space<hbm>> -> memref<80x125xi32, #tpu.memory_space<hbm>>
      %dma_start3A_48 = arith.constant 0 : i32
      %dma_start3A_49 = tpu.memref_slice %arg3[%run_scoped3A_11, %mul3A_10, %dma_start3A_48] : memref<2x2560x125xi32, #tpu.memory_space<hbm>> -> memref<1x80x125xi32, #tpu.memory_space<hbm>>
      %dma_start3A_50 = tpu.memref_squeeze %dma_start3A_49 : memref<1x80x125xi32, #tpu.memory_space<hbm>> -> memref<80x125xi32, #tpu.memory_space<hbm>>
      tpu.enqueue_dma source(%dma_start3A_50 : memref<80x125xi32, #tpu.memory_space<hbm>>) target(%arg8 : memref<80x125xi32, #tpu.memory_space<vmem>>) target_semaphore(%run_scoped3A_44 : memref<!tpu.dma_semaphore, #tpu.memory_space<semaphore_mem>>)
      %dma_wait3A = arith.constant 0 : i32
      %dma_wait3A_51 = tpu.memref_slice %arg3[%run_scoped3A_11, %mul3A_10, %dma_wait3A] : memref<2x2560x125xi32, #tpu.memory_space<hbm>> -> memref<1x80x125xi32, #tpu.memory_space<hbm>>
      %dma_wait3A_52 = tpu.memref_squeeze %dma_wait3A_51 : memref<1x80x125xi32, #tpu.memory_space<hbm>> -> memref<80x125xi32, #tpu.memory_space<hbm>>
      %dma_wait3A_53 = arith.constant 0 : i32
      %dma_wait3A_54 = tpu.memref_slice %arg3[%run_scoped3A_11, %mul3A_10, %dma_wait3A_53] : memref<2x2560x125xi32, #tpu.memory_space<hbm>> -> memref<1x80x125xi32, #tpu.memory_space<hbm>>
      %dma_wait3A_55 = tpu.memref_squeeze %dma_wait3A_54 : memref<1x80x125xi32, #tpu.memory_space<hbm>> -> memref<80x125xi32, #tpu.memory_space<hbm>>
      tpu.wait_dma2 semaphore(%run_scoped3A_44 : memref<!tpu.dma_semaphore, #tpu.memory_space<semaphore_mem>>) src(%dma_wait3A_55 : memref<80x125xi32, #tpu.memory_space<hbm>>) dst(%arg8 : memref<80x125xi32, #tpu.memory_space<vmem>>)
      tpu.yield
    }) : () -> ()
    %barrier3A = arith.constant 0 : index
    tpu.barrier barrier_id(%barrier3A)
    %dma_start3A = arith.constant 0 : i32
    %dma_start3A_12 = arith.constant 0 : i32
    %dma_start3A_13 = tpu.memref_slice %arg7[%dma_start3A, %dma_start3A_12] : memref<80x125xi32, #tpu.memory_space<vmem>> -> memref<1x125xi32, #tpu.memory_space<vmem>>
    %dma_start3A_14 = tpu.memref_squeeze %dma_start3A_13 : memref<1x125xi32, #tpu.memory_space<vmem>> -> memref<125xi32, #tpu.memory_space<vmem>>
    %dma_start3A_15 = arith.constant 0 : i32
    %dma_start3A_16 = arith.constant 0 : i32
    %dma_start3A_17 = tpu.memref_slice %arg2[%dma_start3A_15, %dma_start3A_16] : memref<10240x32xf32, #tpu.memory_space<hbm>> -> memref<10240x32xf32, #tpu.memory_space<hbm>>
    tpu.enqueue_indirect_dma source(%dma_start3A_17 : memref<10240x32xf32, #tpu.memory_space<hbm>>) target(%arg9 : memref<125x32xf32, #tpu.memory_space<vmem>>) offsets(%dma_start3A_14 : memref<125xi32, #tpu.memory_space<vmem>>) semaphore(%arg13 : memref<!tpu.dma_semaphore, #tpu.memory_space<semaphore_mem>>)
    %dma_start3A_18 = arith.constant 1 : i32
    %dma_start3A_19 = arith.constant 0 : i32
    %dma_start3A_20 = tpu.memref_slice %arg7[%dma_start3A_18, %dma_start3A_19] : memref<80x125xi32, #tpu.memory_space<vmem>> -> memref<1x125xi32, #tpu.memory_space<vmem>>
    %dma_start3A_21 = tpu.memref_squeeze %dma_start3A_20 : memref<1x125xi32, #tpu.memory_space<vmem>> -> memref<125xi32, #tpu.memory_space<vmem>>
    %dma_start3A_22 = arith.constant 0 : i32
    %dma_start3A_23 = arith.constant 0 : i32
    %dma_start3A_24 = tpu.memref_slice %arg2[%dma_start3A_22, %dma_start3A_23] : memref<10240x32xf32, #tpu.memory_space<hbm>> -> memref<10240x32xf32, #tpu.memory_space<hbm>>
    tpu.enqueue_indirect_dma source(%dma_start3A_24 : memref<10240x32xf32, #tpu.memory_space<hbm>>) target(%arg10 : memref<125x32xf32, #tpu.memory_space<vmem>>) offsets(%dma_start3A_21 : memref<125xi32, #tpu.memory_space<vmem>>) semaphore(%arg14 : memref<!tpu.dma_semaphore, #tpu.memory_space<semaphore_mem>>)
    %dma_start3A_25 = arith.constant 2 : i32
    %dma_start3A_26 = arith.constant 0 : i32
    %dma_start3A_27 = tpu.memref_slice %arg7[%dma_start3A_25, %dma_start3A_26] : memref<80x125xi32, #tpu.memory_space<vmem>> -> memref<1x125xi32, #tpu.memory_space<vmem>>
    %dma_start3A_28 = tpu.memref_squeeze %dma_start3A_27 : memref<1x125xi32, #tpu.memory_space<vmem>> -> memref<125xi32, #tpu.memory_space<vmem>>
    %dma_start3A_29 = arith.constant 0 : i32
    %dma_start3A_30 = arith.constant 0 : i32
    %dma_start3A_31 = tpu.memref_slice %arg2[%dma_start3A_29, %dma_start3A_30] : memref<10240x32xf32, #tpu.memory_space<hbm>> -> memref<10240x32xf32, #tpu.memory_space<hbm>>
    tpu.enqueue_indirect_dma source(%dma_start3A_31 : memref<10240x32xf32, #tpu.memory_space<hbm>>) target(%arg11 : memref<125x32xf32, #tpu.memory_space<vmem>>) offsets(%dma_start3A_28 : memref<125xi32, #tpu.memory_space<vmem>>) semaphore(%arg15 : memref<!tpu.dma_semaphore, #tpu.memory_space<semaphore_mem>>)
    %dma_start3A_32 = arith.constant 3 : i32
    %dma_start3A_33 = arith.constant 0 : i32
    %dma_start3A_34 = tpu.memref_slice %arg7[%dma_start3A_32, %dma_start3A_33] : memref<80x125xi32, #tpu.memory_space<vmem>> -> memref<1x125xi32, #tpu.memory_space<vmem>>
    %dma_start3A_35 = tpu.memref_squeeze %dma_start3A_34 : memref<1x125xi32, #tpu.memory_space<vmem>> -> memref<125xi32, #tpu.memory_space<vmem>>
    %dma_start3A_36 = arith.constant 0 : i32
    %dma_start3A_37 = arith.constant 0 : i32
    %dma_start3A_38 = tpu.memref_slice %arg2[%dma_start3A_36, %dma_start3A_37] : memref<10240x32xf32, #tpu.memory_space<hbm>> -> memref<10240x32xf32, #tpu.memory_space<hbm>>
    tpu.enqueue_indirect_dma source(%dma_start3A_38 : memref<10240x32xf32, #tpu.memory_space<hbm>>) target(%arg12 : memref<125x32xf32, #tpu.memory_space<vmem>>) offsets(%dma_start3A_35 : memref<125xi32, #tpu.memory_space<vmem>>) semaphore(%arg16 : memref<!tpu.dma_semaphore, #tpu.memory_space<semaphore_mem>>)
    %scan3A = arith.constant 0 : i32
    %scan3A_39 = arith.constant 20 : i32
    %scan3A_40 = arith.addi %scan3A, %scan3A_39 : i32
    %scan3A_41 = arith.constant 1 : i32
    scf.for %scan3A_44 = %scan3A to %scan3A_40 step %scan3A_41  : i32 {
      %mul3A_45 = arith.constant 1 : i32
      %mul3A_46 = arith.muli %scan3A_44, %mul3A_45 : i32
      %add3A_47 = arith.constant 0 : i32
      %add3A_48 = arith.addi %add3A_47, %mul3A_46 : i32
      %mul3A_49 = arith.constant 4 : i32
      %mul3A_50 = arith.muli %add3A_48, %mul3A_49 : i32
      %add3A_51 = arith.constant 0 : i32
      %add3A_52 = arith.addi %mul3A_50, %add3A_51 : i32
      %dma_wait3A = arith.constant 0 : i32
      %dma_wait3A_53 = tpu.memref_slice %arg7[%add3A_52, %dma_wait3A] : memref<80x125xi32, #tpu.memory_space<vmem>> -> memref<1x125xi32, #tpu.memory_space<vmem>>
      %dma_wait3A_54 = tpu.memref_squeeze %dma_wait3A_53 : memref<1x125xi32, #tpu.memory_space<vmem>> -> memref<125xi32, #tpu.memory_space<vmem>>
      %dma_wait3A_55 = arith.constant 0 : i32
      %dma_wait3A_56 = arith.constant 0 : i32
      %dma_wait3A_57 = tpu.memref_slice %arg2[%dma_wait3A_55, %dma_wait3A_56] : memref<10240x32xf32, #tpu.memory_space<hbm>> -> memref<10240x32xf32, #tpu.memory_space<hbm>>
      tpu.wait_indirect_dma semaphore(%arg13 : memref<!tpu.dma_semaphore, #tpu.memory_space<semaphore_mem>>) src(%dma_wait3A_57 : memref<10240x32xf32, #tpu.memory_space<hbm>>) dst(%arg9 : memref<125x32xf32, #tpu.memory_space<vmem>>)
      "tpu.region"() ({
        %run_scoped3A_107 = tpu.sem_alloc : memref<!tpu.dma_semaphore, #tpu.memory_space<semaphore_mem>>
        %dma_start3A_108 = arith.constant 0 : i32
        %dma_start3A_109 = tpu.memref_slice %arg8[%add3A_52, %dma_start3A_108] : memref<80x125xi32, #tpu.memory_space<vmem>> -> memref<1x125xi32, #tpu.memory_space<vmem>>
        %dma_start3A_110 = tpu.memref_squeeze %dma_start3A_109 : memref<1x125xi32, #tpu.memory_space<vmem>> -> memref<125xi32, #tpu.memory_space<vmem>>
        %dma_start3A_111 = arith.constant 0 : i32
        %dma_start3A_112 = arith.constant 0 : i32
        %dma_start3A_113 = tpu.memref_slice %arg17[%dma_start3A_111, %dma_start3A_112] : memref<10240x32xf32, #tpu.memory_space<vmem_shared>> -> memref<10240x32xf32, #tpu.memory_space<vmem_shared>>
        tpu.enqueue_indirect_dma source(%arg9 : memref<125x32xf32, #tpu.memory_space<vmem>>) target(%dma_start3A_113 : memref<10240x32xf32, #tpu.memory_space<vmem_shared>>) offsets(%dma_start3A_110 : memref<125xi32, #tpu.memory_space<vmem>>) semaphore(%run_scoped3A_107 : memref<!tpu.dma_semaphore, #tpu.memory_space<semaphore_mem>>) {add = true}
        %dma_wait3A_114 = arith.constant 0 : i32
        %dma_wait3A_115 = tpu.memref_slice %arg8[%add3A_52, %dma_wait3A_114] : memref<80x125xi32, #tpu.memory_space<vmem>> -> memref<1x125xi32, #tpu.memory_space<vmem>>
        %dma_wait3A_116 = tpu.memref_squeeze %dma_wait3A_115 : memref<1x125xi32, #tpu.memory_space<vmem>> -> memref<125xi32, #tpu.memory_space<vmem>>
        %dma_wait3A_117 = arith.constant 0 : i32
        %dma_wait3A_118 = arith.constant 0 : i32
        %dma_wait3A_119 = tpu.memref_slice %arg17[%dma_wait3A_117, %dma_wait3A_118] : memref<10240x32xf32, #tpu.memory_space<vmem_shared>> -> memref<10240x32xf32, #tpu.memory_space<vmem_shared>>
        tpu.wait_indirect_dma semaphore(%run_scoped3A_107 : memref<!tpu.dma_semaphore, #tpu.memory_space<semaphore_mem>>) src(%arg9 : memref<125x32xf32, #tpu.memory_space<vmem>>) dst(%dma_wait3A_119 : memref<10240x32xf32, #tpu.memory_space<vmem_shared>>)
        tpu.yield
      }) : () -> ()
      %lt3A = arith.constant 19 : i32
      %lt3A_58 = arith.cmpi slt, %add3A_48, %lt3A : i32
      %convert_element_type3A_59 = arith.extui %lt3A_58 : i1 to i32
      %cond3A_60 = arith.constant 0 : i32
      %cond3A_61 = arith.cmpi ne, %convert_element_type3A_59, %cond3A_60 : i32
      scf.if %cond3A_61 {
        %add3A_107 = arith.constant 4 : i32
        %add3A_108 = arith.addi %add3A_52, %add3A_107 : i32
        %dma_start3A_109 = arith.constant 0 : i32
        %dma_start3A_110 = tpu.memref_slice %arg7[%add3A_108, %dma_start3A_109] : memref<80x125xi32, #tpu.memory_space<vmem>> -> memref<1x125xi32, #tpu.memory_space<vmem>>
        %dma_start3A_111 = tpu.memref_squeeze %dma_start3A_110 : memref<1x125xi32, #tpu.memory_space<vmem>> -> memref<125xi32, #tpu.memory_space<vmem>>
        %dma_start3A_112 = arith.constant 0 : i32
        %dma_start3A_113 = arith.constant 0 : i32
        %dma_start3A_114 = tpu.memref_slice %arg2[%dma_start3A_112, %dma_start3A_113] : memref<10240x32xf32, #tpu.memory_space<hbm>> -> memref<10240x32xf32, #tpu.memory_space<hbm>>
        tpu.enqueue_indirect_dma source(%dma_start3A_114 : memref<10240x32xf32, #tpu.memory_space<hbm>>) target(%arg9 : memref<125x32xf32, #tpu.memory_space<vmem>>) offsets(%dma_start3A_111 : memref<125xi32, #tpu.memory_space<vmem>>) semaphore(%arg13 : memref<!tpu.dma_semaphore, #tpu.memory_space<semaphore_mem>>)
      } else {
      }
      %mul3A_62 = arith.constant 4 : i32
      %mul3A_63 = arith.muli %add3A_48, %mul3A_62 : i32
      %add3A_64 = arith.constant 1 : i32
      %add3A_65 = arith.addi %mul3A_63, %add3A_64 : i32
      %dma_wait3A_66 = arith.constant 0 : i32
      %dma_wait3A_67 = tpu.memref_slice %arg7[%add3A_65, %dma_wait3A_66] : memref<80x125xi32, #tpu.memory_space<vmem>> -> memref<1x125xi32, #tpu.memory_space<vmem>>
      %dma_wait3A_68 = tpu.memref_squeeze %dma_wait3A_67 : memref<1x125xi32, #tpu.memory_space<vmem>> -> memref<125xi32, #tpu.memory_space<vmem>>
      %dma_wait3A_69 = arith.constant 0 : i32
      %dma_wait3A_70 = arith.constant 0 : i32
      %dma_wait3A_71 = tpu.memref_slice %arg2[%dma_wait3A_69, %dma_wait3A_70] : memref<10240x32xf32, #tpu.memory_space<hbm>> -> memref<10240x32xf32, #tpu.memory_space<hbm>>
      tpu.wait_indirect_dma semaphore(%arg14 : memref<!tpu.dma_semaphore, #tpu.memory_space<semaphore_mem>>) src(%dma_wait3A_71 : memref<10240x32xf32, #tpu.memory_space<hbm>>) dst(%arg10 : memref<125x32xf32, #tpu.memory_space<vmem>>)
      "tpu.region"() ({
        %run_scoped3A_107 = tpu.sem_alloc : memref<!tpu.dma_semaphore, #tpu.memory_space<semaphore_mem>>
        %dma_start3A_108 = arith.constant 0 : i32
        %dma_start3A_109 = tpu.memref_slice %arg8[%add3A_65, %dma_start3A_108] : memref<80x125xi32, #tpu.memory_space<vmem>> -> memref<1x125xi32, #tpu.memory_space<vmem>>
        %dma_start3A_110 = tpu.memref_squeeze %dma_start3A_109 : memref<1x125xi32, #tpu.memory_space<vmem>> -> memref<125xi32, #tpu.memory_space<vmem>>
        %dma_start3A_111 = arith.constant 0 : i32
        %dma_start3A_112 = arith.constant 0 : i32
        %dma_start3A_113 = tpu.memref_slice %arg17[%dma_start3A_111, %dma_start3A_112] : memref<10240x32xf32, #tpu.memory_space<vmem_shared>> -> memref<10240x32xf32, #tpu.memory_space<vmem_shared>>
        tpu.enqueue_indirect_dma source(%arg10 : memref<125x32xf32, #tpu.memory_space<vmem>>) target(%dma_start3A_113 : memref<10240x32xf32, #tpu.memory_space<vmem_shared>>) offsets(%dma_start3A_110 : memref<125xi32, #tpu.memory_space<vmem>>) semaphore(%run_scoped3A_107 : memref<!tpu.dma_semaphore, #tpu.memory_space<semaphore_mem>>) {add = true}
        %dma_wait3A_114 = arith.constant 0 : i32
        %dma_wait3A_115 = tpu.memref_slice %arg8[%add3A_65, %dma_wait3A_114] : memref<80x125xi32, #tpu.memory_space<vmem>> -> memref<1x125xi32, #tpu.memory_space<vmem>>
        %dma_wait3A_116 = tpu.memref_squeeze %dma_wait3A_115 : memref<1x125xi32, #tpu.memory_space<vmem>> -> memref<125xi32, #tpu.memory_space<vmem>>
        %dma_wait3A_117 = arith.constant 0 : i32
        %dma_wait3A_118 = arith.constant 0 : i32
        %dma_wait3A_119 = tpu.memref_slice %arg17[%dma_wait3A_117, %dma_wait3A_118] : memref<10240x32xf32, #tpu.memory_space<vmem_shared>> -> memref<10240x32xf32, #tpu.memory_space<vmem_shared>>
        tpu.wait_indirect_dma semaphore(%run_scoped3A_107 : memref<!tpu.dma_semaphore, #tpu.memory_space<semaphore_mem>>) src(%arg10 : memref<125x32xf32, #tpu.memory_space<vmem>>) dst(%dma_wait3A_119 : memref<10240x32xf32, #tpu.memory_space<vmem_shared>>)
        tpu.yield
      }) : () -> ()
      %lt3A_72 = arith.constant 19 : i32
      %lt3A_73 = arith.cmpi slt, %add3A_48, %lt3A_72 : i32
      %convert_element_type3A_74 = arith.extui %lt3A_73 : i1 to i32
      %cond3A_75 = arith.constant 0 : i32
      %cond3A_76 = arith.cmpi ne, %convert_element_type3A_74, %cond3A_75 : i32
      scf.if %cond3A_76 {
        %add3A_107 = arith.constant 4 : i32
        %add3A_108 = arith.addi %add3A_65, %add3A_107 : i32
        %dma_start3A_109 = arith.constant 0 : i32
        %dma_start3A_110 = tpu.memref_slice %arg7[%add3A_108, %dma_start3A_109] : memref<80x125xi32, #tpu.memory_space<vmem>> -> memref<1x125xi32, #tpu.memory_space<vmem>>
        %dma_start3A_111 = tpu.memref_squeeze %dma_start3A_110 : memref<1x125xi32, #tpu.memory_space<vmem>> -> memref<125xi32, #tpu.memory_space<vmem>>
        %dma_start3A_112 = arith.constant 0 : i32
        %dma_start3A_113 = arith.constant 0 : i32
        %dma_start3A_114 = tpu.memref_slice %arg2[%dma_start3A_112, %dma_start3A_113] : memref<10240x32xf32, #tpu.memory_space<hbm>> -> memref<10240x32xf32, #tpu.memory_space<hbm>>
        tpu.enqueue_indirect_dma source(%dma_start3A_114 : memref<10240x32xf32, #tpu.memory_space<hbm>>) target(%arg10 : memref<125x32xf32, #tpu.memory_space<vmem>>) offsets(%dma_start3A_111 : memref<125xi32, #tpu.memory_space<vmem>>) semaphore(%arg14 : memref<!tpu.dma_semaphore, #tpu.memory_space<semaphore_mem>>)
      } else {
      }
      %mul3A_77 = arith.constant 4 : i32
      %mul3A_78 = arith.muli %add3A_48, %mul3A_77 : i32
      %add3A_79 = arith.constant 2 : i32
      %add3A_80 = arith.addi %mul3A_78, %add3A_79 : i32
      %dma_wait3A_81 = arith.constant 0 : i32
      %dma_wait3A_82 = tpu.memref_slice %arg7[%add3A_80, %dma_wait3A_81] : memref<80x125xi32, #tpu.memory_space<vmem>> -> memref<1x125xi32, #tpu.memory_space<vmem>>
      %dma_wait3A_83 = tpu.memref_squeeze %dma_wait3A_82 : memref<1x125xi32, #tpu.memory_space<vmem>> -> memref<125xi32, #tpu.memory_space<vmem>>
      %dma_wait3A_84 = arith.constant 0 : i32
      %dma_wait3A_85 = arith.constant 0 : i32
      %dma_wait3A_86 = tpu.memref_slice %arg2[%dma_wait3A_84, %dma_wait3A_85] : memref<10240x32xf32, #tpu.memory_space<hbm>> -> memref<10240x32xf32, #tpu.memory_space<hbm>>
      tpu.wait_indirect_dma semaphore(%arg15 : memref<!tpu.dma_semaphore, #tpu.memory_space<semaphore_mem>>) src(%dma_wait3A_86 : memref<10240x32xf32, #tpu.memory_space<hbm>>) dst(%arg11 : memref<125x32xf32, #tpu.memory_space<vmem>>)
      "tpu.region"() ({
        %run_scoped3A_107 = tpu.sem_alloc : memref<!tpu.dma_semaphore, #tpu.memory_space<semaphore_mem>>
        %dma_start3A_108 = arith.constant 0 : i32
        %dma_start3A_109 = tpu.memref_slice %arg8[%add3A_80, %dma_start3A_108] : memref<80x125xi32, #tpu.memory_space<vmem>> -> memref<1x125xi32, #tpu.memory_space<vmem>>
        %dma_start3A_110 = tpu.memref_squeeze %dma_start3A_109 : memref<1x125xi32, #tpu.memory_space<vmem>> -> memref<125xi32, #tpu.memory_space<vmem>>
        %dma_start3A_111 = arith.constant 0 : i32
        %dma_start3A_112 = arith.constant 0 : i32
        %dma_start3A_113 = tpu.memref_slice %arg17[%dma_start3A_111, %dma_start3A_112] : memref<10240x32xf32, #tpu.memory_space<vmem_shared>> -> memref<10240x32xf32, #tpu.memory_space<vmem_shared>>
        tpu.enqueue_indirect_dma source(%arg11 : memref<125x32xf32, #tpu.memory_space<vmem>>) target(%dma_start3A_113 : memref<10240x32xf32, #tpu.memory_space<vmem_shared>>) offsets(%dma_start3A_110 : memref<125xi32, #tpu.memory_space<vmem>>) semaphore(%run_scoped3A_107 : memref<!tpu.dma_semaphore, #tpu.memory_space<semaphore_mem>>) {add = true}
        %dma_wait3A_114 = arith.constant 0 : i32
        %dma_wait3A_115 = tpu.memref_slice %arg8[%add3A_80, %dma_wait3A_114] : memref<80x125xi32, #tpu.memory_space<vmem>> -> memref<1x125xi32, #tpu.memory_space<vmem>>
        %dma_wait3A_116 = tpu.memref_squeeze %dma_wait3A_115 : memref<1x125xi32, #tpu.memory_space<vmem>> -> memref<125xi32, #tpu.memory_space<vmem>>
        %dma_wait3A_117 = arith.constant 0 : i32
        %dma_wait3A_118 = arith.constant 0 : i32
        %dma_wait3A_119 = tpu.memref_slice %arg17[%dma_wait3A_117, %dma_wait3A_118] : memref<10240x32xf32, #tpu.memory_space<vmem_shared>> -> memref<10240x32xf32, #tpu.memory_space<vmem_shared>>
        tpu.wait_indirect_dma semaphore(%run_scoped3A_107 : memref<!tpu.dma_semaphore, #tpu.memory_space<semaphore_mem>>) src(%arg11 : memref<125x32xf32, #tpu.memory_space<vmem>>) dst(%dma_wait3A_119 : memref<10240x32xf32, #tpu.memory_space<vmem_shared>>)
        tpu.yield
      }) : () -> ()
      %lt3A_87 = arith.constant 19 : i32
      %lt3A_88 = arith.cmpi slt, %add3A_48, %lt3A_87 : i32
      %convert_element_type3A_89 = arith.extui %lt3A_88 : i1 to i32
      %cond3A_90 = arith.constant 0 : i32
      %cond3A_91 = arith.cmpi ne, %convert_element_type3A_89, %cond3A_90 : i32
      scf.if %cond3A_91 {
        %add3A_107 = arith.constant 4 : i32
        %add3A_108 = arith.addi %add3A_80, %add3A_107 : i32
        %dma_start3A_109 = arith.constant 0 : i32
        %dma_start3A_110 = tpu.memref_slice %arg7[%add3A_108, %dma_start3A_109] : memref<80x125xi32, #tpu.memory_space<vmem>> -> memref<1x125xi32, #tpu.memory_space<vmem>>
        %dma_start3A_111 = tpu.memref_squeeze %dma_start3A_110 : memref<1x125xi32, #tpu.memory_space<vmem>> -> memref<125xi32, #tpu.memory_space<vmem>>
        %dma_start3A_112 = arith.constant 0 : i32
        %dma_start3A_113 = arith.constant 0 : i32
        %dma_start3A_114 = tpu.memref_slice %arg2[%dma_start3A_112, %dma_start3A_113] : memref<10240x32xf32, #tpu.memory_space<hbm>> -> memref<10240x32xf32, #tpu.memory_space<hbm>>
        tpu.enqueue_indirect_dma source(%dma_start3A_114 : memref<10240x32xf32, #tpu.memory_space<hbm>>) target(%arg11 : memref<125x32xf32, #tpu.memory_space<vmem>>) offsets(%dma_start3A_111 : memref<125xi32, #tpu.memory_space<vmem>>) semaphore(%arg15 : memref<!tpu.dma_semaphore, #tpu.memory_space<semaphore_mem>>)
      } else {
      }
      %mul3A_92 = arith.constant 4 : i32
      %mul3A_93 = arith.muli %add3A_48, %mul3A_92 : i32
      %add3A_94 = arith.constant 3 : i32
      %add3A_95 = arith.addi %mul3A_93, %add3A_94 : i32
      %dma_wait3A_96 = arith.constant 0 : i32
      %dma_wait3A_97 = tpu.memref_slice %arg7[%add3A_95, %dma_wait3A_96] : memref<80x125xi32, #tpu.memory_space<vmem>> -> memref<1x125xi32, #tpu.memory_space<vmem>>
      %dma_wait3A_98 = tpu.memref_squeeze %dma_wait3A_97 : memref<1x125xi32, #tpu.memory_space<vmem>> -> memref<125xi32, #tpu.memory_space<vmem>>
      %dma_wait3A_99 = arith.constant 0 : i32
      %dma_wait3A_100 = arith.constant 0 : i32
      %dma_wait3A_101 = tpu.memref_slice %arg2[%dma_wait3A_99, %dma_wait3A_100] : memref<10240x32xf32, #tpu.memory_space<hbm>> -> memref<10240x32xf32, #tpu.memory_space<hbm>>
      tpu.wait_indirect_dma semaphore(%arg16 : memref<!tpu.dma_semaphore, #tpu.memory_space<semaphore_mem>>) src(%dma_wait3A_101 : memref<10240x32xf32, #tpu.memory_space<hbm>>) dst(%arg12 : memref<125x32xf32, #tpu.memory_space<vmem>>)
      "tpu.region"() ({
        %run_scoped3A_107 = tpu.sem_alloc : memref<!tpu.dma_semaphore, #tpu.memory_space<semaphore_mem>>
        %dma_start3A_108 = arith.constant 0 : i32
        %dma_start3A_109 = tpu.memref_slice %arg8[%add3A_95, %dma_start3A_108] : memref<80x125xi32, #tpu.memory_space<vmem>> -> memref<1x125xi32, #tpu.memory_space<vmem>>
        %dma_start3A_110 = tpu.memref_squeeze %dma_start3A_109 : memref<1x125xi32, #tpu.memory_space<vmem>> -> memref<125xi32, #tpu.memory_space<vmem>>
        %dma_start3A_111 = arith.constant 0 : i32
        %dma_start3A_112 = arith.constant 0 : i32
        %dma_start3A_113 = tpu.memref_slice %arg17[%dma_start3A_111, %dma_start3A_112] : memref<10240x32xf32, #tpu.memory_space<vmem_shared>> -> memref<10240x32xf32, #tpu.memory_space<vmem_shared>>
        tpu.enqueue_indirect_dma source(%arg12 : memref<125x32xf32, #tpu.memory_space<vmem>>) target(%dma_start3A_113 : memref<10240x32xf32, #tpu.memory_space<vmem_shared>>) offsets(%dma_start3A_110 : memref<125xi32, #tpu.memory_space<vmem>>) semaphore(%run_scoped3A_107 : memref<!tpu.dma_semaphore, #tpu.memory_space<semaphore_mem>>) {add = true}
        %dma_wait3A_114 = arith.constant 0 : i32
        %dma_wait3A_115 = tpu.memref_slice %arg8[%add3A_95, %dma_wait3A_114] : memref<80x125xi32, #tpu.memory_space<vmem>> -> memref<1x125xi32, #tpu.memory_space<vmem>>
        %dma_wait3A_116 = tpu.memref_squeeze %dma_wait3A_115 : memref<1x125xi32, #tpu.memory_space<vmem>> -> memref<125xi32, #tpu.memory_space<vmem>>
        %dma_wait3A_117 = arith.constant 0 : i32
        %dma_wait3A_118 = arith.constant 0 : i32
        %dma_wait3A_119 = tpu.memref_slice %arg17[%dma_wait3A_117, %dma_wait3A_118] : memref<10240x32xf32, #tpu.memory_space<vmem_shared>> -> memref<10240x32xf32, #tpu.memory_space<vmem_shared>>
        tpu.wait_indirect_dma semaphore(%run_scoped3A_107 : memref<!tpu.dma_semaphore, #tpu.memory_space<semaphore_mem>>) src(%arg12 : memref<125x32xf32, #tpu.memory_space<vmem>>) dst(%dma_wait3A_119 : memref<10240x32xf32, #tpu.memory_space<vmem_shared>>)
        tpu.yield
      }) : () -> ()
      %lt3A_102 = arith.constant 19 : i32
      %lt3A_103 = arith.cmpi slt, %add3A_48, %lt3A_102 : i32
      %convert_element_type3A_104 = arith.extui %lt3A_103 : i1 to i32
      %cond3A_105 = arith.constant 0 : i32
      %cond3A_106 = arith.cmpi ne, %convert_element_type3A_104, %cond3A_105 : i32
      scf.if %cond3A_106 {
        %add3A_107 = arith.constant 4 : i32
        %add3A_108 = arith.addi %add3A_95, %add3A_107 : i32
        %dma_start3A_109 = arith.constant 0 : i32
        %dma_start3A_110 = tpu.memref_slice %arg7[%add3A_108, %dma_start3A_109] : memref<80x125xi32, #tpu.memory_space<vmem>> -> memref<1x125xi32, #tpu.memory_space<vmem>>
        %dma_start3A_111 = tpu.memref_squeeze %dma_start3A_110 : memref<1x125xi32, #tpu.memory_space<vmem>> -> memref<125xi32, #tpu.memory_space<vmem>>
        %dma_start3A_112 = arith.constant 0 : i32
        %dma_start3A_113 = arith.constant 0 : i32
        %dma_start3A_114 = tpu.memref_slice %arg2[%dma_start3A_112, %dma_start3A_113] : memref<10240x32xf32, #tpu.memory_space<hbm>> -> memref<10240x32xf32, #tpu.memory_space<hbm>>
        tpu.enqueue_indirect_dma source(%dma_start3A_114 : memref<10240x32xf32, #tpu.memory_space<hbm>>) target(%arg12 : memref<125x32xf32, #tpu.memory_space<vmem>>) offsets(%dma_start3A_111 : memref<125xi32, #tpu.memory_space<vmem>>) semaphore(%arg16 : memref<!tpu.dma_semaphore, #tpu.memory_space<semaphore_mem>>)
      } else {
      }
    }
    %scan3A_42 = arith.constant 20 : i32
    %barrier3A_43 = arith.constant 0 : index
    tpu.barrier barrier_id(%barrier3A_43)
    "tpu.region"() ({
      %run_scoped3A_44 = tpu.sem_alloc : memref<!tpu.dma_semaphore, #tpu.memory_space<semaphore_mem>>
      %dma_start3A_45 = arith.constant 0 : i32
      %dma_start3A_46 = tpu.memref_slice %arg6[%arg0, %mul3A_0, %dma_start3A_45] : memref<2x10240x32xf32, #tpu.memory_space<hbm>> -> memref<1x640x32xf32, #tpu.memory_space<hbm>>
      %dma_start3A_47 = tpu.memref_squeeze %dma_start3A_46 : memref<1x640x32xf32, #tpu.memory_space<hbm>> -> memref<640x32xf32, #tpu.memory_space<hbm>>
      %dma_start3A_48 = arith.constant 0 : i32
      %dma_start3A_49 = tpu.memref_slice %arg17[%mul3A_0, %dma_start3A_48] : memref<10240x32xf32, #tpu.memory_space<vmem_shared>> -> memref<640x32xf32, #tpu.memory_space<vmem_shared>>
      tpu.enqueue_dma source(%dma_start3A_49 : memref<640x32xf32, #tpu.memory_space<vmem_shared>>) target(%dma_start3A_47 : memref<640x32xf32, #tpu.memory_space<hbm>>) target_semaphore(%run_scoped3A_44 : memref<!tpu.dma_semaphore, #tpu.memory_space<semaphore_mem>>)
      %dma_wait3A = arith.constant 0 : i32
      %dma_wait3A_50 = tpu.memref_slice %arg6[%arg0, %mul3A_0, %dma_wait3A] : memref<2x10240x32xf32, #tpu.memory_space<hbm>> -> memref<1x640x32xf32, #tpu.memory_space<hbm>>
      %dma_wait3A_51 = tpu.memref_squeeze %dma_wait3A_50 : memref<1x640x32xf32, #tpu.memory_space<hbm>> -> memref<640x32xf32, #tpu.memory_space<hbm>>
      %dma_wait3A_52 = arith.constant 0 : i32
      %dma_wait3A_53 = tpu.memref_slice %arg17[%mul3A_0, %dma_wait3A_52] : memref<10240x32xf32, #tpu.memory_space<vmem_shared>> -> memref<640x32xf32, #tpu.memory_space<vmem_shared>>
      tpu.wait_dma2 semaphore(%run_scoped3A_44 : memref<!tpu.dma_semaphore, #tpu.memory_space<semaphore_mem>>) src(%dma_wait3A_53 : memref<640x32xf32, #tpu.memory_space<vmem_shared>>) dst(%dma_wait3A_51 : memref<640x32xf32, #tpu.memory_space<hbm>>)
      tpu.yield
    }) : () -> ()
    return
  }
}

#map = affine_map<(d0, d1) -> (0, 0)>
#map1 = affine_map<(d0, d1) -> (0, 0, 0)>
module attributes {stable_mosaic.version = 14 : i64} {
  func.func @_segsum_sc_body(%arg0: i32, %arg1: i32, %arg2: memref<10240x32xf32, #tpu.memory_space<hbm>>, %arg3: memref<2x2560x125xi32, #tpu.memory_space<hbm>>, %arg4: memref<10240x32xf32, #tpu.memory_space<hbm>>, %arg5: memref<10240x32xf32, #tpu.memory_space<hbm>>, %arg6: memref<2x10240x32xf32, #tpu.memory_space<hbm>>, %arg7: memref<80x125xi32, #tpu.memory_space<vmem>>, %arg8: memref<80x125xi32, #tpu.memory_space<vmem>>, %arg9: memref<125x32xf32, #tpu.memory_space<vmem>>, %arg10: memref<125x32xf32, #tpu.memory_space<vmem>>, %arg11: memref<125x32xf32, #tpu.memory_space<vmem>>, %arg12: memref<125x32xf32, #tpu.memory_space<vmem>>, %arg13: memref<!tpu.dma_semaphore, #tpu.memory_space<semaphore_mem>>, %arg14: memref<!tpu.dma_semaphore, #tpu.memory_space<semaphore_mem>>, %arg15: memref<!tpu.dma_semaphore, #tpu.memory_space<semaphore_mem>>, %arg16: memref<!tpu.dma_semaphore, #tpu.memory_space<semaphore_mem>>, %arg17: memref<10240x32xf32, #tpu.memory_space<vmem_shared>>) attributes {dimension_semantics = [#tpu.dimension_semantics<core_parallel>, #tpu.dimension_semantics<subcore_parallel>], iteration_bounds = array<i64: 2, 16>, scalar_prefetch = 0 : i64, scratch_operands = 11 : i64, tpu.core_type = #tpu.core_type<sc_vector_subcore>, window_params = [{transform_indices = #map}, {transform_indices = #map1}, {transform_indices = #map}, {transform_indices = #map}, {transform_indices = #map1}]} {
    %mul3A = arith.constant 640 : i32
    %mul3A_0 = arith.muli %arg1, %mul3A : i32
    %eq3A = arith.constant 0 : i32
    %eq3A_1 = arith.cmpi eq, %arg0, %eq3A : i32
    %convert_element_type3A = arith.extui %eq3A_1 : i1 to i32
    %cond3A = arith.constant 0 : i32
    %cond3A_2 = arith.cmpi ne, %convert_element_type3A, %cond3A : i32
    scf.if %cond3A_2 {
      "tpu.region"() ({
        %run_scoped3A_44 = tpu.sem_alloc : memref<!tpu.dma_semaphore, #tpu.memory_space<semaphore_mem>>
        %dma_start3A_45 = arith.constant 0 : i32
        %dma_start3A_46 = tpu.memref_slice %arg17[%mul3A_0, %dma_start3A_45] : memref<10240x32xf32, #tpu.memory_space<vmem_shared>> -> memref<640x32xf32, #tpu.memory_space<vmem_shared>>
        %dma_start3A_47 = arith.constant 0 : i32
        %dma_start3A_48 = tpu.memref_slice %arg4[%mul3A_0, %dma_start3A_47] : memref<10240x32xf32, #tpu.memory_space<hbm>> -> memref<640x32xf32, #tpu.memory_space<hbm>>
        tpu.enqueue_dma source(%dma_start3A_48 : memref<640x32xf32, #tpu.memory_space<hbm>>) target(%dma_start3A_46 : memref<640x32xf32, #tpu.memory_space<vmem_shared>>) target_semaphore(%run_scoped3A_44 : memref<!tpu.dma_semaphore, #tpu.memory_space<semaphore_mem>>)
        %dma_wait3A = arith.constant 0 : i32
        %dma_wait3A_49 = tpu.memref_slice %arg17[%mul3A_0, %dma_wait3A] : memref<10240x32xf32, #tpu.memory_space<vmem_shared>> -> memref<640x32xf32, #tpu.memory_space<vmem_shared>>
        %dma_wait3A_50 = arith.constant 0 : i32
        %dma_wait3A_51 = tpu.memref_slice %arg4[%mul3A_0, %dma_wait3A_50] : memref<10240x32xf32, #tpu.memory_space<hbm>> -> memref<640x32xf32, #tpu.memory_space<hbm>>
        tpu.wait_dma2 semaphore(%run_scoped3A_44 : memref<!tpu.dma_semaphore, #tpu.memory_space<semaphore_mem>>) src(%dma_wait3A_51 : memref<640x32xf32, #tpu.memory_space<hbm>>) dst(%dma_wait3A_49 : memref<640x32xf32, #tpu.memory_space<vmem_shared>>)
        tpu.yield
      }) : () -> ()
    } else {
    }
    %ne3A = arith.constant 0 : i32
    %ne3A_3 = arith.cmpi ne, %arg0, %ne3A : i32
    %convert_element_type3A_4 = arith.extui %ne3A_3 : i1 to i32
    %cond3A_5 = arith.constant 0 : i32
    %cond3A_6 = arith.cmpi ne, %convert_element_type3A_4, %cond3A_5 : i32
    scf.if %cond3A_6 {
      "tpu.region"() ({
        %run_scoped3A_44 = tpu.sem_alloc : memref<!tpu.dma_semaphore, #tpu.memory_space<semaphore_mem>>
        %dma_start3A_45 = arith.constant 0 : i32
        %dma_start3A_46 = tpu.memref_slice %arg17[%mul3A_0, %dma_start3A_45] : memref<10240x32xf32, #tpu.memory_space<vmem_shared>> -> memref<640x32xf32, #tpu.memory_space<vmem_shared>>
        %dma_start3A_47 = arith.constant 0 : i32
        %dma_start3A_48 = tpu.memref_slice %arg5[%mul3A_0, %dma_start3A_47] : memref<10240x32xf32, #tpu.memory_space<hbm>> -> memref<640x32xf32, #tpu.memory_space<hbm>>
        tpu.enqueue_dma source(%dma_start3A_48 : memref<640x32xf32, #tpu.memory_space<hbm>>) target(%dma_start3A_46 : memref<640x32xf32, #tpu.memory_space<vmem_shared>>) target_semaphore(%run_scoped3A_44 : memref<!tpu.dma_semaphore, #tpu.memory_space<semaphore_mem>>)
        %dma_wait3A = arith.constant 0 : i32
        %dma_wait3A_49 = tpu.memref_slice %arg17[%mul3A_0, %dma_wait3A] : memref<10240x32xf32, #tpu.memory_space<vmem_shared>> -> memref<640x32xf32, #tpu.memory_space<vmem_shared>>
        %dma_wait3A_50 = arith.constant 0 : i32
        %dma_wait3A_51 = tpu.memref_slice %arg5[%mul3A_0, %dma_wait3A_50] : memref<10240x32xf32, #tpu.memory_space<hbm>> -> memref<640x32xf32, #tpu.memory_space<hbm>>
        tpu.wait_dma2 semaphore(%run_scoped3A_44 : memref<!tpu.dma_semaphore, #tpu.memory_space<semaphore_mem>>) src(%dma_wait3A_51 : memref<640x32xf32, #tpu.memory_space<hbm>>) dst(%dma_wait3A_49 : memref<640x32xf32, #tpu.memory_space<vmem_shared>>)
        tpu.yield
      }) : () -> ()
    } else {
    }
    %mul3A_7 = arith.constant 16 : i32
    %mul3A_8 = arith.muli %arg0, %mul3A_7 : i32
    %add3A = arith.addi %mul3A_8, %arg1 : i32
    %mul3A_9 = arith.constant 80 : i32
    %mul3A_10 = arith.muli %add3A, %mul3A_9 : i32
    %run_scoped3A = arith.constant 0 : i32
    "tpu.region"() ({
      %run_scoped3A_44 = tpu.sem_alloc : memref<!tpu.dma_semaphore, #tpu.memory_space<semaphore_mem>>
      %dma_start3A_45 = arith.constant 0 : i32
      %dma_start3A_46 = tpu.memref_slice %arg3[%run_scoped3A, %mul3A_10, %dma_start3A_45] : memref<2x2560x125xi32, #tpu.memory_space<hbm>> -> memref<1x80x125xi32, #tpu.memory_space<hbm>>
      %dma_start3A_47 = tpu.memref_squeeze %dma_start3A_46 : memref<1x80x125xi32, #tpu.memory_space<hbm>> -> memref<80x125xi32, #tpu.memory_space<hbm>>
      %dma_start3A_48 = arith.constant 0 : i32
      %dma_start3A_49 = tpu.memref_slice %arg3[%run_scoped3A, %mul3A_10, %dma_start3A_48] : memref<2x2560x125xi32, #tpu.memory_space<hbm>> -> memref<1x80x125xi32, #tpu.memory_space<hbm>>
      %dma_start3A_50 = tpu.memref_squeeze %dma_start3A_49 : memref<1x80x125xi32, #tpu.memory_space<hbm>> -> memref<80x125xi32, #tpu.memory_space<hbm>>
      tpu.enqueue_dma source(%dma_start3A_50 : memref<80x125xi32, #tpu.memory_space<hbm>>) target(%arg7 : memref<80x125xi32, #tpu.memory_space<vmem>>) target_semaphore(%run_scoped3A_44 : memref<!tpu.dma_semaphore, #tpu.memory_space<semaphore_mem>>)
      %dma_wait3A = arith.constant 0 : i32
      %dma_wait3A_51 = tpu.memref_slice %arg3[%run_scoped3A, %mul3A_10, %dma_wait3A] : memref<2x2560x125xi32, #tpu.memory_space<hbm>> -> memref<1x80x125xi32, #tpu.memory_space<hbm>>
      %dma_wait3A_52 = tpu.memref_squeeze %dma_wait3A_51 : memref<1x80x125xi32, #tpu.memory_space<hbm>> -> memref<80x125xi32, #tpu.memory_space<hbm>>
      %dma_wait3A_53 = arith.constant 0 : i32
      %dma_wait3A_54 = tpu.memref_slice %arg3[%run_scoped3A, %mul3A_10, %dma_wait3A_53] : memref<2x2560x125xi32, #tpu.memory_space<hbm>> -> memref<1x80x125xi32, #tpu.memory_space<hbm>>
      %dma_wait3A_55 = tpu.memref_squeeze %dma_wait3A_54 : memref<1x80x125xi32, #tpu.memory_space<hbm>> -> memref<80x125xi32, #tpu.memory_space<hbm>>
      tpu.wait_dma2 semaphore(%run_scoped3A_44 : memref<!tpu.dma_semaphore, #tpu.memory_space<semaphore_mem>>) src(%dma_wait3A_55 : memref<80x125xi32, #tpu.memory_space<hbm>>) dst(%arg7 : memref<80x125xi32, #tpu.memory_space<vmem>>)
      tpu.yield
    }) : () -> ()
    %run_scoped3A_11 = arith.constant 1 : i32
    "tpu.region"() ({
      %run_scoped3A_44 = tpu.sem_alloc : memref<!tpu.dma_semaphore, #tpu.memory_space<semaphore_mem>>
      %dma_start3A_45 = arith.constant 0 : i32
      %dma_start3A_46 = tpu.memref_slice %arg3[%run_scoped3A_11, %mul3A_10, %dma_start3A_45] : memref<2x2560x125xi32, #tpu.memory_space<hbm>> -> memref<1x80x125xi32, #tpu.memory_space<hbm>>
      %dma_start3A_47 = tpu.memref_squeeze %dma_start3A_46 : memref<1x80x125xi32, #tpu.memory_space<hbm>> -> memref<80x125xi32, #tpu.memory_space<hbm>>
      %dma_start3A_48 = arith.constant 0 : i32
      %dma_start3A_49 = tpu.memref_slice %arg3[%run_scoped3A_11, %mul3A_10, %dma_start3A_48] : memref<2x2560x125xi32, #tpu.memory_space<hbm>> -> memref<1x80x125xi32, #tpu.memory_space<hbm>>
      %dma_start3A_50 = tpu.memref_squeeze %dma_start3A_49 : memref<1x80x125xi32, #tpu.memory_space<hbm>> -> memref<80x125xi32, #tpu.memory_space<hbm>>
      tpu.enqueue_dma source(%dma_start3A_50 : memref<80x125xi32, #tpu.memory_space<hbm>>) target(%arg8 : memref<80x125xi32, #tpu.memory_space<vmem>>) target_semaphore(%run_scoped3A_44 : memref<!tpu.dma_semaphore, #tpu.memory_space<semaphore_mem>>)
      %dma_wait3A = arith.constant 0 : i32
      %dma_wait3A_51 = tpu.memref_slice %arg3[%run_scoped3A_11, %mul3A_10, %dma_wait3A] : memref<2x2560x125xi32, #tpu.memory_space<hbm>> -> memref<1x80x125xi32, #tpu.memory_space<hbm>>
      %dma_wait3A_52 = tpu.memref_squeeze %dma_wait3A_51 : memref<1x80x125xi32, #tpu.memory_space<hbm>> -> memref<80x125xi32, #tpu.memory_space<hbm>>
      %dma_wait3A_53 = arith.constant 0 : i32
      %dma_wait3A_54 = tpu.memref_slice %arg3[%run_scoped3A_11, %mul3A_10, %dma_wait3A_53] : memref<2x2560x125xi32, #tpu.memory_space<hbm>> -> memref<1x80x125xi32, #tpu.memory_space<hbm>>
      %dma_wait3A_55 = tpu.memref_squeeze %dma_wait3A_54 : memref<1x80x125xi32, #tpu.memory_space<hbm>> -> memref<80x125xi32, #tpu.memory_space<hbm>>
      tpu.wait_dma2 semaphore(%run_scoped3A_44 : memref<!tpu.dma_semaphore, #tpu.memory_space<semaphore_mem>>) src(%dma_wait3A_55 : memref<80x125xi32, #tpu.memory_space<hbm>>) dst(%arg8 : memref<80x125xi32, #tpu.memory_space<vmem>>)
      tpu.yield
    }) : () -> ()
    %barrier3A = arith.constant 0 : index
    tpu.barrier barrier_id(%barrier3A)
    %dma_start3A = arith.constant 0 : i32
    %dma_start3A_12 = arith.constant 0 : i32
    %dma_start3A_13 = tpu.memref_slice %arg7[%dma_start3A, %dma_start3A_12] : memref<80x125xi32, #tpu.memory_space<vmem>> -> memref<1x125xi32, #tpu.memory_space<vmem>>
    %dma_start3A_14 = tpu.memref_squeeze %dma_start3A_13 : memref<1x125xi32, #tpu.memory_space<vmem>> -> memref<125xi32, #tpu.memory_space<vmem>>
    %dma_start3A_15 = arith.constant 0 : i32
    %dma_start3A_16 = arith.constant 0 : i32
    %dma_start3A_17 = tpu.memref_slice %arg2[%dma_start3A_15, %dma_start3A_16] : memref<10240x32xf32, #tpu.memory_space<hbm>> -> memref<10240x32xf32, #tpu.memory_space<hbm>>
    tpu.enqueue_indirect_dma source(%dma_start3A_17 : memref<10240x32xf32, #tpu.memory_space<hbm>>) target(%arg9 : memref<125x32xf32, #tpu.memory_space<vmem>>) offsets(%dma_start3A_14 : memref<125xi32, #tpu.memory_space<vmem>>) semaphore(%arg13 : memref<!tpu.dma_semaphore, #tpu.memory_space<semaphore_mem>>)
    %dma_start3A_18 = arith.constant 1 : i32
    %dma_start3A_19 = arith.constant 0 : i32
    %dma_start3A_20 = tpu.memref_slice %arg7[%dma_start3A_18, %dma_start3A_19] : memref<80x125xi32, #tpu.memory_space<vmem>> -> memref<1x125xi32, #tpu.memory_space<vmem>>
    %dma_start3A_21 = tpu.memref_squeeze %dma_start3A_20 : memref<1x125xi32, #tpu.memory_space<vmem>> -> memref<125xi32, #tpu.memory_space<vmem>>
    %dma_start3A_22 = arith.constant 0 : i32
    %dma_start3A_23 = arith.constant 0 : i32
    %dma_start3A_24 = tpu.memref_slice %arg2[%dma_start3A_22, %dma_start3A_23] : memref<10240x32xf32, #tpu.memory_space<hbm>> -> memref<10240x32xf32, #tpu.memory_space<hbm>>
    tpu.enqueue_indirect_dma source(%dma_start3A_24 : memref<10240x32xf32, #tpu.memory_space<hbm>>) target(%arg10 : memref<125x32xf32, #tpu.memory_space<vmem>>) offsets(%dma_start3A_21 : memref<125xi32, #tpu.memory_space<vmem>>) semaphore(%arg14 : memref<!tpu.dma_semaphore, #tpu.memory_space<semaphore_mem>>)
    %dma_start3A_25 = arith.constant 2 : i32
    %dma_start3A_26 = arith.constant 0 : i32
    %dma_start3A_27 = tpu.memref_slice %arg7[%dma_start3A_25, %dma_start3A_26] : memref<80x125xi32, #tpu.memory_space<vmem>> -> memref<1x125xi32, #tpu.memory_space<vmem>>
    %dma_start3A_28 = tpu.memref_squeeze %dma_start3A_27 : memref<1x125xi32, #tpu.memory_space<vmem>> -> memref<125xi32, #tpu.memory_space<vmem>>
    %dma_start3A_29 = arith.constant 0 : i32
    %dma_start3A_30 = arith.constant 0 : i32
    %dma_start3A_31 = tpu.memref_slice %arg2[%dma_start3A_29, %dma_start3A_30] : memref<10240x32xf32, #tpu.memory_space<hbm>> -> memref<10240x32xf32, #tpu.memory_space<hbm>>
    tpu.enqueue_indirect_dma source(%dma_start3A_31 : memref<10240x32xf32, #tpu.memory_space<hbm>>) target(%arg11 : memref<125x32xf32, #tpu.memory_space<vmem>>) offsets(%dma_start3A_28 : memref<125xi32, #tpu.memory_space<vmem>>) semaphore(%arg15 : memref<!tpu.dma_semaphore, #tpu.memory_space<semaphore_mem>>)
    %dma_start3A_32 = arith.constant 3 : i32
    %dma_start3A_33 = arith.constant 0 : i32
    %dma_start3A_34 = tpu.memref_slice %arg7[%dma_start3A_32, %dma_start3A_33] : memref<80x125xi32, #tpu.memory_space<vmem>> -> memref<1x125xi32, #tpu.memory_space<vmem>>
    %dma_start3A_35 = tpu.memref_squeeze %dma_start3A_34 : memref<1x125xi32, #tpu.memory_space<vmem>> -> memref<125xi32, #tpu.memory_space<vmem>>
    %dma_start3A_36 = arith.constant 0 : i32
    %dma_start3A_37 = arith.constant 0 : i32
    %dma_start3A_38 = tpu.memref_slice %arg2[%dma_start3A_36, %dma_start3A_37] : memref<10240x32xf32, #tpu.memory_space<hbm>> -> memref<10240x32xf32, #tpu.memory_space<hbm>>
    tpu.enqueue_indirect_dma source(%dma_start3A_38 : memref<10240x32xf32, #tpu.memory_space<hbm>>) target(%arg12 : memref<125x32xf32, #tpu.memory_space<vmem>>) offsets(%dma_start3A_35 : memref<125xi32, #tpu.memory_space<vmem>>) semaphore(%arg16 : memref<!tpu.dma_semaphore, #tpu.memory_space<semaphore_mem>>)
    %scan3A = arith.constant 0 : i32
    %scan3A_39 = arith.constant 20 : i32
    %scan3A_40 = arith.addi %scan3A, %scan3A_39 : i32
    %scan3A_41 = arith.constant 1 : i32
    scf.for %scan3A_44 = %scan3A to %scan3A_40 step %scan3A_41  : i32 {
      %mul3A_45 = arith.constant 1 : i32
      %mul3A_46 = arith.muli %scan3A_44, %mul3A_45 : i32
      %add3A_47 = arith.constant 0 : i32
      %add3A_48 = arith.addi %add3A_47, %mul3A_46 : i32
      %mul3A_49 = arith.constant 4 : i32
      %mul3A_50 = arith.muli %add3A_48, %mul3A_49 : i32
      %add3A_51 = arith.constant 0 : i32
      %add3A_52 = arith.addi %mul3A_50, %add3A_51 : i32
      %dma_wait3A = arith.constant 0 : i32
      %dma_wait3A_53 = tpu.memref_slice %arg7[%add3A_52, %dma_wait3A] : memref<80x125xi32, #tpu.memory_space<vmem>> -> memref<1x125xi32, #tpu.memory_space<vmem>>
      %dma_wait3A_54 = tpu.memref_squeeze %dma_wait3A_53 : memref<1x125xi32, #tpu.memory_space<vmem>> -> memref<125xi32, #tpu.memory_space<vmem>>
      %dma_wait3A_55 = arith.constant 0 : i32
      %dma_wait3A_56 = arith.constant 0 : i32
      %dma_wait3A_57 = tpu.memref_slice %arg2[%dma_wait3A_55, %dma_wait3A_56] : memref<10240x32xf32, #tpu.memory_space<hbm>> -> memref<10240x32xf32, #tpu.memory_space<hbm>>
      tpu.wait_indirect_dma semaphore(%arg13 : memref<!tpu.dma_semaphore, #tpu.memory_space<semaphore_mem>>) src(%dma_wait3A_57 : memref<10240x32xf32, #tpu.memory_space<hbm>>) dst(%arg9 : memref<125x32xf32, #tpu.memory_space<vmem>>)
      "tpu.region"() ({
        %run_scoped3A_107 = tpu.sem_alloc : memref<!tpu.dma_semaphore, #tpu.memory_space<semaphore_mem>>
        %dma_start3A_108 = arith.constant 0 : i32
        %dma_start3A_109 = tpu.memref_slice %arg8[%add3A_52, %dma_start3A_108] : memref<80x125xi32, #tpu.memory_space<vmem>> -> memref<1x125xi32, #tpu.memory_space<vmem>>
        %dma_start3A_110 = tpu.memref_squeeze %dma_start3A_109 : memref<1x125xi32, #tpu.memory_space<vmem>> -> memref<125xi32, #tpu.memory_space<vmem>>
        %dma_start3A_111 = arith.constant 0 : i32
        %dma_start3A_112 = arith.constant 0 : i32
        %dma_start3A_113 = tpu.memref_slice %arg17[%dma_start3A_111, %dma_start3A_112] : memref<10240x32xf32, #tpu.memory_space<vmem_shared>> -> memref<10240x32xf32, #tpu.memory_space<vmem_shared>>
        tpu.enqueue_indirect_dma source(%arg9 : memref<125x32xf32, #tpu.memory_space<vmem>>) target(%dma_start3A_113 : memref<10240x32xf32, #tpu.memory_space<vmem_shared>>) offsets(%dma_start3A_110 : memref<125xi32, #tpu.memory_space<vmem>>) semaphore(%run_scoped3A_107 : memref<!tpu.dma_semaphore, #tpu.memory_space<semaphore_mem>>) {add = true}
        %dma_wait3A_114 = arith.constant 0 : i32
        %dma_wait3A_115 = tpu.memref_slice %arg8[%add3A_52, %dma_wait3A_114] : memref<80x125xi32, #tpu.memory_space<vmem>> -> memref<1x125xi32, #tpu.memory_space<vmem>>
        %dma_wait3A_116 = tpu.memref_squeeze %dma_wait3A_115 : memref<1x125xi32, #tpu.memory_space<vmem>> -> memref<125xi32, #tpu.memory_space<vmem>>
        %dma_wait3A_117 = arith.constant 0 : i32
        %dma_wait3A_118 = arith.constant 0 : i32
        %dma_wait3A_119 = tpu.memref_slice %arg17[%dma_wait3A_117, %dma_wait3A_118] : memref<10240x32xf32, #tpu.memory_space<vmem_shared>> -> memref<10240x32xf32, #tpu.memory_space<vmem_shared>>
        tpu.wait_indirect_dma semaphore(%run_scoped3A_107 : memref<!tpu.dma_semaphore, #tpu.memory_space<semaphore_mem>>) src(%arg9 : memref<125x32xf32, #tpu.memory_space<vmem>>) dst(%dma_wait3A_119 : memref<10240x32xf32, #tpu.memory_space<vmem_shared>>)
        tpu.yield
      }) : () -> ()
      %lt3A = arith.constant 19 : i32
      %lt3A_58 = arith.cmpi slt, %add3A_48, %lt3A : i32
      %convert_element_type3A_59 = arith.extui %lt3A_58 : i1 to i32
      %cond3A_60 = arith.constant 0 : i32
      %cond3A_61 = arith.cmpi ne, %convert_element_type3A_59, %cond3A_60 : i32
      scf.if %cond3A_61 {
        %add3A_107 = arith.constant 4 : i32
        %add3A_108 = arith.addi %add3A_52, %add3A_107 : i32
        %dma_start3A_109 = arith.constant 0 : i32
        %dma_start3A_110 = tpu.memref_slice %arg7[%add3A_108, %dma_start3A_109] : memref<80x125xi32, #tpu.memory_space<vmem>> -> memref<1x125xi32, #tpu.memory_space<vmem>>
        %dma_start3A_111 = tpu.memref_squeeze %dma_start3A_110 : memref<1x125xi32, #tpu.memory_space<vmem>> -> memref<125xi32, #tpu.memory_space<vmem>>
        %dma_start3A_112 = arith.constant 0 : i32
        %dma_start3A_113 = arith.constant 0 : i32
        %dma_start3A_114 = tpu.memref_slice %arg2[%dma_start3A_112, %dma_start3A_113] : memref<10240x32xf32, #tpu.memory_space<hbm>> -> memref<10240x32xf32, #tpu.memory_space<hbm>>
        tpu.enqueue_indirect_dma source(%dma_start3A_114 : memref<10240x32xf32, #tpu.memory_space<hbm>>) target(%arg9 : memref<125x32xf32, #tpu.memory_space<vmem>>) offsets(%dma_start3A_111 : memref<125xi32, #tpu.memory_space<vmem>>) semaphore(%arg13 : memref<!tpu.dma_semaphore, #tpu.memory_space<semaphore_mem>>)
      } else {
      }
      %mul3A_62 = arith.constant 4 : i32
      %mul3A_63 = arith.muli %add3A_48, %mul3A_62 : i32
      %add3A_64 = arith.constant 1 : i32
      %add3A_65 = arith.addi %mul3A_63, %add3A_64 : i32
      %dma_wait3A_66 = arith.constant 0 : i32
      %dma_wait3A_67 = tpu.memref_slice %arg7[%add3A_65, %dma_wait3A_66] : memref<80x125xi32, #tpu.memory_space<vmem>> -> memref<1x125xi32, #tpu.memory_space<vmem>>
      %dma_wait3A_68 = tpu.memref_squeeze %dma_wait3A_67 : memref<1x125xi32, #tpu.memory_space<vmem>> -> memref<125xi32, #tpu.memory_space<vmem>>
      %dma_wait3A_69 = arith.constant 0 : i32
      %dma_wait3A_70 = arith.constant 0 : i32
      %dma_wait3A_71 = tpu.memref_slice %arg2[%dma_wait3A_69, %dma_wait3A_70] : memref<10240x32xf32, #tpu.memory_space<hbm>> -> memref<10240x32xf32, #tpu.memory_space<hbm>>
      tpu.wait_indirect_dma semaphore(%arg14 : memref<!tpu.dma_semaphore, #tpu.memory_space<semaphore_mem>>) src(%dma_wait3A_71 : memref<10240x32xf32, #tpu.memory_space<hbm>>) dst(%arg10 : memref<125x32xf32, #tpu.memory_space<vmem>>)
      "tpu.region"() ({
        %run_scoped3A_107 = tpu.sem_alloc : memref<!tpu.dma_semaphore, #tpu.memory_space<semaphore_mem>>
        %dma_start3A_108 = arith.constant 0 : i32
        %dma_start3A_109 = tpu.memref_slice %arg8[%add3A_65, %dma_start3A_108] : memref<80x125xi32, #tpu.memory_space<vmem>> -> memref<1x125xi32, #tpu.memory_space<vmem>>
        %dma_start3A_110 = tpu.memref_squeeze %dma_start3A_109 : memref<1x125xi32, #tpu.memory_space<vmem>> -> memref<125xi32, #tpu.memory_space<vmem>>
        %dma_start3A_111 = arith.constant 0 : i32
        %dma_start3A_112 = arith.constant 0 : i32
        %dma_start3A_113 = tpu.memref_slice %arg17[%dma_start3A_111, %dma_start3A_112] : memref<10240x32xf32, #tpu.memory_space<vmem_shared>> -> memref<10240x32xf32, #tpu.memory_space<vmem_shared>>
        tpu.enqueue_indirect_dma source(%arg10 : memref<125x32xf32, #tpu.memory_space<vmem>>) target(%dma_start3A_113 : memref<10240x32xf32, #tpu.memory_space<vmem_shared>>) offsets(%dma_start3A_110 : memref<125xi32, #tpu.memory_space<vmem>>) semaphore(%run_scoped3A_107 : memref<!tpu.dma_semaphore, #tpu.memory_space<semaphore_mem>>) {add = true}
        %dma_wait3A_114 = arith.constant 0 : i32
        %dma_wait3A_115 = tpu.memref_slice %arg8[%add3A_65, %dma_wait3A_114] : memref<80x125xi32, #tpu.memory_space<vmem>> -> memref<1x125xi32, #tpu.memory_space<vmem>>
        %dma_wait3A_116 = tpu.memref_squeeze %dma_wait3A_115 : memref<1x125xi32, #tpu.memory_space<vmem>> -> memref<125xi32, #tpu.memory_space<vmem>>
        %dma_wait3A_117 = arith.constant 0 : i32
        %dma_wait3A_118 = arith.constant 0 : i32
        %dma_wait3A_119 = tpu.memref_slice %arg17[%dma_wait3A_117, %dma_wait3A_118] : memref<10240x32xf32, #tpu.memory_space<vmem_shared>> -> memref<10240x32xf32, #tpu.memory_space<vmem_shared>>
        tpu.wait_indirect_dma semaphore(%run_scoped3A_107 : memref<!tpu.dma_semaphore, #tpu.memory_space<semaphore_mem>>) src(%arg10 : memref<125x32xf32, #tpu.memory_space<vmem>>) dst(%dma_wait3A_119 : memref<10240x32xf32, #tpu.memory_space<vmem_shared>>)
        tpu.yield
      }) : () -> ()
      %lt3A_72 = arith.constant 19 : i32
      %lt3A_73 = arith.cmpi slt, %add3A_48, %lt3A_72 : i32
      %convert_element_type3A_74 = arith.extui %lt3A_73 : i1 to i32
      %cond3A_75 = arith.constant 0 : i32
      %cond3A_76 = arith.cmpi ne, %convert_element_type3A_74, %cond3A_75 : i32
      scf.if %cond3A_76 {
        %add3A_107 = arith.constant 4 : i32
        %add3A_108 = arith.addi %add3A_65, %add3A_107 : i32
        %dma_start3A_109 = arith.constant 0 : i32
        %dma_start3A_110 = tpu.memref_slice %arg7[%add3A_108, %dma_start3A_109] : memref<80x125xi32, #tpu.memory_space<vmem>> -> memref<1x125xi32, #tpu.memory_space<vmem>>
        %dma_start3A_111 = tpu.memref_squeeze %dma_start3A_110 : memref<1x125xi32, #tpu.memory_space<vmem>> -> memref<125xi32, #tpu.memory_space<vmem>>
        %dma_start3A_112 = arith.constant 0 : i32
        %dma_start3A_113 = arith.constant 0 : i32
        %dma_start3A_114 = tpu.memref_slice %arg2[%dma_start3A_112, %dma_start3A_113] : memref<10240x32xf32, #tpu.memory_space<hbm>> -> memref<10240x32xf32, #tpu.memory_space<hbm>>
        tpu.enqueue_indirect_dma source(%dma_start3A_114 : memref<10240x32xf32, #tpu.memory_space<hbm>>) target(%arg10 : memref<125x32xf32, #tpu.memory_space<vmem>>) offsets(%dma_start3A_111 : memref<125xi32, #tpu.memory_space<vmem>>) semaphore(%arg14 : memref<!tpu.dma_semaphore, #tpu.memory_space<semaphore_mem>>)
      } else {
      }
      %mul3A_77 = arith.constant 4 : i32
      %mul3A_78 = arith.muli %add3A_48, %mul3A_77 : i32
      %add3A_79 = arith.constant 2 : i32
      %add3A_80 = arith.addi %mul3A_78, %add3A_79 : i32
      %dma_wait3A_81 = arith.constant 0 : i32
      %dma_wait3A_82 = tpu.memref_slice %arg7[%add3A_80, %dma_wait3A_81] : memref<80x125xi32, #tpu.memory_space<vmem>> -> memref<1x125xi32, #tpu.memory_space<vmem>>
      %dma_wait3A_83 = tpu.memref_squeeze %dma_wait3A_82 : memref<1x125xi32, #tpu.memory_space<vmem>> -> memref<125xi32, #tpu.memory_space<vmem>>
      %dma_wait3A_84 = arith.constant 0 : i32
      %dma_wait3A_85 = arith.constant 0 : i32
      %dma_wait3A_86 = tpu.memref_slice %arg2[%dma_wait3A_84, %dma_wait3A_85] : memref<10240x32xf32, #tpu.memory_space<hbm>> -> memref<10240x32xf32, #tpu.memory_space<hbm>>
      tpu.wait_indirect_dma semaphore(%arg15 : memref<!tpu.dma_semaphore, #tpu.memory_space<semaphore_mem>>) src(%dma_wait3A_86 : memref<10240x32xf32, #tpu.memory_space<hbm>>) dst(%arg11 : memref<125x32xf32, #tpu.memory_space<vmem>>)
      "tpu.region"() ({
        %run_scoped3A_107 = tpu.sem_alloc : memref<!tpu.dma_semaphore, #tpu.memory_space<semaphore_mem>>
        %dma_start3A_108 = arith.constant 0 : i32
        %dma_start3A_109 = tpu.memref_slice %arg8[%add3A_80, %dma_start3A_108] : memref<80x125xi32, #tpu.memory_space<vmem>> -> memref<1x125xi32, #tpu.memory_space<vmem>>
        %dma_start3A_110 = tpu.memref_squeeze %dma_start3A_109 : memref<1x125xi32, #tpu.memory_space<vmem>> -> memref<125xi32, #tpu.memory_space<vmem>>
        %dma_start3A_111 = arith.constant 0 : i32
        %dma_start3A_112 = arith.constant 0 : i32
        %dma_start3A_113 = tpu.memref_slice %arg17[%dma_start3A_111, %dma_start3A_112] : memref<10240x32xf32, #tpu.memory_space<vmem_shared>> -> memref<10240x32xf32, #tpu.memory_space<vmem_shared>>
        tpu.enqueue_indirect_dma source(%arg11 : memref<125x32xf32, #tpu.memory_space<vmem>>) target(%dma_start3A_113 : memref<10240x32xf32, #tpu.memory_space<vmem_shared>>) offsets(%dma_start3A_110 : memref<125xi32, #tpu.memory_space<vmem>>) semaphore(%run_scoped3A_107 : memref<!tpu.dma_semaphore, #tpu.memory_space<semaphore_mem>>) {add = true}
        %dma_wait3A_114 = arith.constant 0 : i32
        %dma_wait3A_115 = tpu.memref_slice %arg8[%add3A_80, %dma_wait3A_114] : memref<80x125xi32, #tpu.memory_space<vmem>> -> memref<1x125xi32, #tpu.memory_space<vmem>>
        %dma_wait3A_116 = tpu.memref_squeeze %dma_wait3A_115 : memref<1x125xi32, #tpu.memory_space<vmem>> -> memref<125xi32, #tpu.memory_space<vmem>>
        %dma_wait3A_117 = arith.constant 0 : i32
        %dma_wait3A_118 = arith.constant 0 : i32
        %dma_wait3A_119 = tpu.memref_slice %arg17[%dma_wait3A_117, %dma_wait3A_118] : memref<10240x32xf32, #tpu.memory_space<vmem_shared>> -> memref<10240x32xf32, #tpu.memory_space<vmem_shared>>
        tpu.wait_indirect_dma semaphore(%run_scoped3A_107 : memref<!tpu.dma_semaphore, #tpu.memory_space<semaphore_mem>>) src(%arg11 : memref<125x32xf32, #tpu.memory_space<vmem>>) dst(%dma_wait3A_119 : memref<10240x32xf32, #tpu.memory_space<vmem_shared>>)
        tpu.yield
      }) : () -> ()
      %lt3A_87 = arith.constant 19 : i32
      %lt3A_88 = arith.cmpi slt, %add3A_48, %lt3A_87 : i32
      %convert_element_type3A_89 = arith.extui %lt3A_88 : i1 to i32
      %cond3A_90 = arith.constant 0 : i32
      %cond3A_91 = arith.cmpi ne, %convert_element_type3A_89, %cond3A_90 : i32
      scf.if %cond3A_91 {
        %add3A_107 = arith.constant 4 : i32
        %add3A_108 = arith.addi %add3A_80, %add3A_107 : i32
        %dma_start3A_109 = arith.constant 0 : i32
        %dma_start3A_110 = tpu.memref_slice %arg7[%add3A_108, %dma_start3A_109] : memref<80x125xi32, #tpu.memory_space<vmem>> -> memref<1x125xi32, #tpu.memory_space<vmem>>
        %dma_start3A_111 = tpu.memref_squeeze %dma_start3A_110 : memref<1x125xi32, #tpu.memory_space<vmem>> -> memref<125xi32, #tpu.memory_space<vmem>>
        %dma_start3A_112 = arith.constant 0 : i32
        %dma_start3A_113 = arith.constant 0 : i32
        %dma_start3A_114 = tpu.memref_slice %arg2[%dma_start3A_112, %dma_start3A_113] : memref<10240x32xf32, #tpu.memory_space<hbm>> -> memref<10240x32xf32, #tpu.memory_space<hbm>>
        tpu.enqueue_indirect_dma source(%dma_start3A_114 : memref<10240x32xf32, #tpu.memory_space<hbm>>) target(%arg11 : memref<125x32xf32, #tpu.memory_space<vmem>>) offsets(%dma_start3A_111 : memref<125xi32, #tpu.memory_space<vmem>>) semaphore(%arg15 : memref<!tpu.dma_semaphore, #tpu.memory_space<semaphore_mem>>)
      } else {
      }
      %mul3A_92 = arith.constant 4 : i32
      %mul3A_93 = arith.muli %add3A_48, %mul3A_92 : i32
      %add3A_94 = arith.constant 3 : i32
      %add3A_95 = arith.addi %mul3A_93, %add3A_94 : i32
      %dma_wait3A_96 = arith.constant 0 : i32
      %dma_wait3A_97 = tpu.memref_slice %arg7[%add3A_95, %dma_wait3A_96] : memref<80x125xi32, #tpu.memory_space<vmem>> -> memref<1x125xi32, #tpu.memory_space<vmem>>
      %dma_wait3A_98 = tpu.memref_squeeze %dma_wait3A_97 : memref<1x125xi32, #tpu.memory_space<vmem>> -> memref<125xi32, #tpu.memory_space<vmem>>
      %dma_wait3A_99 = arith.constant 0 : i32
      %dma_wait3A_100 = arith.constant 0 : i32
      %dma_wait3A_101 = tpu.memref_slice %arg2[%dma_wait3A_99, %dma_wait3A_100] : memref<10240x32xf32, #tpu.memory_space<hbm>> -> memref<10240x32xf32, #tpu.memory_space<hbm>>
      tpu.wait_indirect_dma semaphore(%arg16 : memref<!tpu.dma_semaphore, #tpu.memory_space<semaphore_mem>>) src(%dma_wait3A_101 : memref<10240x32xf32, #tpu.memory_space<hbm>>) dst(%arg12 : memref<125x32xf32, #tpu.memory_space<vmem>>)
      "tpu.region"() ({
        %run_scoped3A_107 = tpu.sem_alloc : memref<!tpu.dma_semaphore, #tpu.memory_space<semaphore_mem>>
        %dma_start3A_108 = arith.constant 0 : i32
        %dma_start3A_109 = tpu.memref_slice %arg8[%add3A_95, %dma_start3A_108] : memref<80x125xi32, #tpu.memory_space<vmem>> -> memref<1x125xi32, #tpu.memory_space<vmem>>
        %dma_start3A_110 = tpu.memref_squeeze %dma_start3A_109 : memref<1x125xi32, #tpu.memory_space<vmem>> -> memref<125xi32, #tpu.memory_space<vmem>>
        %dma_start3A_111 = arith.constant 0 : i32
        %dma_start3A_112 = arith.constant 0 : i32
        %dma_start3A_113 = tpu.memref_slice %arg17[%dma_start3A_111, %dma_start3A_112] : memref<10240x32xf32, #tpu.memory_space<vmem_shared>> -> memref<10240x32xf32, #tpu.memory_space<vmem_shared>>
        tpu.enqueue_indirect_dma source(%arg12 : memref<125x32xf32, #tpu.memory_space<vmem>>) target(%dma_start3A_113 : memref<10240x32xf32, #tpu.memory_space<vmem_shared>>) offsets(%dma_start3A_110 : memref<125xi32, #tpu.memory_space<vmem>>) semaphore(%run_scoped3A_107 : memref<!tpu.dma_semaphore, #tpu.memory_space<semaphore_mem>>) {add = true}
        %dma_wait3A_114 = arith.constant 0 : i32
        %dma_wait3A_115 = tpu.memref_slice %arg8[%add3A_95, %dma_wait3A_114] : memref<80x125xi32, #tpu.memory_space<vmem>> -> memref<1x125xi32, #tpu.memory_space<vmem>>
        %dma_wait3A_116 = tpu.memref_squeeze %dma_wait3A_115 : memref<1x125xi32, #tpu.memory_space<vmem>> -> memref<125xi32, #tpu.memory_space<vmem>>
        %dma_wait3A_117 = arith.constant 0 : i32
        %dma_wait3A_118 = arith.constant 0 : i32
        %dma_wait3A_119 = tpu.memref_slice %arg17[%dma_wait3A_117, %dma_wait3A_118] : memref<10240x32xf32, #tpu.memory_space<vmem_shared>> -> memref<10240x32xf32, #tpu.memory_space<vmem_shared>>
        tpu.wait_indirect_dma semaphore(%run_scoped3A_107 : memref<!tpu.dma_semaphore, #tpu.memory_space<semaphore_mem>>) src(%arg12 : memref<125x32xf32, #tpu.memory_space<vmem>>) dst(%dma_wait3A_119 : memref<10240x32xf32, #tpu.memory_space<vmem_shared>>)
        tpu.yield
      }) : () -> ()
      %lt3A_102 = arith.constant 19 : i32
      %lt3A_103 = arith.cmpi slt, %add3A_48, %lt3A_102 : i32
      %convert_element_type3A_104 = arith.extui %lt3A_103 : i1 to i32
      %cond3A_105 = arith.constant 0 : i32
      %cond3A_106 = arith.cmpi ne, %convert_element_type3A_104, %cond3A_105 : i32
      scf.if %cond3A_106 {
        %add3A_107 = arith.constant 4 : i32
        %add3A_108 = arith.addi %add3A_95, %add3A_107 : i32
        %dma_start3A_109 = arith.constant 0 : i32
        %dma_start3A_110 = tpu.memref_slice %arg7[%add3A_108, %dma_start3A_109] : memref<80x125xi32, #tpu.memory_space<vmem>> -> memref<1x125xi32, #tpu.memory_space<vmem>>
        %dma_start3A_111 = tpu.memref_squeeze %dma_start3A_110 : memref<1x125xi32, #tpu.memory_space<vmem>> -> memref<125xi32, #tpu.memory_space<vmem>>
        %dma_start3A_112 = arith.constant 0 : i32
        %dma_start3A_113 = arith.constant 0 : i32
        %dma_start3A_114 = tpu.memref_slice %arg2[%dma_start3A_112, %dma_start3A_113] : memref<10240x32xf32, #tpu.memory_space<hbm>> -> memref<10240x32xf32, #tpu.memory_space<hbm>>
        tpu.enqueue_indirect_dma source(%dma_start3A_114 : memref<10240x32xf32, #tpu.memory_space<hbm>>) target(%arg12 : memref<125x32xf32, #tpu.memory_space<vmem>>) offsets(%dma_start3A_111 : memref<125xi32, #tpu.memory_space<vmem>>) semaphore(%arg16 : memref<!tpu.dma_semaphore, #tpu.memory_space<semaphore_mem>>)
      } else {
      }
    }
    %scan3A_42 = arith.constant 20 : i32
    %barrier3A_43 = arith.constant 0 : index
    tpu.barrier barrier_id(%barrier3A_43)
    "tpu.region"() ({
      %run_scoped3A_44 = tpu.sem_alloc : memref<!tpu.dma_semaphore, #tpu.memory_space<semaphore_mem>>
      %dma_start3A_45 = arith.constant 0 : i32
      %dma_start3A_46 = tpu.memref_slice %arg6[%arg0, %mul3A_0, %dma_start3A_45] : memref<2x10240x32xf32, #tpu.memory_space<hbm>> -> memref<1x640x32xf32, #tpu.memory_space<hbm>>
      %dma_start3A_47 = tpu.memref_squeeze %dma_start3A_46 : memref<1x640x32xf32, #tpu.memory_space<hbm>> -> memref<640x32xf32, #tpu.memory_space<hbm>>
      %dma_start3A_48 = arith.constant 0 : i32
      %dma_start3A_49 = tpu.memref_slice %arg17[%mul3A_0, %dma_start3A_48] : memref<10240x32xf32, #tpu.memory_space<vmem_shared>> -> memref<640x32xf32, #tpu.memory_space<vmem_shared>>
      tpu.enqueue_dma source(%dma_start3A_49 : memref<640x32xf32, #tpu.memory_space<vmem_shared>>) target(%dma_start3A_47 : memref<640x32xf32, #tpu.memory_space<hbm>>) target_semaphore(%run_scoped3A_44 : memref<!tpu.dma_semaphore, #tpu.memory_space<semaphore_mem>>)
      %dma_wait3A = arith.constant 0 : i32
      %dma_wait3A_50 = tpu.memref_slice %arg6[%arg0, %mul3A_0, %dma_wait3A] : memref<2x10240x32xf32, #tpu.memory_space<hbm>> -> memref<1x640x32xf32, #tpu.memory_space<hbm>>
      %dma_wait3A_51 = tpu.memref_squeeze %dma_wait3A_50 : memref<1x640x32xf32, #tpu.memory_space<hbm>> -> memref<640x32xf32, #tpu.memory_space<hbm>>
      %dma_wait3A_52 = arith.constant 0 : i32
      %dma_wait3A_53 = tpu.memref_slice %arg17[%mul3A_0, %dma_wait3A_52] : memref<10240x32xf32, #tpu.memory_space<vmem_shared>> -> memref<640x32xf32, #tpu.memory_space<vmem_shared>>
      tpu.wait_dma2 semaphore(%run_scoped3A_44 : memref<!tpu.dma_semaphore, #tpu.memory_space<semaphore_mem>>) src(%dma_wait3A_53 : memref<640x32xf32, #tpu.memory_space<vmem_shared>>) dst(%dma_wait3A_51 : memref<640x32xf32, #tpu.memory_space<hbm>>)
      tpu.yield
    }) : () -> ()
    return
  }
}

module attributes {stable_mosaic.version = 14 : i64} {
  func.func @_mm0_body(%arg0: i32, %arg1: memref<4x512x128xf32, #tpu.memory_space<vmem>>, %arg2: memref<128x32xf32, #tpu.memory_space<vmem>>, %arg3: memref<128x32xf32, #tpu.memory_space<vmem>>, %arg4: memref<1x32xf32, #tpu.memory_space<vmem>>, %arg5: memref<128x40xf32, #tpu.memory_space<vmem>>, %arg6: memref<512x128xf32, #tpu.memory_space<vmem>>, %arg7: memref<512x128xf32, #tpu.memory_space<vmem>>, %arg8: memref<512x160xf32, #tpu.memory_space<vmem>>) attributes {dimension_semantics = [#tpu.dimension_semantics<arbitrary>], iteration_bounds = array<i64: 5>, scalar_prefetch = 0 : i64, scratch_operands = 0 : i64, tpu.core_type = #tpu.core_type<tc>, window_params = [{transform_indices = @transform_0, window_bounds = array<i64: 4, 512, 128>}, {pipeline_mode = #tpu.pipeline_mode<synchronous>, transform_indices = @transform_1, window_bounds = array<i64: 128, 32>}, {pipeline_mode = #tpu.pipeline_mode<synchronous>, transform_indices = @transform_2, window_bounds = array<i64: 128, 32>}, {pipeline_mode = #tpu.pipeline_mode<synchronous>, transform_indices = @transform_3, window_bounds = array<i64: 1, 32>}, {pipeline_mode = #tpu.pipeline_mode<synchronous>, transform_indices = @transform_4, window_bounds = array<i64: 128, 40>}, {transform_indices = @transform_5, window_bounds = array<i64: 512, 128>}, {transform_indices = @transform_6, window_bounds = array<i64: 512, 128>}, {transform_indices = @transform_7, window_bounds = array<i64: 512, 160>}]} {
    %get3A = arith.constant 0 : index
    %get3A_0 = arith.constant 0 : index
    %get3A_1 = arith.constant 0 : index
    %get3A_2 = vector.load %arg1[%get3A, %get3A_0, %get3A_1] : memref<4x512x128xf32, #tpu.memory_space<vmem>>, vector<1x512x128xf32>
    %get3A_3 = vector.shape_cast %get3A_2 : vector<1x512x128xf32> to vector<512x128xf32>
    %get3A_4 = arith.constant 0 : index
    %get3A_5 = arith.constant 0 : index
    %get3A_6 = vector.load %arg2[%get3A_4, %get3A_5] : memref<128x32xf32, #tpu.memory_space<vmem>>, vector<128x32xf32>
    %dot_general3A = arith.constant dense<0.000000e+00> : vector<512x32xf32>
    %dot_general3A_7 = tpu.matmul %get3A_3, %get3A_6, %dot_general3A {dimension_numbers = #tpu.dot_dimension_numbers<[1], [0], [0], [1], [0, 0, 1, 1], [], []>, transpose_lhs_hint = false} : vector<512x128xf32>, vector<128x32xf32>, vector<512x32xf32> -> vector<512x32xf32>
    %get3A_8 = arith.constant 0 : index
    %get3A_9 = arith.constant 0 : index
    %get3A_10 = vector.load %arg4[%get3A_8, %get3A_9] : memref<1x32xf32, #tpu.memory_space<vmem>>, vector<1x32xf32>
    %get3A_11 = arith.constant 0 : index
    %get3A_12 = arith.constant 0 : index
    %get3A_13 = vector.load %arg3[%get3A_11, %get3A_12] : memref<128x32xf32, #tpu.memory_space<vmem>>, vector<128x32xf32>
    %dot_general3A_14 = arith.constant dense<0.000000e+00> : vector<512x32xf32>
    %dot_general3A_15 = tpu.matmul %get3A_3, %get3A_13, %dot_general3A_14 {dimension_numbers = #tpu.dot_dimension_numbers<[1], [0], [0], [1], [0, 0, 1, 1], [], []>, transpose_lhs_hint = false} : vector<512x128xf32>, vector<128x32xf32>, vector<512x32xf32> -> vector<512x32xf32>
    %add3A = vector.broadcast %get3A_10 : vector<1x32xf32> to vector<512x32xf32>
    %add3A_16 = arith.addf %add3A, %dot_general3A_15 : vector<512x32xf32>
    %get3A_17 = arith.constant 0 : index
    %get3A_18 = arith.constant 0 : index
    %get3A_19 = vector.load %arg5[%get3A_17, %get3A_18] : memref<128x40xf32, #tpu.memory_space<vmem>>, vector<128x40xf32>
    %dot_general3A_20 = arith.constant dense<0.000000e+00> : vector<512x40xf32>
    %dot_general3A_21 = tpu.matmul %get3A_3, %get3A_19, %dot_general3A_20 {dimension_numbers = #tpu.dot_dimension_numbers<[1], [0], [0], [1], [0, 0, 1, 1], [], []>, transpose_lhs_hint = false} : vector<512x128xf32>, vector<128x40xf32>, vector<512x40xf32> -> vector<512x40xf32>
    %get3A_22 = arith.constant 1 : index
    %get3A_23 = arith.constant 0 : index
    %get3A_24 = arith.constant 0 : index
    %get3A_25 = vector.load %arg1[%get3A_22, %get3A_23, %get3A_24] : memref<4x512x128xf32, #tpu.memory_space<vmem>>, vector<1x512x128xf32>
    %get3A_26 = vector.shape_cast %get3A_25 : vector<1x512x128xf32> to vector<512x128xf32>
    %get3A_27 = arith.constant 0 : index
    %get3A_28 = arith.constant 0 : index
    %get3A_29 = vector.load %arg2[%get3A_27, %get3A_28] : memref<128x32xf32, #tpu.memory_space<vmem>>, vector<128x32xf32>
    %dot_general3A_30 = arith.constant dense<0.000000e+00> : vector<512x32xf32>
    %dot_general3A_31 = tpu.matmul %get3A_26, %get3A_29, %dot_general3A_30 {dimension_numbers = #tpu.dot_dimension_numbers<[1], [0], [0], [1], [0, 0, 1, 1], [], []>, transpose_lhs_hint = false} : vector<512x128xf32>, vector<128x32xf32>, vector<512x32xf32> -> vector<512x32xf32>
    %get3A_32 = arith.constant 0 : index
    %get3A_33 = arith.constant 0 : index
    %get3A_34 = vector.load %arg4[%get3A_32, %get3A_33] : memref<1x32xf32, #tpu.memory_space<vmem>>, vector<1x32xf32>
    %get3A_35 = arith.constant 0 : index
    %get3A_36 = arith.constant 0 : index
    %get3A_37 = vector.load %arg3[%get3A_35, %get3A_36] : memref<128x32xf32, #tpu.memory_space<vmem>>, vector<128x32xf32>
    %dot_general3A_38 = arith.constant dense<0.000000e+00> : vector<512x32xf32>
    %dot_general3A_39 = tpu.matmul %get3A_26, %get3A_37, %dot_general3A_38 {dimension_numbers = #tpu.dot_dimension_numbers<[1], [0], [0], [1], [0, 0, 1, 1], [], []>, transpose_lhs_hint = false} : vector<512x128xf32>, vector<128x32xf32>, vector<512x32xf32> -> vector<512x32xf32>
    %add3A_40 = vector.broadcast %get3A_34 : vector<1x32xf32> to vector<512x32xf32>
    %add3A_41 = arith.addf %add3A_40, %dot_general3A_39 : vector<512x32xf32>
    %get3A_42 = arith.constant 0 : index
    %get3A_43 = arith.constant 0 : index
    %get3A_44 = vector.load %arg5[%get3A_42, %get3A_43] : memref<128x40xf32, #tpu.memory_space<vmem>>, vector<128x40xf32>
    %dot_general3A_45 = arith.constant dense<0.000000e+00> : vector<512x40xf32>
    %dot_general3A_46 = tpu.matmul %get3A_26, %get3A_44, %dot_general3A_45 {dimension_numbers = #tpu.dot_dimension_numbers<[1], [0], [0], [1], [0, 0, 1, 1], [], []>, transpose_lhs_hint = false} : vector<512x128xf32>, vector<128x40xf32>, vector<512x40xf32> -> vector<512x40xf32>
    %get3A_47 = arith.constant 2 : index
    %get3A_48 = arith.constant 0 : index
    %get3A_49 = arith.constant 0 : index
    %get3A_50 = vector.load %arg1[%get3A_47, %get3A_48, %get3A_49] : memref<4x512x128xf32, #tpu.memory_space<vmem>>, vector<1x512x128xf32>
    %get3A_51 = vector.shape_cast %get3A_50 : vector<1x512x128xf32> to vector<512x128xf32>
    %get3A_52 = arith.constant 0 : index
    %get3A_53 = arith.constant 0 : index
    %get3A_54 = vector.load %arg2[%get3A_52, %get3A_53] : memref<128x32xf32, #tpu.memory_space<vmem>>, vector<128x32xf32>
    %dot_general3A_55 = arith.constant dense<0.000000e+00> : vector<512x32xf32>
    %dot_general3A_56 = tpu.matmul %get3A_51, %get3A_54, %dot_general3A_55 {dimension_numbers = #tpu.dot_dimension_numbers<[1], [0], [0], [1], [0, 0, 1, 1], [], []>, transpose_lhs_hint = false} : vector<512x128xf32>, vector<128x32xf32>, vector<512x32xf32> -> vector<512x32xf32>
    %get3A_57 = arith.constant 0 : index
    %get3A_58 = arith.constant 0 : index
    %get3A_59 = vector.load %arg4[%get3A_57, %get3A_58] : memref<1x32xf32, #tpu.memory_space<vmem>>, vector<1x32xf32>
    %get3A_60 = arith.constant 0 : index
    %get3A_61 = arith.constant 0 : index
    %get3A_62 = vector.load %arg3[%get3A_60, %get3A_61] : memref<128x32xf32, #tpu.memory_space<vmem>>, vector<128x32xf32>
    %dot_general3A_63 = arith.constant dense<0.000000e+00> : vector<512x32xf32>
    %dot_general3A_64 = tpu.matmul %get3A_51, %get3A_62, %dot_general3A_63 {dimension_numbers = #tpu.dot_dimension_numbers<[1], [0], [0], [1], [0, 0, 1, 1], [], []>, transpose_lhs_hint = false} : vector<512x128xf32>, vector<128x32xf32>, vector<512x32xf32> -> vector<512x32xf32>
    %add3A_65 = vector.broadcast %get3A_59 : vector<1x32xf32> to vector<512x32xf32>
    %add3A_66 = arith.addf %add3A_65, %dot_general3A_64 : vector<512x32xf32>
    %get3A_67 = arith.constant 0 : index
    %get3A_68 = arith.constant 0 : index
    %get3A_69 = vector.load %arg5[%get3A_67, %get3A_68] : memref<128x40xf32, #tpu.memory_space<vmem>>, vector<128x40xf32>
    %dot_general3A_70 = arith.constant dense<0.000000e+00> : vector<512x40xf32>
    %dot_general3A_71 = tpu.matmul %get3A_51, %get3A_69, %dot_general3A_70 {dimension_numbers = #tpu.dot_dimension_numbers<[1], [0], [0], [1], [0, 0, 1, 1], [], []>, transpose_lhs_hint = false} : vector<512x128xf32>, vector<128x40xf32>, vector<512x40xf32> -> vector<512x40xf32>
    %get3A_72 = arith.constant 3 : index
    %get3A_73 = arith.constant 0 : index
    %get3A_74 = arith.constant 0 : index
    %get3A_75 = vector.load %arg1[%get3A_72, %get3A_73, %get3A_74] : memref<4x512x128xf32, #tpu.memory_space<vmem>>, vector<1x512x128xf32>
    %get3A_76 = vector.shape_cast %get3A_75 : vector<1x512x128xf32> to vector<512x128xf32>
    %get3A_77 = arith.constant 0 : index
    %get3A_78 = arith.constant 0 : index
    %get3A_79 = vector.load %arg2[%get3A_77, %get3A_78] : memref<128x32xf32, #tpu.memory_space<vmem>>, vector<128x32xf32>
    %dot_general3A_80 = arith.constant dense<0.000000e+00> : vector<512x32xf32>
    %dot_general3A_81 = tpu.matmul %get3A_76, %get3A_79, %dot_general3A_80 {dimension_numbers = #tpu.dot_dimension_numbers<[1], [0], [0], [1], [0, 0, 1, 1], [], []>, transpose_lhs_hint = false} : vector<512x128xf32>, vector<128x32xf32>, vector<512x32xf32> -> vector<512x32xf32>
    %get3A_82 = arith.constant 0 : index
    %get3A_83 = arith.constant 0 : index
    %get3A_84 = vector.load %arg4[%get3A_82, %get3A_83] : memref<1x32xf32, #tpu.memory_space<vmem>>, vector<1x32xf32>
    %get3A_85 = arith.constant 0 : index
    %get3A_86 = arith.constant 0 : index
    %get3A_87 = vector.load %arg3[%get3A_85, %get3A_86] : memref<128x32xf32, #tpu.memory_space<vmem>>, vector<128x32xf32>
    %dot_general3A_88 = arith.constant dense<0.000000e+00> : vector<512x32xf32>
    %dot_general3A_89 = tpu.matmul %get3A_76, %get3A_87, %dot_general3A_88 {dimension_numbers = #tpu.dot_dimension_numbers<[1], [0], [0], [1], [0, 0, 1, 1], [], []>, transpose_lhs_hint = false} : vector<512x128xf32>, vector<128x32xf32>, vector<512x32xf32> -> vector<512x32xf32>
    %add3A_90 = vector.broadcast %get3A_84 : vector<1x32xf32> to vector<512x32xf32>
    %add3A_91 = arith.addf %add3A_90, %dot_general3A_89 : vector<512x32xf32>
    %get3A_92 = arith.constant 0 : index
    %get3A_93 = arith.constant 0 : index
    %get3A_94 = vector.load %arg5[%get3A_92, %get3A_93] : memref<128x40xf32, #tpu.memory_space<vmem>>, vector<128x40xf32>
    %dot_general3A_95 = arith.constant dense<0.000000e+00> : vector<512x40xf32>
    %dot_general3A_96 = tpu.matmul %get3A_76, %get3A_94, %dot_general3A_95 {dimension_numbers = #tpu.dot_dimension_numbers<[1], [0], [0], [1], [0, 0, 1, 1], [], []>, transpose_lhs_hint = false} : vector<512x128xf32>, vector<128x40xf32>, vector<512x40xf32> -> vector<512x40xf32>
    %concatenate3A = tpu.concatenate %dot_general3A_7, %dot_general3A_31, %dot_general3A_56, %dot_general3A_81 in 1 : vector<512x32xf32>, vector<512x32xf32>, vector<512x32xf32>, vector<512x32xf32> -> vector<512x128xf32>
    %swap3A = arith.constant 0 : index
    %swap3A_97 = arith.constant 0 : index
    %swap3A_98 = vector.load %arg6[%swap3A, %swap3A_97] : memref<512x128xf32, #tpu.memory_space<vmem>>, vector<512x128xf32>
    tpu.vector_store %arg6[%swap3A, %swap3A_97], %concatenate3A {strides = array<i32>} : memref<512x128xf32, #tpu.memory_space<vmem>>, vector<512x128xf32>,
    %concatenate3A_99 = tpu.concatenate %add3A_16, %add3A_41, %add3A_66, %add3A_91 in 1 : vector<512x32xf32>, vector<512x32xf32>, vector<512x32xf32>, vector<512x32xf32> -> vector<512x128xf32>
    %swap3A_100 = arith.constant 0 : index
    %swap3A_101 = arith.constant 0 : index
    %swap3A_102 = vector.load %arg7[%swap3A_100, %swap3A_101] : memref<512x128xf32, #tpu.memory_space<vmem>>, vector<512x128xf32>
    tpu.vector_store %arg7[%swap3A_100, %swap3A_101], %concatenate3A_99 {strides = array<i32>} : memref<512x128xf32, #tpu.memory_space<vmem>>, vector<512x128xf32>,
    %concatenate3A_103 = tpu.concatenate %dot_general3A_21, %dot_general3A_46, %dot_general3A_71, %dot_general3A_96 in 1 : vector<512x40xf32>, vector<512x40xf32>, vector<512x40xf32>, vector<512x40xf32> -> vector<512x160xf32>
    %swap3A_104 = arith.constant 0 : index
    %swap3A_105 = arith.constant 0 : index
    %swap3A_106 = vector.load %arg8[%swap3A_104, %swap3A_105] : memref<512x160xf32, #tpu.memory_space<vmem>>, vector<512x160xf32>
    tpu.vector_store %arg8[%swap3A_104, %swap3A_105], %concatenate3A_103 {strides = array<i32>} : memref<512x160xf32, #tpu.memory_space<vmem>>, vector<512x160xf32>,
    return
  }
  func.func @transform_0(%arg0: i32) -> (i32, i32, i32) {
    %c0_i32 = arith.constant 0 : i32
    %c0_i32_0 = arith.constant 0 : i32
    %c0_i32_1 = arith.constant 0 : i32
    return %c0_i32, %arg0, %c0_i32_0 : i32, i32, i32
  }
  func.func @transform_1(%arg0: i32) -> (i32, i32) {
    %c0_i32 = arith.constant 0 : i32
    %c0_i32_0 = arith.constant 0 : i32
    %c0_i32_1 = arith.constant 0 : i32
    return %c0_i32, %c0_i32_0 : i32, i32
  }
  func.func @transform_2(%arg0: i32) -> (i32, i32) {
    %c0_i32 = arith.constant 0 : i32
    %c0_i32_0 = arith.constant 0 : i32
    %c0_i32_1 = arith.constant 0 : i32
    return %c0_i32, %c0_i32_0 : i32, i32
  }
  func.func @transform_3(%arg0: i32) -> (i32, i32) {
    %c0_i32 = arith.constant 0 : i32
    %c0_i32_0 = arith.constant 0 : i32
    %c0_i32_1 = arith.constant 0 : i32
    return %c0_i32, %c0_i32_0 : i32, i32
  }
  func.func @transform_4(%arg0: i32) -> (i32, i32) {
    %c0_i32 = arith.constant 0 : i32
    %c0_i32_0 = arith.constant 0 : i32
    %c0_i32_1 = arith.constant 0 : i32
    return %c0_i32, %c0_i32_0 : i32, i32
  }
  func.func @transform_5(%arg0: i32) -> (i32, i32) {
    %c0_i32 = arith.constant 0 : i32
    %c0_i32_0 = arith.constant 0 : i32
    return %arg0, %c0_i32 : i32, i32
  }
  func.func @transform_6(%arg0: i32) -> (i32, i32) {
    %c0_i32 = arith.constant 0 : i32
    %c0_i32_0 = arith.constant 0 : i32
    return %arg0, %c0_i32 : i32, i32
  }
  func.func @transform_7(%arg0: i32) -> (i32, i32) {
    %c0_i32 = arith.constant 0 : i32
    %c0_i32_0 = arith.constant 0 : i32
    return %arg0, %c0_i32 : i32, i32
  }
}

module attributes {stable_mosaic.version = 14 : i64} {
  func.func @_combine_body(%arg0: i32, %arg1: memref<2x512x128xf32, #tpu.memory_space<vmem>>, %arg2: memref<128x128xf32, #tpu.memory_space<vmem>>, %arg3: memref<128x128xf32, #tpu.memory_space<vmem>>, %arg4: memref<1x128xf32, #tpu.memory_space<vmem>>, %arg5: memref<512x128xf32, #tpu.memory_space<vmem>>, %arg6: memref<512x128xf32, #tpu.memory_space<vmem>>, %arg7: memref<512x128xf32, #tpu.memory_space<vmem>>) attributes {dimension_semantics = [#tpu.dimension_semantics<arbitrary>], iteration_bounds = array<i64: 5>, scalar_prefetch = 0 : i64, scratch_operands = 0 : i64, tpu.core_type = #tpu.core_type<tc>, window_params = [{transform_indices = @transform_0, window_bounds = array<i64: 2, 512, 128>}, {pipeline_mode = #tpu.pipeline_mode<synchronous>, transform_indices = @transform_1, window_bounds = array<i64: 128, 128>}, {pipeline_mode = #tpu.pipeline_mode<synchronous>, transform_indices = @transform_2, window_bounds = array<i64: 128, 128>}, {pipeline_mode = #tpu.pipeline_mode<synchronous>, transform_indices = @transform_3, window_bounds = array<i64: 1, 128>}, {transform_indices = @transform_4, window_bounds = array<i64: 512, 128>}, {transform_indices = @transform_5, window_bounds = array<i64: 512, 128>}, {transform_indices = @transform_6, window_bounds = array<i64: 512, 128>}]} {
    %get3A = arith.constant 0 : index
    %get3A_0 = arith.constant 0 : index
    %get3A_1 = arith.constant 0 : index
    %get3A_2 = vector.load %arg1[%get3A, %get3A_0, %get3A_1] : memref<2x512x128xf32, #tpu.memory_space<vmem>>, vector<1x512x128xf32>
    %get3A_3 = vector.shape_cast %get3A_2 : vector<1x512x128xf32> to vector<512x128xf32>
    %get3A_4 = arith.constant 1 : index
    %get3A_5 = arith.constant 0 : index
    %get3A_6 = arith.constant 0 : index
    %get3A_7 = vector.load %arg1[%get3A_4, %get3A_5, %get3A_6] : memref<2x512x128xf32, #tpu.memory_space<vmem>>, vector<1x512x128xf32>
    %get3A_8 = vector.shape_cast %get3A_7 : vector<1x512x128xf32> to vector<512x128xf32>
    %add3A = arith.addf %get3A_3, %get3A_8 : vector<512x128xf32>
    %max3A = arith.constant 0.000000e+00 : f32
    %max3A_9 = vector.broadcast %max3A : f32 to vector<512x128xf32>
    %max3A_10 = arith.maximumf %add3A, %max3A_9 : vector<512x128xf32>
    %swap3A = arith.constant 0 : index
    %swap3A_11 = arith.constant 0 : index
    %swap3A_12 = vector.load %arg5[%swap3A, %swap3A_11] : memref<512x128xf32, #tpu.memory_space<vmem>>, vector<512x128xf32>
    tpu.vector_store %arg5[%swap3A, %swap3A_11], %max3A_10 {strides = array<i32>} : memref<512x128xf32, #tpu.memory_space<vmem>>, vector<512x128xf32>,
    %get3A_13 = arith.constant 0 : index
    %get3A_14 = arith.constant 0 : index
    %get3A_15 = vector.load %arg2[%get3A_13, %get3A_14] : memref<128x128xf32, #tpu.memory_space<vmem>>, vector<128x128xf32>
    %dot_general3A = arith.constant dense<0.000000e+00> : vector<512x128xf32>
    %dot_general3A_16 = tpu.matmul %max3A_10, %get3A_15, %dot_general3A {dimension_numbers = #tpu.dot_dimension_numbers<[1], [0], [0], [1], [0, 0, 1, 1], [], []>, precision = #tpu.contract_precision<fp32>, transpose_lhs_hint = false} : vector<512x128xf32>, vector<128x128xf32>, vector<512x128xf32> -> vector<512x128xf32>
    %swap3A_17 = arith.constant 0 : index
    %swap3A_18 = arith.constant 0 : index
    %swap3A_19 = vector.load %arg6[%swap3A_17, %swap3A_18] : memref<512x128xf32, #tpu.memory_space<vmem>>, vector<512x128xf32>
    tpu.vector_store %arg6[%swap3A_17, %swap3A_18], %dot_general3A_16 {strides = array<i32>} : memref<512x128xf32, #tpu.memory_space<vmem>>, vector<512x128xf32>,
    %get3A_20 = arith.constant 0 : index
    %get3A_21 = arith.constant 0 : index
    %get3A_22 = vector.load %arg4[%get3A_20, %get3A_21] : memref<1x128xf32, #tpu.memory_space<vmem>>, vector<1x128xf32>
    %get3A_23 = arith.constant 0 : index
    %get3A_24 = arith.constant 0 : index
    %get3A_25 = vector.load %arg3[%get3A_23, %get3A_24] : memref<128x128xf32, #tpu.memory_space<vmem>>, vector<128x128xf32>
    %dot_general3A_26 = arith.constant dense<0.000000e+00> : vector<512x128xf32>
    %dot_general3A_27 = tpu.matmul %max3A_10, %get3A_25, %dot_general3A_26 {dimension_numbers = #tpu.dot_dimension_numbers<[1], [0], [0], [1], [0, 0, 1, 1], [], []>, precision = #tpu.contract_precision<fp32>, transpose_lhs_hint = false} : vector<512x128xf32>, vector<128x128xf32>, vector<512x128xf32> -> vector<512x128xf32>
    %add3A_28 = vector.broadcast %get3A_22 : vector<1x128xf32> to vector<512x128xf32>
    %add3A_29 = arith.addf %add3A_28, %dot_general3A_27 : vector<512x128xf32>
    %swap3A_30 = arith.constant 0 : index
    %swap3A_31 = arith.constant 0 : index
    %swap3A_32 = vector.load %arg7[%swap3A_30, %swap3A_31] : memref<512x128xf32, #tpu.memory_space<vmem>>, vector<512x128xf32>
    tpu.vector_store %arg7[%swap3A_30, %swap3A_31], %add3A_29 {strides = array<i32>} : memref<512x128xf32, #tpu.memory_space<vmem>>, vector<512x128xf32>,
    return
  }
  func.func @transform_0(%arg0: i32) -> (i32, i32, i32) {
    %c0_i32 = arith.constant 0 : i32
    %c0_i32_0 = arith.constant 0 : i32
    %c0_i32_1 = arith.constant 0 : i32
    return %c0_i32, %arg0, %c0_i32_0 : i32, i32, i32
  }
  func.func @transform_1(%arg0: i32) -> (i32, i32) {
    %c0_i32 = arith.constant 0 : i32
    %c0_i32_0 = arith.constant 0 : i32
    %c0_i32_1 = arith.constant 0 : i32
    return %c0_i32, %c0_i32_0 : i32, i32
  }
  func.func @transform_2(%arg0: i32) -> (i32, i32) {
    %c0_i32 = arith.constant 0 : i32
    %c0_i32_0 = arith.constant 0 : i32
    %c0_i32_1 = arith.constant 0 : i32
    return %c0_i32, %c0_i32_0 : i32, i32
  }
  func.func @transform_3(%arg0: i32) -> (i32, i32) {
    %c0_i32 = arith.constant 0 : i32
    %c0_i32_0 = arith.constant 0 : i32
    %c0_i32_1 = arith.constant 0 : i32
    return %c0_i32, %c0_i32_0 : i32, i32
  }
  func.func @transform_4(%arg0: i32) -> (i32, i32) {
    %c0_i32 = arith.constant 0 : i32
    %c0_i32_0 = arith.constant 0 : i32
    return %arg0, %c0_i32 : i32, i32
  }
  func.func @transform_5(%arg0: i32) -> (i32, i32) {
    %c0_i32 = arith.constant 0 : i32
    %c0_i32_0 = arith.constant 0 : i32
    return %arg0, %c0_i32 : i32, i32
  }
  func.func @transform_6(%arg0: i32) -> (i32, i32) {
    %c0_i32 = arith.constant 0 : i32
    %c0_i32_0 = arith.constant 0 : i32
    return %arg0, %c0_i32 : i32, i32
  }
}

module attributes {stable_mosaic.version = 14 : i64} {
  func.func @_fcpart_body(%arg0: i32, %arg1: memref<512x160xf32, #tpu.memory_space<vmem>>, %arg2: memref<512x128xf32, #tpu.memory_space<vmem>>, %arg3: memref<128x160xf32, #tpu.memory_space<vmem>>, %arg4: memref<512x160xf32, #tpu.memory_space<vmem>>) attributes {dimension_semantics = [#tpu.dimension_semantics<arbitrary>], iteration_bounds = array<i64: 5>, scalar_prefetch = 0 : i64, scratch_operands = 0 : i64, tpu.core_type = #tpu.core_type<tc>, window_params = [{transform_indices = @transform_0, window_bounds = array<i64: 512, 160>}, {transform_indices = @transform_1, window_bounds = array<i64: 512, 128>}, {pipeline_mode = #tpu.pipeline_mode<synchronous>, transform_indices = @transform_2, window_bounds = array<i64: 128, 160>}, {transform_indices = @transform_3, window_bounds = array<i64: 512, 160>}]} {
    %get3A = arith.constant 0 : index
    %get3A_0 = arith.constant 0 : index
    %get3A_1 = vector.load %arg1[%get3A, %get3A_0] : memref<512x160xf32, #tpu.memory_space<vmem>>, vector<512x160xf32>
    %get3A_2 = arith.constant 0 : index
    %get3A_3 = arith.constant 0 : index
    %get3A_4 = vector.load %arg2[%get3A_2, %get3A_3] : memref<512x128xf32, #tpu.memory_space<vmem>>, vector<512x128xf32>
    %get3A_5 = arith.constant 0 : index
    %get3A_6 = arith.constant 0 : index
    %get3A_7 = vector.load %arg3[%get3A_5, %get3A_6] : memref<128x160xf32, #tpu.memory_space<vmem>>, vector<128x160xf32>
    %dot_general3A = arith.constant dense<0.000000e+00> : vector<512x160xf32>
    %dot_general3A_8 = tpu.matmul %get3A_4, %get3A_7, %dot_general3A {dimension_numbers = #tpu.dot_dimension_numbers<[1], [0], [0], [1], [0, 0, 1, 1], [], []>, precision = #tpu.contract_precision<fp32>, transpose_lhs_hint = false} : vector<512x128xf32>, vector<128x160xf32>, vector<512x160xf32> -> vector<512x160xf32>
    %add3A = arith.addf %get3A_1, %dot_general3A_8 : vector<512x160xf32>
    %swap3A = arith.constant 0 : index
    %swap3A_9 = arith.constant 0 : index
    %swap3A_10 = vector.load %arg4[%swap3A, %swap3A_9] : memref<512x160xf32, #tpu.memory_space<vmem>>, vector<512x160xf32>
    tpu.vector_store %arg4[%swap3A, %swap3A_9], %add3A {strides = array<i32>} : memref<512x160xf32, #tpu.memory_space<vmem>>, vector<512x160xf32>,
    return
  }
  func.func @transform_0(%arg0: i32) -> (i32, i32) {
    %c0_i32 = arith.constant 0 : i32
    %c0_i32_0 = arith.constant 0 : i32
    return %arg0, %c0_i32 : i32, i32
  }
  func.func @transform_1(%arg0: i32) -> (i32, i32) {
    %c0_i32 = arith.constant 0 : i32
    %c0_i32_0 = arith.constant 0 : i32
    return %arg0, %c0_i32 : i32, i32
  }
  func.func @transform_2(%arg0: i32) -> (i32, i32) {
    %c0_i32 = arith.constant 0 : i32
    %c0_i32_0 = arith.constant 0 : i32
    %c0_i32_1 = arith.constant 0 : i32
    return %c0_i32, %c0_i32_0 : i32, i32
  }
  func.func @transform_3(%arg0: i32) -> (i32, i32) {
    %c0_i32 = arith.constant 0 : i32
    %c0_i32_0 = arith.constant 0 : i32
    return %arg0, %c0_i32 : i32, i32
  }
}

module attributes {stable_mosaic.version = 14 : i64} {
  func.func @_final_body(%arg0: i32, %arg1: memref<512x160xf32, #tpu.memory_space<vmem>>, %arg2: memref<2x512x128xf32, #tpu.memory_space<vmem>>, %arg3: memref<128x160xf32, #tpu.memory_space<vmem>>, %arg4: memref<1x160xf32, #tpu.memory_space<vmem>>, %arg5: memref<4x512x40xf32, #tpu.memory_space<vmem>>) attributes {dimension_semantics = [#tpu.dimension_semantics<arbitrary>], iteration_bounds = array<i64: 5>, scalar_prefetch = 0 : i64, scratch_operands = 0 : i64, tpu.core_type = #tpu.core_type<tc>, window_params = [{transform_indices = @transform_0, window_bounds = array<i64: 512, 160>}, {transform_indices = @transform_1, window_bounds = array<i64: 2, 512, 128>}, {pipeline_mode = #tpu.pipeline_mode<synchronous>, transform_indices = @transform_2, window_bounds = array<i64: 128, 160>}, {pipeline_mode = #tpu.pipeline_mode<synchronous>, transform_indices = @transform_3, window_bounds = array<i64: 1, 160>}, {transform_indices = @transform_4, window_bounds = array<i64: 4, 512, 40>}]} {
    %get3A = arith.constant 0 : index
    %get3A_0 = arith.constant 0 : index
    %get3A_1 = arith.constant 0 : index
    %get3A_2 = vector.load %arg2[%get3A, %get3A_0, %get3A_1] : memref<2x512x128xf32, #tpu.memory_space<vmem>>, vector<1x512x128xf32>
    %get3A_3 = vector.shape_cast %get3A_2 : vector<1x512x128xf32> to vector<512x128xf32>
    %get3A_4 = arith.constant 1 : index
    %get3A_5 = arith.constant 0 : index
    %get3A_6 = arith.constant 0 : index
    %get3A_7 = vector.load %arg2[%get3A_4, %get3A_5, %get3A_6] : memref<2x512x128xf32, #tpu.memory_space<vmem>>, vector<1x512x128xf32>
    %get3A_8 = vector.shape_cast %get3A_7 : vector<1x512x128xf32> to vector<512x128xf32>
    %add3A = arith.addf %get3A_3, %get3A_8 : vector<512x128xf32>
    %max3A = arith.constant 0.000000e+00 : f32
    %max3A_9 = vector.broadcast %max3A : f32 to vector<512x128xf32>
    %max3A_10 = arith.maximumf %add3A, %max3A_9 : vector<512x128xf32>
    %get3A_11 = arith.constant 0 : index
    %get3A_12 = arith.constant 0 : index
    %get3A_13 = vector.load %arg1[%get3A_11, %get3A_12] : memref<512x160xf32, #tpu.memory_space<vmem>>, vector<512x160xf32>
    %get3A_14 = arith.constant 0 : index
    %get3A_15 = arith.constant 0 : index
    %get3A_16 = vector.load %arg4[%get3A_14, %get3A_15] : memref<1x160xf32, #tpu.memory_space<vmem>>, vector<1x160xf32>
    %add3A_17 = vector.broadcast %get3A_16 : vector<1x160xf32> to vector<512x160xf32>
    %add3A_18 = arith.addf %get3A_13, %add3A_17 : vector<512x160xf32>
    %get3A_19 = arith.constant 0 : index
    %get3A_20 = arith.constant 0 : index
    %get3A_21 = vector.load %arg3[%get3A_19, %get3A_20] : memref<128x160xf32, #tpu.memory_space<vmem>>, vector<128x160xf32>
    %dot_general3A = arith.constant dense<0.000000e+00> : vector<512x160xf32>
    %dot_general3A_22 = tpu.matmul %max3A_10, %get3A_21, %dot_general3A {dimension_numbers = #tpu.dot_dimension_numbers<[1], [0], [0], [1], [0, 0, 1, 1], [], []>, precision = #tpu.contract_precision<fp32>, transpose_lhs_hint = false} : vector<512x128xf32>, vector<128x160xf32>, vector<512x160xf32> -> vector<512x160xf32>
    %add3A_23 = arith.addf %add3A_18, %dot_general3A_22 : vector<512x160xf32>
    %slice3A = vector.extract_strided_slice %add3A_23 {offsets = [0, 0], sizes = [512, 40], strides = [1, 1]} : vector<512x160xf32> to vector<512x40xf32>
    %reduce_max3A = arith.constant dense<0xFF800000> : vector<512xf32>
    %reduce_max3A_24 = vector.multi_reduction <maximumf>, %slice3A, %reduce_max3A [1] : vector<512x40xf32> to vector<512xf32>
    %broadcast_in_dim3A = vector.shape_cast %reduce_max3A_24 : vector<512xf32> to vector<512x1xf32>
    %sub3A = vector.broadcast %broadcast_in_dim3A : vector<512x1xf32> to vector<512x40xf32>
    %sub3A_25 = arith.subf %slice3A, %sub3A : vector<512x40xf32>
    %exp3A = math.exp %sub3A_25 : vector<512x40xf32>
    %reduce_sum3A = arith.constant dense<0.000000e+00> : vector<512xf32>
    %reduce_sum3A_26 = vector.multi_reduction <add>, %exp3A, %reduce_sum3A [1] : vector<512x40xf32> to vector<512xf32>
    %broadcast_in_dim3A_27 = vector.shape_cast %reduce_sum3A_26 : vector<512xf32> to vector<512x1xf32>
    %log3A = math.log %broadcast_in_dim3A_27 : vector<512x1xf32>
    %add3A_28 = arith.addf %broadcast_in_dim3A, %log3A : vector<512x1xf32>
    %sub3A_29 = vector.broadcast %add3A_28 : vector<512x1xf32> to vector<512x40xf32>
    %sub3A_30 = arith.subf %slice3A, %sub3A_29 : vector<512x40xf32>
    %swap3A = arith.constant 0 : index
    %swap3A_31 = arith.constant 0 : index
    %swap3A_32 = arith.constant 0 : index
    %swap3A_33 = vector.load %arg5[%swap3A, %swap3A_31, %swap3A_32] : memref<4x512x40xf32, #tpu.memory_space<vmem>>, vector<1x512x40xf32>
    %swap3A_34 = vector.shape_cast %swap3A_33 : vector<1x512x40xf32> to vector<512x40xf32>
    %swap3A_35 = vector.shape_cast %sub3A_30 : vector<512x40xf32> to vector<1x512x40xf32>
    tpu.vector_store %arg5[%swap3A, %swap3A_31, %swap3A_32], %swap3A_35 {strides = array<i32>} : memref<4x512x40xf32, #tpu.memory_space<vmem>>, vector<1x512x40xf32>,
    %slice3A_36 = vector.extract_strided_slice %add3A_23 {offsets = [0, 40], sizes = [512, 40], strides = [1, 1]} : vector<512x160xf32> to vector<512x40xf32>
    %reduce_max3A_37 = arith.constant dense<0xFF800000> : vector<512xf32>
    %reduce_max3A_38 = vector.multi_reduction <maximumf>, %slice3A_36, %reduce_max3A_37 [1] : vector<512x40xf32> to vector<512xf32>
    %broadcast_in_dim3A_39 = vector.shape_cast %reduce_max3A_38 : vector<512xf32> to vector<512x1xf32>
    %sub3A_40 = vector.broadcast %broadcast_in_dim3A_39 : vector<512x1xf32> to vector<512x40xf32>
    %sub3A_41 = arith.subf %slice3A_36, %sub3A_40 : vector<512x40xf32>
    %exp3A_42 = math.exp %sub3A_41 : vector<512x40xf32>
    %reduce_sum3A_43 = arith.constant dense<0.000000e+00> : vector<512xf32>
    %reduce_sum3A_44 = vector.multi_reduction <add>, %exp3A_42, %reduce_sum3A_43 [1] : vector<512x40xf32> to vector<512xf32>
    %broadcast_in_dim3A_45 = vector.shape_cast %reduce_sum3A_44 : vector<512xf32> to vector<512x1xf32>
    %log3A_46 = math.log %broadcast_in_dim3A_45 : vector<512x1xf32>
    %add3A_47 = arith.addf %broadcast_in_dim3A_39, %log3A_46 : vector<512x1xf32>
    %sub3A_48 = vector.broadcast %add3A_47 : vector<512x1xf32> to vector<512x40xf32>
    %sub3A_49 = arith.subf %slice3A_36, %sub3A_48 : vector<512x40xf32>
    %swap3A_50 = arith.constant 1 : index
    %swap3A_51 = arith.constant 0 : index
    %swap3A_52 = arith.constant 0 : index
    %swap3A_53 = vector.load %arg5[%swap3A_50, %swap3A_51, %swap3A_52] : memref<4x512x40xf32, #tpu.memory_space<vmem>>, vector<1x512x40xf32>
    %swap3A_54 = vector.shape_cast %swap3A_53 : vector<1x512x40xf32> to vector<512x40xf32>
    %swap3A_55 = vector.shape_cast %sub3A_49 : vector<512x40xf32> to vector<1x512x40xf32>
    tpu.vector_store %arg5[%swap3A_50, %swap3A_51, %swap3A_52], %swap3A_55 {strides = array<i32>} : memref<4x512x40xf32, #tpu.memory_space<vmem>>, vector<1x512x40xf32>,
    %slice3A_56 = vector.extract_strided_slice %add3A_23 {offsets = [0, 80], sizes = [512, 40], strides = [1, 1]} : vector<512x160xf32> to vector<512x40xf32>
    %reduce_max3A_57 = arith.constant dense<0xFF800000> : vector<512xf32>
    %reduce_max3A_58 = vector.multi_reduction <maximumf>, %slice3A_56, %reduce_max3A_57 [1] : vector<512x40xf32> to vector<512xf32>
    %broadcast_in_dim3A_59 = vector.shape_cast %reduce_max3A_58 : vector<512xf32> to vector<512x1xf32>
    %sub3A_60 = vector.broadcast %broadcast_in_dim3A_59 : vector<512x1xf32> to vector<512x40xf32>
    %sub3A_61 = arith.subf %slice3A_56, %sub3A_60 : vector<512x40xf32>
    %exp3A_62 = math.exp %sub3A_61 : vector<512x40xf32>
    %reduce_sum3A_63 = arith.constant dense<0.000000e+00> : vector<512xf32>
    %reduce_sum3A_64 = vector.multi_reduction <add>, %exp3A_62, %reduce_sum3A_63 [1] : vector<512x40xf32> to vector<512xf32>
    %broadcast_in_dim3A_65 = vector.shape_cast %reduce_sum3A_64 : vector<512xf32> to vector<512x1xf32>
    %log3A_66 = math.log %broadcast_in_dim3A_65 : vector<512x1xf32>
    %add3A_67 = arith.addf %broadcast_in_dim3A_59, %log3A_66 : vector<512x1xf32>
    %sub3A_68 = vector.broadcast %add3A_67 : vector<512x1xf32> to vector<512x40xf32>
    %sub3A_69 = arith.subf %slice3A_56, %sub3A_68 : vector<512x40xf32>
    %swap3A_70 = arith.constant 2 : index
    %swap3A_71 = arith.constant 0 : index
    %swap3A_72 = arith.constant 0 : index
    %swap3A_73 = vector.load %arg5[%swap3A_70, %swap3A_71, %swap3A_72] : memref<4x512x40xf32, #tpu.memory_space<vmem>>, vector<1x512x40xf32>
    %swap3A_74 = vector.shape_cast %swap3A_73 : vector<1x512x40xf32> to vector<512x40xf32>
    %swap3A_75 = vector.shape_cast %sub3A_69 : vector<512x40xf32> to vector<1x512x40xf32>
    tpu.vector_store %arg5[%swap3A_70, %swap3A_71, %swap3A_72], %swap3A_75 {strides = array<i32>} : memref<4x512x40xf32, #tpu.memory_space<vmem>>, vector<1x512x40xf32>,
    %slice3A_76 = vector.extract_strided_slice %add3A_23 {offsets = [0, 120], sizes = [512, 40], strides = [1, 1]} : vector<512x160xf32> to vector<512x40xf32>
    %reduce_max3A_77 = arith.constant dense<0xFF800000> : vector<512xf32>
    %reduce_max3A_78 = vector.multi_reduction <maximumf>, %slice3A_76, %reduce_max3A_77 [1] : vector<512x40xf32> to vector<512xf32>
    %broadcast_in_dim3A_79 = vector.shape_cast %reduce_max3A_78 : vector<512xf32> to vector<512x1xf32>
    %sub3A_80 = vector.broadcast %broadcast_in_dim3A_79 : vector<512x1xf32> to vector<512x40xf32>
    %sub3A_81 = arith.subf %slice3A_76, %sub3A_80 : vector<512x40xf32>
    %exp3A_82 = math.exp %sub3A_81 : vector<512x40xf32>
    %reduce_sum3A_83 = arith.constant dense<0.000000e+00> : vector<512xf32>
    %reduce_sum3A_84 = vector.multi_reduction <add>, %exp3A_82, %reduce_sum3A_83 [1] : vector<512x40xf32> to vector<512xf32>
    %broadcast_in_dim3A_85 = vector.shape_cast %reduce_sum3A_84 : vector<512xf32> to vector<512x1xf32>
    %log3A_86 = math.log %broadcast_in_dim3A_85 : vector<512x1xf32>
    %add3A_87 = arith.addf %broadcast_in_dim3A_79, %log3A_86 : vector<512x1xf32>
    %sub3A_88 = vector.broadcast %add3A_87 : vector<512x1xf32> to vector<512x40xf32>
    %sub3A_89 = arith.subf %slice3A_76, %sub3A_88 : vector<512x40xf32>
    %swap3A_90 = arith.constant 3 : index
    %swap3A_91 = arith.constant 0 : index
    %swap3A_92 = arith.constant 0 : index
    %swap3A_93 = vector.load %arg5[%swap3A_90, %swap3A_91, %swap3A_92] : memref<4x512x40xf32, #tpu.memory_space<vmem>>, vector<1x512x40xf32>
    %swap3A_94 = vector.shape_cast %swap3A_93 : vector<1x512x40xf32> to vector<512x40xf32>
    %swap3A_95 = vector.shape_cast %sub3A_89 : vector<512x40xf32> to vector<1x512x40xf32>
    tpu.vector_store %arg5[%swap3A_90, %swap3A_91, %swap3A_92], %swap3A_95 {strides = array<i32>} : memref<4x512x40xf32, #tpu.memory_space<vmem>>, vector<1x512x40xf32>,
    return
  }
  func.func @transform_0(%arg0: i32) -> (i32, i32) {
    %c0_i32 = arith.constant 0 : i32
    %c0_i32_0 = arith.constant 0 : i32
    return %arg0, %c0_i32 : i32, i32
  }
  func.func @transform_1(%arg0: i32) -> (i32, i32, i32) {
    %c0_i32 = arith.constant 0 : i32
    %c0_i32_0 = arith.constant 0 : i32
    %c0_i32_1 = arith.constant 0 : i32
    return %c0_i32, %arg0, %c0_i32_0 : i32, i32, i32
  }
  func.func @transform_2(%arg0: i32) -> (i32, i32) {
    %c0_i32 = arith.constant 0 : i32
    %c0_i32_0 = arith.constant 0 : i32
    %c0_i32_1 = arith.constant 0 : i32
    return %c0_i32, %c0_i32_0 : i32, i32
  }
  func.func @transform_3(%arg0: i32) -> (i32, i32) {
    %c0_i32 = arith.constant 0 : i32
    %c0_i32_0 = arith.constant 0 : i32
    %c0_i32_1 = arith.constant 0 : i32
    return %c0_i32, %c0_i32_0 : i32, i32
  }
  func.func @transform_4(%arg0: i32) -> (i32, i32, i32) {
    %c0_i32 = arith.constant 0 : i32
    %c0_i32_0 = arith.constant 0 : i32
    %c0_i32_1 = arith.constant 0 : i32
    return %c0_i32, %arg0, %c0_i32_0 : i32, i32, i32
  }
}

</mosaic_0001>

<sc_bundles>
// kernel: kernel.11.cloned.1.call-start
scs
__scs_entry_jumppad:
0x0: {  	(pc) =	sbr.rel $0x88, $3  }
0x1: {  	(tag) =	ssettag $0x0;
	lr =	simm.s32 $0x1  }
0x2: {  	[smem:$0x3F94] =	sst lr;
	_ =	strace $0xD0000000  }
0x3: {  	_ = 	snop  }
0x4: {  	_ = 	snop  }
0x5: {  	_ = 	snop  }
0x6: {  	_ = 	snop  }
0x7: {  	_ = 	snop  }
__scs_overlays_trampoline_lowered:
0x8: {  	[smem:$0x3FA3] =	sst s0  }
0x9: {  	[smem:$0x3FA4] =	sst s1  }
0xa: {  	[smem:$0x3FA5] =	sst s2  }
0xb: {  	[smem:$0x3FA6] =	sst s3  }
0xc: {  	[smem:$0x3FA7] =	sst s4  }
0xd: {  	[smem:$0x3FA8] =	sst s5  }
0xe: {  	[smem:$0x3FA9] =	sst s6  }
0xf: {  	[smem:$0x3FAA] =	sst s7  }
0x10: {  	[smem:$0x3FAB] =	sst s8  }
0x11: {  	[smem:$0x3FAC] =	sst s9;
	s0 =	simm.s32 @!p0 $0x0  }
0x12: {  	s1 =	sld [smem:$0x3F92];
	s0 =	simm.s32 @p0 $0x1  }
0x13: {  	[smem:$0x3FAD] =	sst s0;
	s0 =	simm.s32 @!p1 $0x0  }
0x14: {  	s2 =	sld [smem:$0x3F91];
	s0 =	simm.s32 @p1 $0x1  }
0x15: {  	[smem:$0x3FAE] =	sst s0;
	s0 =	simm.s32 @!p2 $0x0  }
0x16: {  	s3 =	sld [smem:$0x3FDB];
	s0 =	simm.s32 @p2 $0x1  }
0x17: {  	s4 =	simm.s32 $0x1BF5;
	[smem:$0x3FB0] =	sst s0  }
0x18: {  	s0 =	sld [smem:$0x3F93];
	_ =	swait.ge [sflag:s4], $0x0  }
0x19: {  	s7 =	sld [smem:$0x3F94]  }
0x1a: {  	s8 =	sadd.s32 $0xFFFFE003, lr  }
0x1b: {  	s9 =	sadd.s32 $0xFFFFFEF7, lr;
	s5 =	simm.s32 $0xFFFFFFFF;
	p2 =	slt.u32 s8, $0xFFFFF086  }
0x1c: {  	p1 =	slt.u32 s9, $0xF7A;
	s5 =	simm.s32 @!p2 $0x0  }
0x1d: {  	s5 =	simm.s32 @p1 $0x1;
	p0 =	seq.s32 s7, s2  }
0x1e: {  	s7 =	smul.u32 @!p0 $0xF7A, s2;
	p2 =	seq.s32 @!p0 s5, $0x0  }
0x1f: {  	s9 =	smul.u32 $0xF7A, s1;
	s8 =	simm.s32 @!p0 $0x1BF5;
	p2 =	por !p2, p0  }
0x20: {  	[sflag:s8] =	ssyncset.s32 @!p0 $0xFFFFF086;
	s6 =	sadd.s32 @!p0 s3, s7;
	s7 =	simm.s32 @!p0 $0x108  }
0x21: {  	s3 =	sadd.s32 s3, s9;
	s6 =	sadd.s32 @!p0 $0x88, s6;
	s7 =	simm.s32 @p2 $0x1082  }
0x22: {  	[simem:s7], [sflag:s8] =	dma.local @!p0 [hbm:s6], $0xF7A  }
0x23: {  	s9 =	sor.u32 $0xD0000000, s2;
	s6 =	simm.s32 $0x108;
	_ =	swait.ge @!p0 [sflag:s8], $0x0  }
0x24: {  	s3 =	sadd.s32 $0x88, s3;
	s6 =	simm.s32 @!p1 $0x1082;
	[sflag:s4] =	ssyncset.s32 $0xFFFFF086  }
0x25: {  	[simem:s6], [sflag:s4] =	dma.local [hbm:s3], $0xF7A  }
0x26: {  	[smem:$0x3F94] =	sst s1;
	(tag) =	ssettag s2;
	_ =	strace s9  }
0x27: {  	s1 =	sld [smem:$0x3FA4]  }
0x28: {  	s2 =	sld [smem:$0x3FA5]  }
0x29: {  	s4 =	sld [smem:$0x3FA7]  }
0x2a: {  	p0 =	seq.s32 s5, $0x0;
	s5 =	sld [smem:$0x3FA8]  }
0x2b: {  	s6 =	sld [smem:$0x3FA9]  }
0x2c: {  	s7 =	sld [smem:$0x3FAA]  }
0x2d: {  	s3 =	simm.s32 $0x108;
	s8 =	sld [smem:$0x3FAB]  }
0x2e: {  	s3 =	simm.s32 @!p0 $0x1082;
	s9 =	sld [smem:$0x3FAC]  }
0x2f: {  	lr =	sadd.s32 s0, s3;
	s0 =	sld [smem:$0x3FA3]  }
0x30: {  	s3 =	sld [smem:$0x3FA6]  }
0x31: {  	[smem:$0x3FAF] =	sst s10  }
0x32: {  	s10 =	sld [smem:$0x3FAD];
	_ =	sdelay $0x3  }
0x33: {  	p0 =	seq.s32 s10, $0x1;
	s10 =	sld [smem:$0x3FAF];
	_ =	sdelay $0x3  }
0x34: {  	[smem:$0x3FAF] =	sst s10  }
0x35: {  	s10 =	sld [smem:$0x3FAE];
	_ =	sdelay $0x3  }
0x36: {  	p1 =	seq.s32 s10, $0x1;
	s10 =	sld [smem:$0x3FAF];
	_ =	sdelay $0x3  }
0x37: {  	[smem:$0x3FAF] =	sst s10  }
0x38: {  	s10 =	sld [smem:$0x3FB0]  }
0x39: {  	_ = 	snop;
	(pc) =	sbr.ind lr, $3  }
0x3a: {  	_ = 	snop  }
0x3b: {  	_ = 	snop  }
0x3c: {  	p2 =	seq.s32 s10, $0x1;
	s10 =	sld [smem:$0x3FAF]  }
0x3d: {  	_ =	shalt  }
0x3e: {  	_ =	shalt  }
0x3f: {  	_ =	shalt  }
0x40: {  	_ =	shalt  }
0x41: {  	_ =	shalt  }
0x42: {  	_ =	shalt  }
0x43: {  	_ =	shalt  }
0x44: {  	_ =	shalt  }
0x45: {  	_ =	shalt  }
0x46: {  	_ =	shalt  }
0x47: {  	_ =	shalt  }
0x48: {  	_ =	shalt  }
0x49: {  	_ =	shalt  }
0x4a: {  	_ =	shalt  }
0x4b: {  	_ =	shalt  }
0x4c: {  	_ =	shalt  }
0x4d: {  	_ =	shalt  }
0x4e: {  	_ =	shalt  }
0x4f: {  	_ =	shalt  }
0x50: {  	_ =	shalt  }
0x51: {  	_ =	shalt  }
0x52: {  	_ =	shalt  }
0x53: {  	_ =	shalt  }
0x54: {  	_ =	shalt  }
0x55: {  	_ =	shalt  }
0x56: {  	_ =	shalt  }
0x57: {  	_ =	shalt  }
0x58: {  	_ =	shalt  }
0x59: {  	_ =	shalt  }
0x5a: {  	_ =	shalt  }
0x5b: {  	_ =	shalt  }
0x5c: {  	_ =	shalt  }
0x5d: {  	_ =	shalt  }
0x5e: {  	_ =	shalt  }
0x5f: {  	_ =	shalt  }
0x60: {  	_ =	shalt  }
0x61: {  	_ =	shalt  }
0x62: {  	_ =	shalt  }
0x63: {  	_ =	shalt  }
0x64: {  	_ =	shalt  }
0x65: {  	_ =	shalt  }
0x66: {  	_ =	shalt  }
0x67: {  	_ =	shalt  }
0x68: {  	_ =	shalt  }
0x69: {  	_ =	shalt  }
0x6a: {  	_ =	shalt  }
0x6b: {  	_ =	shalt  }
0x6c: {  	_ =	shalt  }
0x6d: {  	_ =	shalt  }
0x6e: {  	_ =	shalt  }
0x6f: {  	_ =	shalt  }
0x70: {  	_ =	shalt  }
0x71: {  	_ =	shalt  }
0x72: {  	_ =	shalt  }
0x73: {  	_ =	shalt  }
0x74: {  	_ =	shalt  }
0x75: {  	_ =	shalt  }
0x76: {  	_ =	shalt  }
0x77: {  	_ =	shalt  }
0x78: {  	_ =	shalt  }
0x79: {  	_ =	shalt  }
0x7a: {  	_ =	shalt  }
0x7b: {  	_ =	shalt  }
0x7c: {  	_ =	shalt  }
0x7d: {  	_ =	shalt  }
0x7e: {  	_ =	shalt  }
0x7f: {  	_ =	shalt  }
0x80: {  	_ =	shalt  }
0x81: {  	_ =	shalt  }
0x82: {  	_ =	shalt  }
0x83: {  	_ =	shalt  }
0x84: {  	_ =	shalt  }
0x85: {  	_ =	shalt  }
0x86: {  	_ =	shalt  }
0x87: {  	_ =	shalt  }
.Lfunc_end0:
.L_simem_size_0:
called_computation_lowered:
.L_overlay_start_0:
0x88: {  	s2 =	sld [smem:$0x3FD9]  }
0x89: {  	s3 =	sld [smem:$0x3FFE];
	_ =	sdelay $0x1  }
0x8a: {  	s1 =	srdreg.scid  }
0x8b: {  	s0 =	sand.u32 $0x1, s1  }
0x8c: {  	s17 =	sshll.u32 s0, $0xA;
	s2 =	sadd.s32 s3, s2  }
0x8d: {  	s2 =	sadd.s32 s2, s17  }
0x8e: {  	[smem:$0x3FBB] =	sst s2  }
0x8f: {  	_ = 	snop  }
0x90: {  	s2 =	sld [smem:$0x3FD0];
	(tm) =	ssettm $0x1  }
0x91: {  	s18 =	sld [smem:$0x3FFB];
	_ =	sdelay $0x3  }
0x92: {  	_ =	strace s18  }
0x93: {  	s3 =	sld [smem:$0x3FFC];
	_ =	sdelay $0x3  }
0x94: {  	_ =	strace s3  }
0x95: {  	s3 =	sld [smem:$0x3FFD];
	_ =	sdelay $0x3  }
0x96: {  	_ =	strace s3  }
0x97: {  	_ =	strace $0x8FFFFFFF  }
0x98: {  	s19 =	sld [smem:$0x3FDB];
	_ =	sdelay $0x1  }
0x99: {  	s4 =	simm.s32 $_scs_section_size  }
0x9a: {  	s5 =	simm.s32 $_size__tile_overlayer_lowered;
	s6 =	simm.s32 $_tile_overlayer_lowered  }
0x9b: {  	s22 =	simm.s32 $0x1BFF;
	s21 =	sshll.u32 s6, $0x1;
	s3 =	sadd.s32 s4, s19  }
0x9c: {  	s7 =	simm.s32 $0x0;
	s20 =	sshll.u32 s5, $0x1;
	s5 =	sadd.s32 s21, s3  }
0x9d: {  	[timem:s7], [sflag:s22] =	dma.local [hbm:s5], s20  }
0x9e: {  	_ =	swait.ge [sflag:s22], s20  }
0x9f: {  	s4 =	ssub.s32 $0x0, s20;
	[sflag:s22] =	ssyncset.done $0x0  }
0xa0: {  	[sflag:s22] =	ssyncadd.s32 s4;
	_ =	sdelay $0x1  }
0xa1: {  	s23 =	simm.s32 $0x1B8B  }
0xa2: {  	_ =	swait.ge [sflag:s23], $0x1  }
0xa3: {  	[sflag:s23] =	ssyncset.done $0x0  }
0xa4: {  	s25 =	simm.s32 $0x1B8E;
	s24 =	sld [smem:$0x3FFE];
	[sflag:s23] =	ssyncadd.s32 $0xFFFFFFFF  }
0xa5: {  	s26 =	simm.s32 $execute0_lowered;
	[smem:$0x3FD2] =	sst s25  }
0xa6: {  	s5 =	sshll.u32 s26, $0x1;
	_ =	strace $0x80000046;
	[dreg:$0x1] =	wrdreg $0xFFFFFFFF  }
0xa7: {  	s28 =	simm.s32 $_size_execute0_lowered;
	s3 =	sadd.s32 s3, s5;
	[dreg:$0x0] =	wrdreg $0x0  }
0xa8: {  	s5 =	sshll.u32 s28, $0x1;
	[dreg:$0x2] =	wrdreg s3  }
0xa9: {  	[dreg:$0x3] =	wrdreg s5  }
0xaa: {  	[dreg:$0x4] =	wrdreg $0xC0  }
0xab: {  	_ =	task [dreg:s7], $0x5FFFF  }
0xac: {  	[dreg:$0x1] =	wrdreg $0xFFFFFFFF  }
0xad: {  	[dreg:$0x0] =	wrdreg $0x60  }
0xae: {  	[dreg:$0x2] =	wrdreg s2  }
0xaf: {  	[dreg:$0x3] =	wrdreg s24  }
0xb0: {  	[dreg:$0x4] =	wrdreg $0x8E800  }
0xb1: {  	[dreg:$0x5] =	wrdreg $0x9  }
0xb2: {  	_ =	task.clear_ibuf [dreg:s7], $0x6FFFF;
	_ =	strace $0x90000046  }
0xb3: {  	s29 =	simm.s32 $0x9;
	_ =	strace $0x80000048  }
0xb4: {  	_ =	swait.ge [sflag:s29], $0x1  }
0xb5: {  	[sflag:s29] =	ssyncadd.s32 $0xFFFFFFFF  }
0xb6: {  	_ =	strace $0x90000048  }
0xb7: {  	_ =	sfence  }
0xb8: {  	s30 =	sld [smem:$0x0];
	_ =	sdelay $0x2  }
0xb9: {  	s31 =	sshll.u32 s1, $0xD;
	s1 =	sshrl.u32 s1, $0x2  }
0xba: {  	s3 =	sand.u32 $0x4000, s31;
	s1 =	sadd.s32 s1, s30  }
0xbb: {  	s0 =	sor.u32 s3, s0;
	s1 =	sshll.u32 s1, $0x11  }
0xbc: {  	s0 =	sor.u32 s1, s0  }
0xbd: {  	s0 =	sadd.s32 $0x8F2B, s0  }
0xbe: {  	[sflag:s0] =	ssyncadd.remote.s32 $0x1  }
0xbf: {  	_ =	sfence.sel $0xFFFF  }
0xc0: {  	[dreg:$0x0] =	wrdreg $0xFFFFFFFF;
	(pc) =	sbr.abs _section_cstart, $3  }
0xc1: {  	[dreg:$0x1] =	wrdreg $0xFFFFFFFF  }
0xc2: {  	_ =	task.clear_ibuf [dreg:s7], $0x2FFFF;
	_ =	strace $0x9FFFFFFF  }
0xc3: {  	(tm) =	ssettm $0x7FFFFFFF  }
tec
execute0_lowered:
.L_overlay_start_1:
0x0: {  	(tag) =	ssettag $0x1  }
0x1: {  	s2 =	rddreg [dreg:$0x0]  }
0x2: {  	s0 =	rddreg [dreg:$0x1];
	s1 =	srdreg.scid  }
0x3: {  	s3 =	rddreg [dreg:$0x2];
	s12 =	stileid.u32;
	s4 =	simm.s32 $0x0  }
0x4: {  	s14 =	simm.s32 $0x7D;
	s15 =	simm.s32 $0x5000;
	s16 =	simm.s32 $0x80  }
0x5: {  	s17 =	simm.s32 $0x5FA0;
	s18 =	simm.s32 $0x100;
	s19 =	simm.s32 $0x6F40  }
0x6: {  	s20 =	simm.s32 $0x180;
	s21 =	simm.s32 $0x7EE0;
	s22 =	simm.s32 $0x1  }
0x7: {  	s23 =	simm.s32 $0x2;
	s24 =	simm.s32 $0x3;
	s28 =	simm.s32 $0x4E80  }
0x8: {  	s29 =	simm.s32 $0x4F00;
	s30 =	simm.s32 $0x4F80;
	s31 =	simm.s32 $0x0  }
0x9: {  	s1 =	sand.u32 $0x1, s1;
	s6 =	smul.u32 $0x5000, s12;
	[smem:$0x7FF] =	sst s4  }
0xa: {  	s26 =	sshll.u32 s12, $0x6;
	s5 =	sshll.u32 s1, $0x4;
	s7 =	smul.u32 $0x50000, s1  }
0xb: {  	_ =	strace $0x80000047;
	s8 =	ssub.s32 $0x2, s1;
	p0 =	seq.s32 s1, $0x0  }
0xc: {  	s5 =	sor.u32 s12, s5;
	s9 =	sshrl.u32 s8, $0x1;
	s25 =	sadd.s32 s6, s3  }
0xd: {  	s11 =	sshrl.u32 s6, $0x3;
	s12 =	simm.s32 $0x5;
	s5 =	smul.u32 $0x2800, s5  }
0xe: {  	s7 =	sadd.s32 s6, s7;
	s8 =	ssub.s32 s8, s9;
	s9 =	simm.s32 $0x18400  }
0xf: {  	s7 =	sshrl.u32 s7, $0x3;
	s9 =	simm.s32 @!p0 $0x22400;
	s5 =	sshrl.u32 s5, $0x3  }
0x10: {  	s8 =	smax.u32 s8, $0x1;
	s7 =	sadd.s32 s7, s0;
	s10 =	sadd.s32 s5, s0  }
0x11: {  	s7 =	sadd.s32 $0x2C400, s7;
	s0 =	sadd.s32 s9, s0;
	s5 =	sadd.s32 $0x4400, s10  }
0x12: {  	s6 =	sadd.s32 $0xE400, s10;
	s9 =	sadd.s32 s0, s11;
	s10 =	sor.u32 $0x1C05, s26  }
0x13: {  	s11 =	sshrl.u32 s25, $0x3;
	s25 =	simm.s32 $0x4;
	s26 =	simm.s32 $0x4E00  }
.LBB2_1:
0x14: {  	[spmem:s11], [sflag:s10] =	dma.local [hbm:s9], $0xA00  }
0x15: {  	_ =	swait.ge [sflag:s12], $0xA00  }
0x16: {  	[sflag:s12] =	ssyncset.done $0x0  }
0x17: {  	[sflag:s12] =	ssyncadd.s32 $0xFFFFF600  }
0x18: {  	[tilespmem:s4], [sflag:$0x5] =	stream.linear.gather [hbm4b:s5+s4], $0x2800, $0x38;
	[tilespmem:$0xDE80] =	vst v63  }
0x19: {  	_ =	swait.ge [sflag:s12], $0x2800  }
0x1a: {  	[sflag:s12] =	ssyncset.done $0x0  }
0x1b: {  	s0 =	simm.s32 $0x2800;
	[sflag:s12] =	ssyncadd.s32 $0xFFFFD800  }
0x1c: {  	[tilespmem:s0], [sflag:$0x5] =	stream.linear.gather [hbm4b:s6+s4], $0x2800, $0x38;
	[tilespmem:$0xDE80] =	vst v63  }
0x1d: {  	_ =	swait.ge [sflag:s12], $0x2800  }
0x1e: {  	[sflag:s12] =	ssyncset.done $0x0  }
0x1f: {  	[sflag:s12] =	ssyncadd.s32 $0xFFFFD800  }
0x20: {  	[bflag:$0x0] =	sbarrier.arrive $0xFFFF  }
0x21: {  	[tilespmem:s15], [sflag:$0x1] =	stream.indirect.gather [hbm4b:s2+s14], $0x20, s4, s14, $0xb8;
	[tilespmem:$0xDE80] =	vst v63  }
0x22: {  	_ = 	snop  }
0x23: {  	[tilespmem:s17], [sflag:$0x2] =	stream.indirect.gather [hbm4b:s2+s14], $0x20, s16, s14, $0xb8;
	[tilespmem:$0xDE80] =	vst v63  }
0x24: {  	_ = 	snop  }
0x25: {  	[tilespmem:s19], [sflag:$0x3] =	stream.indirect.gather [hbm4b:s2+s14], $0x20, s18, s14, $0xb8;
	[tilespmem:$0xDE80] =	vst v63  }
0x26: {  	_ = 	snop  }
0x27: {  	[tilespmem:s21], [sflag:$0x4] =	stream.indirect.gather [hbm4b:s2+s14], $0x20, s20, s14, $0xb8;
	[tilespmem:$0xDE80] =	vst v63  }
0x28: {  	_ =	swait.ge [sflag:s22], $0xFA0  }
0x29: {  	[sflag:s22] =	ssyncset.done $0x0  }
0x2a: {  	s13 =	simm.s32 $0x2800;
	[sflag:s22] =	ssyncadd.s32 $0xFFFFF060  }
0x2b: {  	[spmem:s3] =	stream.indirect.scatter.add.f32 [tilespmem:s15], [sflag:$0x5], $0x20, s13, s14, $0xb8;
	[tilespmem:$0xDE80] =	vst v63  }
0x2c: {  	_ =	swait.ge [sflag:s12], $0xFA0  }
0x2d: {  	[sflag:s12] =	ssyncset.done $0x0  }
0x2e: {  	s1 =	simm.s32 $0x200;
	[sflag:s12] =	ssyncadd.s32 $0xFFFFF060  }
0x2f: {  	[tilespmem:s15], [sflag:$0x1] =	stream.indirect.gather [hbm4b:s2+s14], $0x20, s1, s14, $0xb8;
	[tilespmem:$0xDE80] =	vst v63  }
0x30: {  	_ =	swait.ge [sflag:s23], $0xFA0  }
0x31: {  	[sflag:s23] =	ssyncset.done $0x0  }
0x32: {  	s13 =	simm.s32 $0x2880;
	[sflag:s23] =	ssyncadd.s32 $0xFFFFF060  }
0x33: {  	[spmem:s3] =	stream.indirect.scatter.add.f32 [tilespmem:s17], [sflag:$0x5], $0x20, s13, s14, $0xb8;
	[tilespmem:$0xDE80] =	vst v63  }
0x34: {  	_ =	swait.ge [sflag:s12], $0xFA0  }
0x35: {  	[sflag:s12] =	ssyncset.done $0x0  }
0x36: {  	s1 =	simm.s32 $0x280;
	[sflag:s12] =	ssyncadd.s32 $0xFFFFF060  }
0x37: {  	[tilespmem:s17], [sflag:$0x2] =	stream.indirect.gather [hbm4b:s2+s14], $0x20, s1, s14, $0xb8;
	[tilespmem:$0xDE80] =	vst v63  }
0x38: {  	_ =	swait.ge [sflag:s24], $0xFA0  }
0x39: {  	[sflag:s24] =	ssyncset.done $0x0  }
0x3a: {  	s13 =	simm.s32 $0x2900;
	[sflag:s24] =	ssyncadd.s32 $0xFFFFF060  }
0x3b: {  	[spmem:s3] =	stream.indirect.scatter.add.f32 [tilespmem:s19], [sflag:$0x5], $0x20, s13, s14, $0xb8;
	[tilespmem:$0xDE80] =	vst v63  }
0x3c: {  	_ =	swait.ge [sflag:s12], $0xFA0  }
0x3d: {  	[sflag:s12] =	ssyncset.done $0x0  }
0x3e: {  	s1 =	simm.s32 $0x300;
	[sflag:s12] =	ssyncadd.s32 $0xFFFFF060  }
0x3f: {  	[tilespmem:s19], [sflag:$0x3] =	stream.indirect.gather [hbm4b:s2+s14], $0x20, s1, s14, $0xb8;
	[tilespmem:$0xDE80] =	vst v63  }
0x40: {  	_ =	swait.ge [sflag:s25], $0xFA0  }
0x41: {  	[sflag:s25] =	ssyncset.done $0x0  }
0x42: {  	s13 =	simm.s32 $0x2980;
	[sflag:s25] =	ssyncadd.s32 $0xFFFFF060  }
0x43: {  	[spmem:s3] =	stream.indirect.scatter.add.f32 [tilespmem:s21], [sflag:$0x5], $0x20, s13, s14, $0xb8;
	[tilespmem:$0xDE80] =	vst v63  }
0x44: {  	_ =	swait.ge [sflag:s12], $0xFA0  }
0x45: {  	[sflag:s12] =	ssyncset.done $0x0  }
0x46: {  	s0 =	simm.s32 $0x800;
	s1 =	simm.s32 $0x380;
	[sflag:s12] =	ssyncadd.s32 $0xFFFFF060  }
.LBB2_2:
0x47: {  	[tilespmem:s21], [sflag:$0x4] =	stream.indirect.gather [hbm4b:s2+s14], $0x20, s1, s14, $0xb8;
	[tilespmem:$0xDE80] =	vst v63  }
0x48: {  	s1 =	smov.u32 s0  }
0x49: {  	p0 =	sne.s32 s0, $0x9000;
	s0 =	sadd.s32 $0x800, s0;
	_ =	swait.ge [sflag:s22], $0xFA0  }
0x4a: {  	s1 =	sshra.s32 s1, $0x2;
	[sflag:s22] =	ssyncset.done $0x0  }
0x4b: {  	s13 =	sadd.s32 $0x2800, s1;
	[sflag:s22] =	ssyncadd.s32 $0xFFFFF060  }
0x4c: {  	[spmem:s3] =	stream.indirect.scatter.add.f32 [tilespmem:s15], [sflag:$0x5], $0x20, s13, s14, $0xb8;
	[tilespmem:$0xDE80] =	vst v63  }
0x4d: {  	_ =	swait.ge [sflag:s12], $0xFA0  }
0x4e: {  	[sflag:s12] =	ssyncset.done $0x0  }
0x4f: {  	s13 =	sadd.s32 $0x200, s1;
	[sflag:s12] =	ssyncadd.s32 $0xFFFFF060  }
0x50: {  	[tilespmem:s15], [sflag:$0x1] =	stream.indirect.gather [hbm4b:s2+s14], $0x20, s13, s14, $0xb8;
	[tilespmem:$0xDE80] =	vst v63  }
0x51: {  	_ =	swait.ge [sflag:s23], $0xFA0  }
0x52: {  	[sflag:s23] =	ssyncset.done $0x0  }
0x53: {  	s13 =	sadd.s32 $0x2880, s1;
	[sflag:s23] =	ssyncadd.s32 $0xFFFFF060  }
0x54: {  	[spmem:s3] =	stream.indirect.scatter.add.f32 [tilespmem:s17], [sflag:$0x5], $0x20, s13, s14, $0xb8;
	[tilespmem:$0xDE80] =	vst v63  }
0x55: {  	_ =	swait.ge [sflag:s12], $0xFA0  }
0x56: {  	[sflag:s12] =	ssyncset.done $0x0  }
0x57: {  	s13 =	sadd.s32 $0x280, s1;
	[sflag:s12] =	ssyncadd.s32 $0xFFFFF060  }
0x58: {  	[tilespmem:s17], [sflag:$0x2] =	stream.indirect.gather [hbm4b:s2+s14], $0x20, s13, s14, $0xb8;
	[tilespmem:$0xDE80] =	vst v63  }
0x59: {  	_ =	swait.ge [sflag:s24], $0xFA0  }
0x5a: {  	[sflag:s24] =	ssyncset.done $0x0  }
0x5b: {  	s13 =	sadd.s32 $0x2900, s1;
	[sflag:s24] =	ssyncadd.s32 $0xFFFFF060  }
0x5c: {  	[spmem:s3] =	stream.indirect.scatter.add.f32 [tilespmem:s19], [sflag:$0x5], $0x20, s13, s14, $0xb8;
	[tilespmem:$0xDE80] =	vst v63  }
0x5d: {  	_ =	swait.ge [sflag:s12], $0xFA0  }
0x5e: {  	[sflag:s12] =	ssyncset.done $0x0  }
0x5f: {  	s13 =	sadd.s32 $0x300, s1;
	[sflag:s12] =	ssyncadd.s32 $0xFFFFF060  }
0x60: {  	[tilespmem:s19], [sflag:$0x3] =	stream.indirect.gather [hbm4b:s2+s14], $0x20, s13, s14, $0xb8;
	[tilespmem:$0xDE80] =	vst v63  }
0x61: {  	_ =	swait.ge [sflag:s25], $0xFA0  }
0x62: {  	[sflag:s25] =	ssyncset.done $0x0  }
.Ltmp0:
0x63: {  	s13 =	sadd.s32 $0x2980, s1;
	[sflag:s25] =	ssyncadd.s32 $0xFFFFF060;
	(pc) =	sbr.rel @p0 .LBB2_2-.Ltmp0, $4  }
0x64: {  	[spmem:s3] =	stream.indirect.scatter.add.f32 [tilespmem:s21], [sflag:$0x5], $0x20, s13, s14, $0xb8;
	[tilespmem:$0xDE80] =	vst v63  }
0x65: {  	_ =	swait.ge [sflag:s12], $0xFA0  }
0x66: {  	[sflag:s12] =	ssyncset.done $0x0  }
0x67: {  	s1 =	sadd.s32 $0x380, s1;
	[sflag:s12] =	ssyncadd.s32 $0xFFFFF060  }
0x68: {  	[tilespmem:s21], [sflag:$0x4] =	stream.indirect.gather [hbm4b:s2+s14], $0x20, s1, s14, $0xb8;
	[tilespmem:$0xDE80] =	vst v63  }
0x69: {  	_ =	swait.ge [sflag:s22], $0xFA0  }
0x6a: {  	[sflag:s22] =	ssyncset.done $0x0  }
0x6b: {  	[sflag:s22] =	ssyncadd.s32 $0xFFFFF060  }
0x6c: {  	[spmem:s3] =	stream.indirect.scatter.add.f32 [tilespmem:s15], [sflag:$0x5], $0x20, s26, s14, $0xb8;
	[tilespmem:$0xDE80] =	vst v63  }
0x6d: {  	_ =	swait.ge [sflag:s12], $0xFA0  }
0x6e: {  	[sflag:s12] =	ssyncset.done $0x0  }
0x6f: {  	[sflag:s12] =	ssyncadd.s32 $0xFFFFF060  }
0x70: {  	_ =	swait.ge [sflag:s23], $0xFA0  }
0x71: {  	[sflag:s23] =	ssyncset.done $0x0  }
0x72: {  	[sflag:s23] =	ssyncadd.s32 $0xFFFFF060  }
0x73: {  	[spmem:s3] =	stream.indirect.scatter.add.f32 [tilespmem:s17], [sflag:$0x5], $0x20, s28, s14, $0xb8;
	[tilespmem:$0xDE80] =	vst v63  }
0x74: {  	_ =	swait.ge [sflag:s12], $0xFA0  }
0x75: {  	[sflag:s12] =	ssyncset.done $0x0  }
0x76: {  	[sflag:s12] =	ssyncadd.s32 $0xFFFFF060  }
0x77: {  	_ =	swait.ge [sflag:s24], $0xFA0  }
0x78: {  	[sflag:s24] =	ssyncset.done $0x0  }
0x79: {  	[sflag:s24] =	ssyncadd.s32 $0xFFFFF060  }
0x7a: {  	[spmem:s3] =	stream.indirect.scatter.add.f32 [tilespmem:s19], [sflag:$0x5], $0x20, s29, s14, $0xb8;
	[tilespmem:$0xDE80] =	vst v63  }
0x7b: {  	_ =	swait.ge [sflag:s12], $0xFA0  }
0x7c: {  	[sflag:s12] =	ssyncset.done $0x0  }
0x7d: {  	[sflag:s12] =	ssyncadd.s32 $0xFFFFF060  }
0x7e: {  	_ =	swait.ge [sflag:s25], $0xFA0  }
0x7f: {  	[sflag:s25] =	ssyncset.done $0x0  }
0x80: {  	[sflag:s25] =	ssyncadd.s32 $0xFFFFF060  }
0x81: {  	[spmem:s3] =	stream.indirect.scatter.add.f32 [tilespmem:s21], [sflag:$0x5], $0x20, s30, s14, $0xb8;
	[tilespmem:$0xDE80] =	vst v63  }
0x82: {  	_ =	swait.ge [sflag:s12], $0xFA0  }
0x83: {  	s31 =	sadd.s32 $0x1, s31;
	[sflag:s12] =	ssyncset.done $0x0  }
0x84: {  	p0 =	sne.s32 s31, s8;
	[sflag:s12] =	ssyncadd.s32 $0xFFFFF060  }
.Ltmp1:
0x85: {  	[bflag:$0x0] =	sbarrier.arrive $0xFFFF;
	(pc) =	sbr.rel @p0 .LBB2_1-.Ltmp1, $4  }
0x86: {  	[hbm:s7], [sflag:s10] =	dma.local [spmem:s11], $0xA00  }
0x87: {  	_ =	swait.ge [sflag:s12], $0xA00  }
0x88: {  	[sflag:s12] =	ssyncset.done $0x0  }
0x89: {  	[sflag:s12] =	ssyncadd.s32 $0xFFFFF600  }
0x8a: {  	_ =	sfence.sel $0x180000  }
0x8b: {  	[bflag:$0x0] =	sbarrier.arrive $0xFFFF  }
0x8c: {  	_ =	strace $0x90000047  }
0x8d: {  	s0 =	stileid.u32;
	[bflag:$0x2] =	sbarrier.arrive $0xFFFF  }
0x8e: {  	p0 =	sne.s32 s0, $0x0;
	s0 =	rddreg [dreg:$0x3]  }
0x8f: {  	s0 =	sadd.s32 @!p0 $0x100000, s0  }
0x90: {  	[sflag:s0] =	ssyncadd.tile.s32 @!p0 $0x1;
	_ =	shalt  }
.Lfunc_end2:
_tile_overlayer_lowered:
.L_overlay_start_2:
0x91: {  	(tag) =	ssettag $0x2  }
0x92: {  	s0 =	rddreg [dreg:$0x0];
	s2 =	stileid.u32  }
0x93: {  	s1 =	rddreg [dreg:$0x1];
	p0 =	sne.s32 s2, $0x0  }
0x94: {  	s3 =	rddreg [dreg:$0x2];
	[bflag:$0x3] =	sbarrier.arrive $0xFFFF;
	s2 =	simm.s32 @!p0 $0x1C05  }
0x95: {  	[timem:s3], [sflag:s2] =	dma.local @!p0 [hbm:s0], s1  }
0x96: {  	s0 =	simm.s32 @!p0 $0x5  }
0x97: {  	_ =	swait.ge @!p0 [sflag:s0], s1  }
0x98: {  	s1 =	ssub.s32 @!p0 $0x0, s1;
	[sflag:s0] =	ssyncset.done @!p0 $0x0  }
0x99: {  	[sflag:s0] =	ssyncadd.s32 @!p0 s1  }
0x9a: {  	[bflag:$0x3] =	sbarrier.arrive $0xFFFF  }
0x9b: {  	_ =	shalt  }

// kernel: kernel.14.cloned.1.call-start
scs
__scs_entry_jumppad:
0x0: {  	(pc) =	sbr.rel $0x88, $3  }
0x1: {  	(tag) =	ssettag $0x0;
	lr =	simm.s32 $0x1  }
0x2: {  	[smem:$0x3F94] =	sst lr;
	_ =	strace $0xD0000000  }
0x3: {  	_ = 	snop  }
0x4: {  	_ = 	snop  }
0x5: {  	_ = 	snop  }
0x6: {  	_ = 	snop  }
0x7: {  	_ = 	snop  }
__scs_overlays_trampoline_lowered:
0x8: {  	[smem:$0x3FA3] =	sst s0  }
0x9: {  	[smem:$0x3FA4] =	sst s1  }
0xa: {  	[smem:$0x3FA5] =	sst s2  }
0xb: {  	[smem:$0x3FA6] =	sst s3  }
0xc: {  	[smem:$0x3FA7] =	sst s4  }
0xd: {  	[smem:$0x3FA8] =	sst s5  }
0xe: {  	[smem:$0x3FA9] =	sst s6  }
0xf: {  	[smem:$0x3FAA] =	sst s7  }
0x10: {  	[smem:$0x3FAB] =	sst s8  }
0x11: {  	[smem:$0x3FAC] =	sst s9;
	s0 =	simm.s32 @!p0 $0x0  }
0x12: {  	s1 =	sld [smem:$0x3F92];
	s0 =	simm.s32 @p0 $0x1  }
0x13: {  	[smem:$0x3FAD] =	sst s0;
	s0 =	simm.s32 @!p1 $0x0  }
0x14: {  	s2 =	sld [smem:$0x3F91];
	s0 =	simm.s32 @p1 $0x1  }
0x15: {  	[smem:$0x3FAE] =	sst s0;
	s0 =	simm.s32 @!p2 $0x0  }
0x16: {  	s3 =	sld [smem:$0x3FDB];
	s0 =	simm.s32 @p2 $0x1  }
0x17: {  	s4 =	simm.s32 $0x1BF5;
	[smem:$0x3FB0] =	sst s0  }
0x18: {  	s0 =	sld [smem:$0x3F93];
	_ =	swait.ge [sflag:s4], $0x0  }
0x19: {  	s7 =	sld [smem:$0x3F94]  }
0x1a: {  	s8 =	sadd.s32 $0xFFFFE003, lr  }
0x1b: {  	s9 =	sadd.s32 $0xFFFFFEF7, lr;
	s5 =	simm.s32 $0xFFFFFFFF;
	p2 =	slt.u32 s8, $0xFFFFF086  }
0x1c: {  	p1 =	slt.u32 s9, $0xF7A;
	s5 =	simm.s32 @!p2 $0x0  }
0x1d: {  	s5 =	simm.s32 @p1 $0x1;
	p0 =	seq.s32 s7, s2  }
0x1e: {  	s7 =	smul.u32 @!p0 $0xF7A, s2;
	p2 =	seq.s32 @!p0 s5, $0x0  }
0x1f: {  	s9 =	smul.u32 $0xF7A, s1;
	s8 =	simm.s32 @!p0 $0x1BF5;
	p2 =	por !p2, p0  }
0x20: {  	[sflag:s8] =	ssyncset.s32 @!p0 $0xFFFFF086;
	s6 =	sadd.s32 @!p0 s3, s7;
	s7 =	simm.s32 @!p0 $0x108  }
0x21: {  	s3 =	sadd.s32 s3, s9;
	s6 =	sadd.s32 @!p0 $0x88, s6;
	s7 =	simm.s32 @p2 $0x1082  }
0x22: {  	[simem:s7], [sflag:s8] =	dma.local @!p0 [hbm:s6], $0xF7A  }
0x23: {  	s9 =	sor.u32 $0xD0000000, s2;
	s6 =	simm.s32 $0x108;
	_ =	swait.ge @!p0 [sflag:s8], $0x0  }
0x24: {  	s3 =	sadd.s32 $0x88, s3;
	s6 =	simm.s32 @!p1 $0x1082;
	[sflag:s4] =	ssyncset.s32 $0xFFFFF086  }
0x25: {  	[simem:s6], [sflag:s4] =	dma.local [hbm:s3], $0xF7A  }
0x26: {  	[smem:$0x3F94] =	sst s1;
	(tag) =	ssettag s2;
	_ =	strace s9  }
0x27: {  	s1 =	sld [smem:$0x3FA4]  }
0x28: {  	s2 =	sld [smem:$0x3FA5]  }
0x29: {  	s4 =	sld [smem:$0x3FA7]  }
0x2a: {  	p0 =	seq.s32 s5, $0x0;
	s5 =	sld [smem:$0x3FA8]  }
0x2b: {  	s6 =	sld [smem:$0x3FA9]  }
0x2c: {  	s7 =	sld [smem:$0x3FAA]  }
0x2d: {  	s3 =	simm.s32 $0x108;
	s8 =	sld [smem:$0x3FAB]  }
0x2e: {  	s3 =	simm.s32 @!p0 $0x1082;
	s9 =	sld [smem:$0x3FAC]  }
0x2f: {  	lr =	sadd.s32 s0, s3;
	s0 =	sld [smem:$0x3FA3]  }
0x30: {  	s3 =	sld [smem:$0x3FA6]  }
0x31: {  	[smem:$0x3FAF] =	sst s10  }
0x32: {  	s10 =	sld [smem:$0x3FAD];
	_ =	sdelay $0x3  }
0x33: {  	p0 =	seq.s32 s10, $0x1;
	s10 =	sld [smem:$0x3FAF];
	_ =	sdelay $0x3  }
0x34: {  	[smem:$0x3FAF] =	sst s10  }
0x35: {  	s10 =	sld [smem:$0x3FAE];
	_ =	sdelay $0x3  }
0x36: {  	p1 =	seq.s32 s10, $0x1;
	s10 =	sld [smem:$0x3FAF];
	_ =	sdelay $0x3  }
0x37: {  	[smem:$0x3FAF] =	sst s10  }
0x38: {  	s10 =	sld [smem:$0x3FB0]  }
0x39: {  	_ = 	snop;
	(pc) =	sbr.ind lr, $3  }
0x3a: {  	_ = 	snop  }
0x3b: {  	_ = 	snop  }
0x3c: {  	p2 =	seq.s32 s10, $0x1;
	s10 =	sld [smem:$0x3FAF]  }
0x3d: {  	_ =	shalt  }
0x3e: {  	_ =	shalt  }
0x3f: {  	_ =	shalt  }
0x40: {  	_ =	shalt  }
0x41: {  	_ =	shalt  }
0x42: {  	_ =	shalt  }
0x43: {  	_ =	shalt  }
0x44: {  	_ =	shalt  }
0x45: {  	_ =	shalt  }
0x46: {  	_ =	shalt  }
0x47: {  	_ =	shalt  }
0x48: {  	_ =	shalt  }
0x49: {  	_ =	shalt  }
0x4a: {  	_ =	shalt  }
0x4b: {  	_ =	shalt  }
0x4c: {  	_ =	shalt  }
0x4d: {  	_ =	shalt  }
0x4e: {  	_ =	shalt  }
0x4f: {  	_ =	shalt  }
0x50: {  	_ =	shalt  }
0x51: {  	_ =	shalt  }
0x52: {  	_ =	shalt  }
0x53: {  	_ =	shalt  }
0x54: {  	_ =	shalt  }
0x55: {  	_ =	shalt  }
0x56: {  	_ =	shalt  }
0x57: {  	_ =	shalt  }
0x58: {  	_ =	shalt  }
0x59: {  	_ =	shalt  }
0x5a: {  	_ =	shalt  }
0x5b: {  	_ =	shalt  }
0x5c: {  	_ =	shalt  }
0x5d: {  	_ =	shalt  }
0x5e: {  	_ =	shalt  }
0x5f: {  	_ =	shalt  }
0x60: {  	_ =	shalt  }
0x61: {  	_ =	shalt  }
0x62: {  	_ =	shalt  }
0x63: {  	_ =	shalt  }
0x64: {  	_ =	shalt  }
0x65: {  	_ =	shalt  }
0x66: {  	_ =	shalt  }
0x67: {  	_ =	shalt  }
0x68: {  	_ =	shalt  }
0x69: {  	_ =	shalt  }
0x6a: {  	_ =	shalt  }
0x6b: {  	_ =	shalt  }
0x6c: {  	_ =	shalt  }
0x6d: {  	_ =	shalt  }
0x6e: {  	_ =	shalt  }
0x6f: {  	_ =	shalt  }
0x70: {  	_ =	shalt  }
0x71: {  	_ =	shalt  }
0x72: {  	_ =	shalt  }
0x73: {  	_ =	shalt  }
0x74: {  	_ =	shalt  }
0x75: {  	_ =	shalt  }
0x76: {  	_ =	shalt  }
0x77: {  	_ =	shalt  }
0x78: {  	_ =	shalt  }
0x79: {  	_ =	shalt  }
0x7a: {  	_ =	shalt  }
0x7b: {  	_ =	shalt  }
0x7c: {  	_ =	shalt  }
0x7d: {  	_ =	shalt  }
0x7e: {  	_ =	shalt  }
0x7f: {  	_ =	shalt  }
0x80: {  	_ =	shalt  }
0x81: {  	_ =	shalt  }
0x82: {  	_ =	shalt  }
0x83: {  	_ =	shalt  }
0x84: {  	_ =	shalt  }
0x85: {  	_ =	shalt  }
0x86: {  	_ =	shalt  }
0x87: {  	_ =	shalt  }
.Lfunc_end0:
.L_simem_size_0:
called_computation.1_lowered:
.L_overlay_start_0:
0x88: {  	s2 =	sld [smem:$0x3FD9]  }
0x89: {  	s3 =	sld [smem:$0x3FFE];
	_ =	sdelay $0x1  }
0x8a: {  	s1 =	srdreg.scid  }
0x8b: {  	s0 =	sand.u32 $0x1, s1  }
0x8c: {  	s17 =	sshll.u32 s0, $0xA;
	s2 =	sadd.s32 s3, s2  }
0x8d: {  	s2 =	sadd.s32 s2, s17  }
0x8e: {  	[smem:$0x3FBB] =	sst s2  }
0x8f: {  	_ = 	snop  }
0x90: {  	s2 =	sld [smem:$0x3FD0];
	(tm) =	ssettm $0x1  }
0x91: {  	s18 =	sld [smem:$0x3FFB];
	_ =	sdelay $0x3  }
0x92: {  	_ =	strace s18  }
0x93: {  	s3 =	sld [smem:$0x3FFC];
	_ =	sdelay $0x3  }
0x94: {  	_ =	strace s3  }
0x95: {  	s3 =	sld [smem:$0x3FFD];
	_ =	sdelay $0x3  }
0x96: {  	_ =	strace s3  }
0x97: {  	_ =	strace $0x8FFFFFFF  }
0x98: {  	s19 =	sld [smem:$0x3FDB];
	_ =	sdelay $0x1  }
0x99: {  	s4 =	simm.s32 $_scs_section_size  }
0x9a: {  	s5 =	simm.s32 $_size__tile_overlayer_lowered;
	s6 =	simm.s32 $_tile_overlayer_lowered  }
0x9b: {  	s22 =	simm.s32 $0x1BFF;
	s21 =	sshll.u32 s6, $0x1;
	s3 =	sadd.s32 s4, s19  }
0x9c: {  	s7 =	simm.s32 $0x0;
	s20 =	sshll.u32 s5, $0x1;
	s5 =	sadd.s32 s21, s3  }
0x9d: {  	[timem:s7], [sflag:s22] =	dma.local [hbm:s5], s20  }
0x9e: {  	_ =	swait.ge [sflag:s22], s20  }
0x9f: {  	s4 =	ssub.s32 $0x0, s20;
	[sflag:s22] =	ssyncset.done $0x0  }
0xa0: {  	[sflag:s22] =	ssyncadd.s32 s4;
	_ =	sdelay $0x1  }
0xa1: {  	s23 =	simm.s32 $0x1B8B  }
0xa2: {  	_ =	swait.ge [sflag:s23], $0x1  }
0xa3: {  	[sflag:s23] =	ssyncset.done $0x0  }
0xa4: {  	s25 =	simm.s32 $0x1B8E;
	s24 =	sld [smem:$0x3FFE];
	[sflag:s23] =	ssyncadd.s32 $0xFFFFFFFF  }
0xa5: {  	s26 =	simm.s32 $execute0_lowered;
	[smem:$0x3FD2] =	sst s25  }
0xa6: {  	s5 =	sshll.u32 s26, $0x1;
	_ =	strace $0x80000049;
	[dreg:$0x1] =	wrdreg $0xFFFFFFFF  }
0xa7: {  	s28 =	simm.s32 $_size_execute0_lowered;
	s3 =	sadd.s32 s3, s5;
	[dreg:$0x0] =	wrdreg $0x0  }
0xa8: {  	s5 =	sshll.u32 s28, $0x1;
	[dreg:$0x2] =	wrdreg s3  }
0xa9: {  	[dreg:$0x3] =	wrdreg s5  }
0xaa: {  	[dreg:$0x4] =	wrdreg $0xC0  }
0xab: {  	_ =	task [dreg:s7], $0x5FFFF  }
0xac: {  	[dreg:$0x1] =	wrdreg $0xFFFFFFFF  }
0xad: {  	[dreg:$0x0] =	wrdreg $0x60  }
0xae: {  	[dreg:$0x2] =	wrdreg s2  }
0xaf: {  	[dreg:$0x3] =	wrdreg s24  }
0xb0: {  	[dreg:$0x4] =	wrdreg $0x8E800  }
0xb1: {  	[dreg:$0x5] =	wrdreg $0x9  }
0xb2: {  	_ =	task.clear_ibuf [dreg:s7], $0x6FFFF;
	_ =	strace $0x90000049  }
0xb3: {  	s29 =	simm.s32 $0x9;
	_ =	strace $0x8000004B  }
0xb4: {  	_ =	swait.ge [sflag:s29], $0x1  }
0xb5: {  	[sflag:s29] =	ssyncadd.s32 $0xFFFFFFFF  }
0xb6: {  	_ =	strace $0x9000004B  }
0xb7: {  	_ =	sfence  }
0xb8: {  	s30 =	sld [smem:$0x0];
	_ =	sdelay $0x2  }
0xb9: {  	s31 =	sshll.u32 s1, $0xD;
	s1 =	sshrl.u32 s1, $0x2  }
0xba: {  	s3 =	sand.u32 $0x4000, s31;
	s1 =	sadd.s32 s1, s30  }
0xbb: {  	s0 =	sor.u32 s3, s0;
	s1 =	sshll.u32 s1, $0x11  }
0xbc: {  	s0 =	sor.u32 s1, s0  }
0xbd: {  	s0 =	sadd.s32 $0x8F2B, s0  }
0xbe: {  	[sflag:s0] =	ssyncadd.remote.s32 $0x1  }
0xbf: {  	_ =	sfence.sel $0xFFFF  }
0xc0: {  	[dreg:$0x0] =	wrdreg $0xFFFFFFFF;
	(pc) =	sbr.abs _section_cstart, $3  }
0xc1: {  	[dreg:$0x1] =	wrdreg $0xFFFFFFFF  }
0xc2: {  	_ =	task.clear_ibuf [dreg:s7], $0x2FFFF;
	_ =	strace $0x9FFFFFFF  }
0xc3: {  	(tm) =	ssettm $0x7FFFFFFF  }
tec
execute0_lowered:
.L_overlay_start_1:
0x0: {  	(tag) =	ssettag $0x1  }
0x1: {  	s2 =	rddreg [dreg:$0x0]  }
0x2: {  	s0 =	rddreg [dreg:$0x1];
	s1 =	srdreg.scid  }
0x3: {  	s3 =	rddreg [dreg:$0x2];
	s12 =	stileid.u32;
	s4 =	simm.s32 $0x0  }
0x4: {  	s14 =	simm.s32 $0x7D;
	s15 =	simm.s32 $0x5000;
	s16 =	simm.s32 $0x80  }
0x5: {  	s17 =	simm.s32 $0x5FA0;
	s18 =	simm.s32 $0x100;
	s19 =	simm.s32 $0x6F40  }
0x6: {  	s20 =	simm.s32 $0x180;
	s21 =	simm.s32 $0x7EE0;
	s22 =	simm.s32 $0x1  }
0x7: {  	s23 =	simm.s32 $0x2;
	s24 =	simm.s32 $0x3;
	s28 =	simm.s32 $0x4E80  }
0x8: {  	s29 =	simm.s32 $0x4F00;
	s30 =	simm.s32 $0x4F80;
	s31 =	simm.s32 $0x0  }
0x9: {  	s1 =	sand.u32 $0x1, s1;
	s6 =	smul.u32 $0x5000, s12;
	[smem:$0x7FF] =	sst s4  }
0xa: {  	s26 =	sshll.u32 s12, $0x6;
	s5 =	sshll.u32 s1, $0x4;
	s7 =	smul.u32 $0x50000, s1  }
0xb: {  	_ =	strace $0x8000004A;
	s8 =	ssub.s32 $0x2, s1;
	p0 =	seq.s32 s1, $0x0  }
0xc: {  	s5 =	sor.u32 s12, s5;
	s9 =	sshrl.u32 s8, $0x1;
	s25 =	sadd.s32 s6, s3  }
0xd: {  	s11 =	sshrl.u32 s6, $0x3;
	s12 =	simm.s32 $0x5;
	s5 =	smul.u32 $0x2800, s5  }
0xe: {  	s7 =	sadd.s32 s6, s7;
	s8 =	ssub.s32 s8, s9;
	s9 =	simm.s32 $0x18400  }
0xf: {  	s7 =	sshrl.u32 s7, $0x3;
	s9 =	simm.s32 @!p0 $0x22400;
	s5 =	sshrl.u32 s5, $0x3  }
0x10: {  	s8 =	smax.u32 s8, $0x1;
	s7 =	sadd.s32 s7, s0;
	s10 =	sadd.s32 s5, s0  }
0x11: {  	s7 =	sadd.s32 $0x2C400, s7;
	s0 =	sadd.s32 s9, s0;
	s5 =	sadd.s32 $0x4400, s10  }
0x12: {  	s6 =	sadd.s32 $0xE400, s10;
	s9 =	sadd.s32 s0, s11;
	s10 =	sor.u32 $0x1C05, s26  }
0x13: {  	s11 =	sshrl.u32 s25, $0x3;
	s25 =	simm.s32 $0x4;
	s26 =	simm.s32 $0x4E00  }
.LBB2_1:
0x14: {  	[spmem:s11], [sflag:s10] =	dma.local [hbm:s9], $0xA00  }
0x15: {  	_ =	swait.ge [sflag:s12], $0xA00  }
0x16: {  	[sflag:s12] =	ssyncset.done $0x0  }
0x17: {  	[sflag:s12] =	ssyncadd.s32 $0xFFFFF600  }
0x18: {  	[tilespmem:s4], [sflag:$0x5] =	stream.linear.gather [hbm4b:s5+s4], $0x2800, $0x38;
	[tilespmem:$0xDE80] =	vst v63  }
0x19: {  	_ =	swait.ge [sflag:s12], $0x2800  }
0x1a: {  	[sflag:s12] =	ssyncset.done $0x0  }
0x1b: {  	s0 =	simm.s32 $0x2800;
	[sflag:s12] =	ssyncadd.s32 $0xFFFFD800  }
0x1c: {  	[tilespmem:s0], [sflag:$0x5] =	stream.linear.gather [hbm4b:s6+s4], $0x2800, $0x38;
	[tilespmem:$0xDE80] =	vst v63  }
0x1d: {  	_ =	swait.ge [sflag:s12], $0x2800  }
0x1e: {  	[sflag:s12] =	ssyncset.done $0x0  }
0x1f: {  	[sflag:s12] =	ssyncadd.s32 $0xFFFFD800  }
0x20: {  	[bflag:$0x0] =	sbarrier.arrive $0xFFFF  }
0x21: {  	[tilespmem:s15], [sflag:$0x1] =	stream.indirect.gather [hbm4b:s2+s14], $0x20, s4, s14, $0xb8;
	[tilespmem:$0xDE80] =	vst v63  }
0x22: {  	_ = 	snop  }
0x23: {  	[tilespmem:s17], [sflag:$0x2] =	stream.indirect.gather [hbm4b:s2+s14], $0x20, s16, s14, $0xb8;
	[tilespmem:$0xDE80] =	vst v63  }
0x24: {  	_ = 	snop  }
0x25: {  	[tilespmem:s19], [sflag:$0x3] =	stream.indirect.gather [hbm4b:s2+s14], $0x20, s18, s14, $0xb8;
	[tilespmem:$0xDE80] =	vst v63  }
0x26: {  	_ = 	snop  }
0x27: {  	[tilespmem:s21], [sflag:$0x4] =	stream.indirect.gather [hbm4b:s2+s14], $0x20, s20, s14, $0xb8;
	[tilespmem:$0xDE80] =	vst v63  }
0x28: {  	_ =	swait.ge [sflag:s22], $0xFA0  }
0x29: {  	[sflag:s22] =	ssyncset.done $0x0  }
0x2a: {  	s13 =	simm.s32 $0x2800;
	[sflag:s22] =	ssyncadd.s32 $0xFFFFF060  }
0x2b: {  	[spmem:s3] =	stream.indirect.scatter.add.f32 [tilespmem:s15], [sflag:$0x5], $0x20, s13, s14, $0xb8;
	[tilespmem:$0xDE80] =	vst v63  }
0x2c: {  	_ =	swait.ge [sflag:s12], $0xFA0  }
0x2d: {  	[sflag:s12] =	ssyncset.done $0x0  }
0x2e: {  	s1 =	simm.s32 $0x200;
	[sflag:s12] =	ssyncadd.s32 $0xFFFFF060  }
0x2f: {  	[tilespmem:s15], [sflag:$0x1] =	stream.indirect.gather [hbm4b:s2+s14], $0x20, s1, s14, $0xb8;
	[tilespmem:$0xDE80] =	vst v63  }
0x30: {  	_ =	swait.ge [sflag:s23], $0xFA0  }
0x31: {  	[sflag:s23] =	ssyncset.done $0x0  }
0x32: {  	s13 =	simm.s32 $0x2880;
	[sflag:s23] =	ssyncadd.s32 $0xFFFFF060  }
0x33: {  	[spmem:s3] =	stream.indirect.scatter.add.f32 [tilespmem:s17], [sflag:$0x5], $0x20, s13, s14, $0xb8;
	[tilespmem:$0xDE80] =	vst v63  }
0x34: {  	_ =	swait.ge [sflag:s12], $0xFA0  }
0x35: {  	[sflag:s12] =	ssyncset.done $0x0  }
0x36: {  	s1 =	simm.s32 $0x280;
	[sflag:s12] =	ssyncadd.s32 $0xFFFFF060  }
0x37: {  	[tilespmem:s17], [sflag:$0x2] =	stream.indirect.gather [hbm4b:s2+s14], $0x20, s1, s14, $0xb8;
	[tilespmem:$0xDE80] =	vst v63  }
0x38: {  	_ =	swait.ge [sflag:s24], $0xFA0  }
0x39: {  	[sflag:s24] =	ssyncset.done $0x0  }
0x3a: {  	s13 =	simm.s32 $0x2900;
	[sflag:s24] =	ssyncadd.s32 $0xFFFFF060  }
0x3b: {  	[spmem:s3] =	stream.indirect.scatter.add.f32 [tilespmem:s19], [sflag:$0x5], $0x20, s13, s14, $0xb8;
	[tilespmem:$0xDE80] =	vst v63  }
0x3c: {  	_ =	swait.ge [sflag:s12], $0xFA0  }
0x3d: {  	[sflag:s12] =	ssyncset.done $0x0  }
0x3e: {  	s1 =	simm.s32 $0x300;
	[sflag:s12] =	ssyncadd.s32 $0xFFFFF060  }
0x3f: {  	[tilespmem:s19], [sflag:$0x3] =	stream.indirect.gather [hbm4b:s2+s14], $0x20, s1, s14, $0xb8;
	[tilespmem:$0xDE80] =	vst v63  }
0x40: {  	_ =	swait.ge [sflag:s25], $0xFA0  }
0x41: {  	[sflag:s25] =	ssyncset.done $0x0  }
0x42: {  	s13 =	simm.s32 $0x2980;
	[sflag:s25] =	ssyncadd.s32 $0xFFFFF060  }
0x43: {  	[spmem:s3] =	stream.indirect.scatter.add.f32 [tilespmem:s21], [sflag:$0x5], $0x20, s13, s14, $0xb8;
	[tilespmem:$0xDE80] =	vst v63  }
0x44: {  	_ =	swait.ge [sflag:s12], $0xFA0  }
0x45: {  	[sflag:s12] =	ssyncset.done $0x0  }
0x46: {  	s0 =	simm.s32 $0x800;
	s1 =	simm.s32 $0x380;
	[sflag:s12] =	ssyncadd.s32 $0xFFFFF060  }
.LBB2_2:
0x47: {  	[tilespmem:s21], [sflag:$0x4] =	stream.indirect.gather [hbm4b:s2+s14], $0x20, s1, s14, $0xb8;
	[tilespmem:$0xDE80] =	vst v63  }
0x48: {  	s1 =	smov.u32 s0  }
0x49: {  	p0 =	sne.s32 s0, $0x9000;
	s0 =	sadd.s32 $0x800, s0;
	_ =	swait.ge [sflag:s22], $0xFA0  }
0x4a: {  	s1 =	sshra.s32 s1, $0x2;
	[sflag:s22] =	ssyncset.done $0x0  }
0x4b: {  	s13 =	sadd.s32 $0x2800, s1;
	[sflag:s22] =	ssyncadd.s32 $0xFFFFF060  }
0x4c: {  	[spmem:s3] =	stream.indirect.scatter.add.f32 [tilespmem:s15], [sflag:$0x5], $0x20, s13, s14, $0xb8;
	[tilespmem:$0xDE80] =	vst v63  }
0x4d: {  	_ =	swait.ge [sflag:s12], $0xFA0  }
0x4e: {  	[sflag:s12] =	ssyncset.done $0x0  }
0x4f: {  	s13 =	sadd.s32 $0x200, s1;
	[sflag:s12] =	ssyncadd.s32 $0xFFFFF060  }
0x50: {  	[tilespmem:s15], [sflag:$0x1] =	stream.indirect.gather [hbm4b:s2+s14], $0x20, s13, s14, $0xb8;
	[tilespmem:$0xDE80] =	vst v63  }
0x51: {  	_ =	swait.ge [sflag:s23], $0xFA0  }
0x52: {  	[sflag:s23] =	ssyncset.done $0x0  }
0x53: {  	s13 =	sadd.s32 $0x2880, s1;
	[sflag:s23] =	ssyncadd.s32 $0xFFFFF060  }
0x54: {  	[spmem:s3] =	stream.indirect.scatter.add.f32 [tilespmem:s17], [sflag:$0x5], $0x20, s13, s14, $0xb8;
	[tilespmem:$0xDE80] =	vst v63  }
0x55: {  	_ =	swait.ge [sflag:s12], $0xFA0  }
0x56: {  	[sflag:s12] =	ssyncset.done $0x0  }
0x57: {  	s13 =	sadd.s32 $0x280, s1;
	[sflag:s12] =	ssyncadd.s32 $0xFFFFF060  }
0x58: {  	[tilespmem:s17], [sflag:$0x2] =	stream.indirect.gather [hbm4b:s2+s14], $0x20, s13, s14, $0xb8;
	[tilespmem:$0xDE80] =	vst v63  }
0x59: {  	_ =	swait.ge [sflag:s24], $0xFA0  }
0x5a: {  	[sflag:s24] =	ssyncset.done $0x0  }
0x5b: {  	s13 =	sadd.s32 $0x2900, s1;
	[sflag:s24] =	ssyncadd.s32 $0xFFFFF060  }
0x5c: {  	[spmem:s3] =	stream.indirect.scatter.add.f32 [tilespmem:s19], [sflag:$0x5], $0x20, s13, s14, $0xb8;
	[tilespmem:$0xDE80] =	vst v63  }
0x5d: {  	_ =	swait.ge [sflag:s12], $0xFA0  }
0x5e: {  	[sflag:s12] =	ssyncset.done $0x0  }
0x5f: {  	s13 =	sadd.s32 $0x300, s1;
	[sflag:s12] =	ssyncadd.s32 $0xFFFFF060  }
0x60: {  	[tilespmem:s19], [sflag:$0x3] =	stream.indirect.gather [hbm4b:s2+s14], $0x20, s13, s14, $0xb8;
	[tilespmem:$0xDE80] =	vst v63  }
0x61: {  	_ =	swait.ge [sflag:s25], $0xFA0  }
0x62: {  	[sflag:s25] =	ssyncset.done $0x0  }
.Ltmp0:
0x63: {  	s13 =	sadd.s32 $0x2980, s1;
	[sflag:s25] =	ssyncadd.s32 $0xFFFFF060;
	(pc) =	sbr.rel @p0 .LBB2_2-.Ltmp0, $4  }
0x64: {  	[spmem:s3] =	stream.indirect.scatter.add.f32 [tilespmem:s21], [sflag:$0x5], $0x20, s13, s14, $0xb8;
	[tilespmem:$0xDE80] =	vst v63  }
0x65: {  	_ =	swait.ge [sflag:s12], $0xFA0  }
0x66: {  	[sflag:s12] =	ssyncset.done $0x0  }
0x67: {  	s1 =	sadd.s32 $0x380, s1;
	[sflag:s12] =	ssyncadd.s32 $0xFFFFF060  }
0x68: {  	[tilespmem:s21], [sflag:$0x4] =	stream.indirect.gather [hbm4b:s2+s14], $0x20, s1, s14, $0xb8;
	[tilespmem:$0xDE80] =	vst v63  }
0x69: {  	_ =	swait.ge [sflag:s22], $0xFA0  }
0x6a: {  	[sflag:s22] =	ssyncset.done $0x0  }
0x6b: {  	[sflag:s22] =	ssyncadd.s32 $0xFFFFF060  }
0x6c: {  	[spmem:s3] =	stream.indirect.scatter.add.f32 [tilespmem:s15], [sflag:$0x5], $0x20, s26, s14, $0xb8;
	[tilespmem:$0xDE80] =	vst v63  }
0x6d: {  	_ =	swait.ge [sflag:s12], $0xFA0  }
0x6e: {  	[sflag:s12] =	ssyncset.done $0x0  }
0x6f: {  	[sflag:s12] =	ssyncadd.s32 $0xFFFFF060  }
0x70: {  	_ =	swait.ge [sflag:s23], $0xFA0  }
0x71: {  	[sflag:s23] =	ssyncset.done $0x0  }
0x72: {  	[sflag:s23] =	ssyncadd.s32 $0xFFFFF060  }
0x73: {  	[spmem:s3] =	stream.indirect.scatter.add.f32 [tilespmem:s17], [sflag:$0x5], $0x20, s28, s14, $0xb8;
	[tilespmem:$0xDE80] =	vst v63  }
0x74: {  	_ =	swait.ge [sflag:s12], $0xFA0  }
0x75: {  	[sflag:s12] =	ssyncset.done $0x0  }
0x76: {  	[sflag:s12] =	ssyncadd.s32 $0xFFFFF060  }
0x77: {  	_ =	swait.ge [sflag:s24], $0xFA0  }
0x78: {  	[sflag:s24] =	ssyncset.done $0x0  }
0x79: {  	[sflag:s24] =	ssyncadd.s32 $0xFFFFF060  }
0x7a: {  	[spmem:s3] =	stream.indirect.scatter.add.f32 [tilespmem:s19], [sflag:$0x5], $0x20, s29, s14, $0xb8;
	[tilespmem:$0xDE80] =	vst v63  }
0x7b: {  	_ =	swait.ge [sflag:s12], $0xFA0  }
0x7c: {  	[sflag:s12] =	ssyncset.done $0x0  }
0x7d: {  	[sflag:s12] =	ssyncadd.s32 $0xFFFFF060  }
0x7e: {  	_ =	swait.ge [sflag:s25], $0xFA0  }
0x7f: {  	[sflag:s25] =	ssyncset.done $0x0  }
0x80: {  	[sflag:s25] =	ssyncadd.s32 $0xFFFFF060  }
0x81: {  	[spmem:s3] =	stream.indirect.scatter.add.f32 [tilespmem:s21], [sflag:$0x5], $0x20, s30, s14, $0xb8;
	[tilespmem:$0xDE80] =	vst v63  }
0x82: {  	_ =	swait.ge [sflag:s12], $0xFA0  }
0x83: {  	s31 =	sadd.s32 $0x1, s31;
	[sflag:s12] =	ssyncset.done $0x0  }
0x84: {  	p0 =	sne.s32 s31, s8;
	[sflag:s12] =	ssyncadd.s32 $0xFFFFF060  }
.Ltmp1:
0x85: {  	[bflag:$0x0] =	sbarrier.arrive $0xFFFF;
	(pc) =	sbr.rel @p0 .LBB2_1-.Ltmp1, $4  }
0x86: {  	[hbm:s7], [sflag:s10] =	dma.local [spmem:s11], $0xA00  }
0x87: {  	_ =	swait.ge [sflag:s12], $0xA00  }
0x88: {  	[sflag:s12] =	ssyncset.done $0x0  }
0x89: {  	[sflag:s12] =	ssyncadd.s32 $0xFFFFF600  }
0x8a: {  	_ =	sfence.sel $0x180000  }
0x8b: {  	[bflag:$0x0] =	sbarrier.arrive $0xFFFF  }
0x8c: {  	_ =	strace $0x9000004A  }
0x8d: {  	s0 =	stileid.u32;
	[bflag:$0x2] =	sbarrier.arrive $0xFFFF  }
0x8e: {  	p0 =	sne.s32 s0, $0x0;
	s0 =	rddreg [dreg:$0x3]  }
0x8f: {  	s0 =	sadd.s32 @!p0 $0x100000, s0  }
0x90: {  	[sflag:s0] =	ssyncadd.tile.s32 @!p0 $0x1;
	_ =	shalt  }
.Lfunc_end2:
_tile_overlayer_lowered:
.L_overlay_start_2:
0x91: {  	(tag) =	ssettag $0x2  }
0x92: {  	s0 =	rddreg [dreg:$0x0];
	s2 =	stileid.u32  }
0x93: {  	s1 =	rddreg [dreg:$0x1];
	p0 =	sne.s32 s2, $0x0  }
0x94: {  	s3 =	rddreg [dreg:$0x2];
	[bflag:$0x3] =	sbarrier.arrive $0xFFFF;
	s2 =	simm.s32 @!p0 $0x1C05  }
0x95: {  	[timem:s3], [sflag:s2] =	dma.local @!p0 [hbm:s0], s1  }
0x96: {  	s0 =	simm.s32 @!p0 $0x5  }
0x97: {  	_ =	swait.ge @!p0 [sflag:s0], s1  }
0x98: {  	s1 =	ssub.s32 @!p0 $0x0, s1;
	[sflag:s0] =	ssyncset.done @!p0 $0x0  }
0x99: {  	[sflag:s0] =	ssyncadd.s32 @!p0 s1  }
0x9a: {  	[bflag:$0x3] =	sbarrier.arrive $0xFFFF  }
0x9b: {  	_ =	shalt  }

// kernel: kernel.17.cloned.1.call-start
scs
__scs_entry_jumppad:
0x0: {  	(pc) =	sbr.rel $0x88, $3  }
0x1: {  	(tag) =	ssettag $0x0;
	lr =	simm.s32 $0x1  }
0x2: {  	[smem:$0x3F94] =	sst lr;
	_ =	strace $0xD0000000  }
0x3: {  	_ = 	snop  }
0x4: {  	_ = 	snop  }
0x5: {  	_ = 	snop  }
0x6: {  	_ = 	snop  }
0x7: {  	_ = 	snop  }
__scs_overlays_trampoline_lowered:
0x8: {  	[smem:$0x3FA3] =	sst s0  }
0x9: {  	[smem:$0x3FA4] =	sst s1  }
0xa: {  	[smem:$0x3FA5] =	sst s2  }
0xb: {  	[smem:$0x3FA6] =	sst s3  }
0xc: {  	[smem:$0x3FA7] =	sst s4  }
0xd: {  	[smem:$0x3FA8] =	sst s5  }
0xe: {  	[smem:$0x3FA9] =	sst s6  }
0xf: {  	[smem:$0x3FAA] =	sst s7  }
0x10: {  	[smem:$0x3FAB] =	sst s8  }
0x11: {  	[smem:$0x3FAC] =	sst s9;
	s0 =	simm.s32 @!p0 $0x0  }
0x12: {  	s1 =	sld [smem:$0x3F92];
	s0 =	simm.s32 @p0 $0x1  }
0x13: {  	[smem:$0x3FAD] =	sst s0;
	s0 =	simm.s32 @!p1 $0x0  }
0x14: {  	s2 =	sld [smem:$0x3F91];
	s0 =	simm.s32 @p1 $0x1  }
0x15: {  	[smem:$0x3FAE] =	sst s0;
	s0 =	simm.s32 @!p2 $0x0  }
0x16: {  	s3 =	sld [smem:$0x3FDB];
	s0 =	simm.s32 @p2 $0x1  }
0x17: {  	s4 =	simm.s32 $0x1BF5;
	[smem:$0x3FB0] =	sst s0  }
0x18: {  	s0 =	sld [smem:$0x3F93];
	_ =	swait.ge [sflag:s4], $0x0  }
0x19: {  	s7 =	sld [smem:$0x3F94]  }
0x1a: {  	s8 =	sadd.s32 $0xFFFFE003, lr  }
0x1b: {  	s9 =	sadd.s32 $0xFFFFFEF7, lr;
	s5 =	simm.s32 $0xFFFFFFFF;
	p2 =	slt.u32 s8, $0xFFFFF086  }
0x1c: {  	p1 =	slt.u32 s9, $0xF7A;
	s5 =	simm.s32 @!p2 $0x0  }
0x1d: {  	s5 =	simm.s32 @p1 $0x1;
	p0 =	seq.s32 s7, s2  }
0x1e: {  	s7 =	smul.u32 @!p0 $0xF7A, s2;
	p2 =	seq.s32 @!p0 s5, $0x0  }
0x1f: {  	s9 =	smul.u32 $0xF7A, s1;
	s8 =	simm.s32 @!p0 $0x1BF5;
	p2 =	por !p2, p0  }
0x20: {  	[sflag:s8] =	ssyncset.s32 @!p0 $0xFFFFF086;
	s6 =	sadd.s32 @!p0 s3, s7;
	s7 =	simm.s32 @!p0 $0x108  }
0x21: {  	s3 =	sadd.s32 s3, s9;
	s6 =	sadd.s32 @!p0 $0x88, s6;
	s7 =	simm.s32 @p2 $0x1082  }
0x22: {  	[simem:s7], [sflag:s8] =	dma.local @!p0 [hbm:s6], $0xF7A  }
0x23: {  	s9 =	sor.u32 $0xD0000000, s2;
	s6 =	simm.s32 $0x108;
	_ =	swait.ge @!p0 [sflag:s8], $0x0  }
0x24: {  	s3 =	sadd.s32 $0x88, s3;
	s6 =	simm.s32 @!p1 $0x1082;
	[sflag:s4] =	ssyncset.s32 $0xFFFFF086  }
0x25: {  	[simem:s6], [sflag:s4] =	dma.local [hbm:s3], $0xF7A  }
0x26: {  	[smem:$0x3F94] =	sst s1;
	(tag) =	ssettag s2;
	_ =	strace s9  }
0x27: {  	s1 =	sld [smem:$0x3FA4]  }
0x28: {  	s2 =	sld [smem:$0x3FA5]  }
0x29: {  	s4 =	sld [smem:$0x3FA7]  }
0x2a: {  	p0 =	seq.s32 s5, $0x0;
	s5 =	sld [smem:$0x3FA8]  }
0x2b: {  	s6 =	sld [smem:$0x3FA9]  }
0x2c: {  	s7 =	sld [smem:$0x3FAA]  }
0x2d: {  	s3 =	simm.s32 $0x108;
	s8 =	sld [smem:$0x3FAB]  }
0x2e: {  	s3 =	simm.s32 @!p0 $0x1082;
	s9 =	sld [smem:$0x3FAC]  }
0x2f: {  	lr =	sadd.s32 s0, s3;
	s0 =	sld [smem:$0x3FA3]  }
0x30: {  	s3 =	sld [smem:$0x3FA6]  }
0x31: {  	[smem:$0x3FAF] =	sst s10  }
0x32: {  	s10 =	sld [smem:$0x3FAD];
	_ =	sdelay $0x3  }
0x33: {  	p0 =	seq.s32 s10, $0x1;
	s10 =	sld [smem:$0x3FAF];
	_ =	sdelay $0x3  }
0x34: {  	[smem:$0x3FAF] =	sst s10  }
0x35: {  	s10 =	sld [smem:$0x3FAE];
	_ =	sdelay $0x3  }
0x36: {  	p1 =	seq.s32 s10, $0x1;
	s10 =	sld [smem:$0x3FAF];
	_ =	sdelay $0x3  }
0x37: {  	[smem:$0x3FAF] =	sst s10  }
0x38: {  	s10 =	sld [smem:$0x3FB0]  }
0x39: {  	_ = 	snop;
	(pc) =	sbr.ind lr, $3  }
0x3a: {  	_ = 	snop  }
0x3b: {  	_ = 	snop  }
0x3c: {  	p2 =	seq.s32 s10, $0x1;
	s10 =	sld [smem:$0x3FAF]  }
0x3d: {  	_ =	shalt  }
0x3e: {  	_ =	shalt  }
0x3f: {  	_ =	shalt  }
0x40: {  	_ =	shalt  }
0x41: {  	_ =	shalt  }
0x42: {  	_ =	shalt  }
0x43: {  	_ =	shalt  }
0x44: {  	_ =	shalt  }
0x45: {  	_ =	shalt  }
0x46: {  	_ =	shalt  }
0x47: {  	_ =	shalt  }
0x48: {  	_ =	shalt  }
0x49: {  	_ =	shalt  }
0x4a: {  	_ =	shalt  }
0x4b: {  	_ =	shalt  }
0x4c: {  	_ =	shalt  }
0x4d: {  	_ =	shalt  }
0x4e: {  	_ =	shalt  }
0x4f: {  	_ =	shalt  }
0x50: {  	_ =	shalt  }
0x51: {  	_ =	shalt  }
0x52: {  	_ =	shalt  }
0x53: {  	_ =	shalt  }
0x54: {  	_ =	shalt  }
0x55: {  	_ =	shalt  }
0x56: {  	_ =	shalt  }
0x57: {  	_ =	shalt  }
0x58: {  	_ =	shalt  }
0x59: {  	_ =	shalt  }
0x5a: {  	_ =	shalt  }
0x5b: {  	_ =	shalt  }
0x5c: {  	_ =	shalt  }
0x5d: {  	_ =	shalt  }
0x5e: {  	_ =	shalt  }
0x5f: {  	_ =	shalt  }
0x60: {  	_ =	shalt  }
0x61: {  	_ =	shalt  }
0x62: {  	_ =	shalt  }
0x63: {  	_ =	shalt  }
0x64: {  	_ =	shalt  }
0x65: {  	_ =	shalt  }
0x66: {  	_ =	shalt  }
0x67: {  	_ =	shalt  }
0x68: {  	_ =	shalt  }
0x69: {  	_ =	shalt  }
0x6a: {  	_ =	shalt  }
0x6b: {  	_ =	shalt  }
0x6c: {  	_ =	shalt  }
0x6d: {  	_ =	shalt  }
0x6e: {  	_ =	shalt  }
0x6f: {  	_ =	shalt  }
0x70: {  	_ =	shalt  }
0x71: {  	_ =	shalt  }
0x72: {  	_ =	shalt  }
0x73: {  	_ =	shalt  }
0x74: {  	_ =	shalt  }
0x75: {  	_ =	shalt  }
0x76: {  	_ =	shalt  }
0x77: {  	_ =	shalt  }
0x78: {  	_ =	shalt  }
0x79: {  	_ =	shalt  }
0x7a: {  	_ =	shalt  }
0x7b: {  	_ =	shalt  }
0x7c: {  	_ =	shalt  }
0x7d: {  	_ =	shalt  }
0x7e: {  	_ =	shalt  }
0x7f: {  	_ =	shalt  }
0x80: {  	_ =	shalt  }
0x81: {  	_ =	shalt  }
0x82: {  	_ =	shalt  }
0x83: {  	_ =	shalt  }
0x84: {  	_ =	shalt  }
0x85: {  	_ =	shalt  }
0x86: {  	_ =	shalt  }
0x87: {  	_ =	shalt  }
.Lfunc_end0:
.L_simem_size_0:
called_computation.2_lowered:
.L_overlay_start_0:
0x88: {  	s2 =	sld [smem:$0x3FD9]  }
0x89: {  	s3 =	sld [smem:$0x3FFE];
	_ =	sdelay $0x1  }
0x8a: {  	s1 =	srdreg.scid  }
0x8b: {  	s0 =	sand.u32 $0x1, s1  }
0x8c: {  	s17 =	sshll.u32 s0, $0xA;
	s2 =	sadd.s32 s3, s2  }
0x8d: {  	s2 =	sadd.s32 s2, s17  }
0x8e: {  	[smem:$0x3FBB] =	sst s2  }
0x8f: {  	_ = 	snop  }
0x90: {  	s2 =	sld [smem:$0x3FD0];
	(tm) =	ssettm $0x1  }
0x91: {  	s18 =	sld [smem:$0x3FFB];
	_ =	sdelay $0x3  }
0x92: {  	_ =	strace s18  }
0x93: {  	s3 =	sld [smem:$0x3FFC];
	_ =	sdelay $0x3  }
0x94: {  	_ =	strace s3  }
0x95: {  	s3 =	sld [smem:$0x3FFD];
	_ =	sdelay $0x3  }
0x96: {  	_ =	strace s3  }
0x97: {  	_ =	strace $0x8FFFFFFF  }
0x98: {  	s19 =	sld [smem:$0x3FDB];
	_ =	sdelay $0x1  }
0x99: {  	s4 =	simm.s32 $_scs_section_size  }
0x9a: {  	s5 =	simm.s32 $_size__tile_overlayer_lowered;
	s6 =	simm.s32 $_tile_overlayer_lowered  }
0x9b: {  	s22 =	simm.s32 $0x1BFF;
	s21 =	sshll.u32 s6, $0x1;
	s3 =	sadd.s32 s4, s19  }
0x9c: {  	s7 =	simm.s32 $0x0;
	s20 =	sshll.u32 s5, $0x1;
	s5 =	sadd.s32 s21, s3  }
0x9d: {  	[timem:s7], [sflag:s22] =	dma.local [hbm:s5], s20  }
0x9e: {  	_ =	swait.ge [sflag:s22], s20  }
0x9f: {  	s4 =	ssub.s32 $0x0, s20;
	[sflag:s22] =	ssyncset.done $0x0  }
0xa0: {  	[sflag:s22] =	ssyncadd.s32 s4;
	_ =	sdelay $0x1  }
0xa1: {  	s23 =	simm.s32 $0x1B8B  }
0xa2: {  	_ =	swait.ge [sflag:s23], $0x1  }
0xa3: {  	[sflag:s23] =	ssyncset.done $0x0  }
0xa4: {  	s25 =	simm.s32 $0x1B8E;
	s24 =	sld [smem:$0x3FFE];
	[sflag:s23] =	ssyncadd.s32 $0xFFFFFFFF  }
0xa5: {  	s26 =	simm.s32 $execute0_lowered;
	[smem:$0x3FD2] =	sst s25  }
0xa6: {  	s5 =	sshll.u32 s26, $0x1;
	_ =	strace $0x8000004C;
	[dreg:$0x1] =	wrdreg $0xFFFFFFFF  }
0xa7: {  	s28 =	simm.s32 $_size_execute0_lowered;
	s3 =	sadd.s32 s3, s5;
	[dreg:$0x0] =	wrdreg $0x0  }
0xa8: {  	s5 =	sshll.u32 s28, $0x1;
	[dreg:$0x2] =	wrdreg s3  }
0xa9: {  	[dreg:$0x3] =	wrdreg s5  }
0xaa: {  	[dreg:$0x4] =	wrdreg $0xC0  }
0xab: {  	_ =	task [dreg:s7], $0x5FFFF  }
0xac: {  	[dreg:$0x1] =	wrdreg $0xFFFFFFFF  }
0xad: {  	[dreg:$0x0] =	wrdreg $0x60  }
0xae: {  	[dreg:$0x2] =	wrdreg s2  }
0xaf: {  	[dreg:$0x3] =	wrdreg s24  }
0xb0: {  	[dreg:$0x4] =	wrdreg $0x8E800  }
0xb1: {  	[dreg:$0x5] =	wrdreg $0x9  }
0xb2: {  	_ =	task.clear_ibuf [dreg:s7], $0x6FFFF;
	_ =	strace $0x9000004C  }
0xb3: {  	s29 =	simm.s32 $0x9;
	_ =	strace $0x8000004E  }
0xb4: {  	_ =	swait.ge [sflag:s29], $0x1  }
0xb5: {  	[sflag:s29] =	ssyncadd.s32 $0xFFFFFFFF  }
0xb6: {  	_ =	strace $0x9000004E  }
0xb7: {  	_ =	sfence  }
0xb8: {  	s30 =	sld [smem:$0x0];
	_ =	sdelay $0x2  }
0xb9: {  	s31 =	sshll.u32 s1, $0xD;
	s1 =	sshrl.u32 s1, $0x2  }
0xba: {  	s3 =	sand.u32 $0x4000, s31;
	s1 =	sadd.s32 s1, s30  }
0xbb: {  	s0 =	sor.u32 s3, s0;
	s1 =	sshll.u32 s1, $0x11  }
0xbc: {  	s0 =	sor.u32 s1, s0  }
0xbd: {  	s0 =	sadd.s32 $0x8F2B, s0  }
0xbe: {  	[sflag:s0] =	ssyncadd.remote.s32 $0x1  }
0xbf: {  	_ =	sfence.sel $0xFFFF  }
0xc0: {  	[dreg:$0x0] =	wrdreg $0xFFFFFFFF;
	(pc) =	sbr.abs _section_cstart, $3  }
0xc1: {  	[dreg:$0x1] =	wrdreg $0xFFFFFFFF  }
0xc2: {  	_ =	task.clear_ibuf [dreg:s7], $0x2FFFF;
	_ =	strace $0x9FFFFFFF  }
0xc3: {  	(tm) =	ssettm $0x7FFFFFFF  }
tec
execute0_lowered:
.L_overlay_start_1:
0x0: {  	(tag) =	ssettag $0x1  }
0x1: {  	s2 =	rddreg [dreg:$0x0]  }
0x2: {  	s0 =	rddreg [dreg:$0x1];
	s1 =	srdreg.scid  }
0x3: {  	s3 =	rddreg [dreg:$0x2];
	s12 =	stileid.u32;
	s4 =	simm.s32 $0x0  }
0x4: {  	s14 =	simm.s32 $0x7D;
	s15 =	simm.s32 $0x5000;
	s16 =	simm.s32 $0x80  }
0x5: {  	s17 =	simm.s32 $0x5FA0;
	s18 =	simm.s32 $0x100;
	s19 =	simm.s32 $0x6F40  }
0x6: {  	s20 =	simm.s32 $0x180;
	s21 =	simm.s32 $0x7EE0;
	s22 =	simm.s32 $0x1  }
0x7: {  	s23 =	simm.s32 $0x2;
	s24 =	simm.s32 $0x3;
	s28 =	simm.s32 $0x4E80  }
0x8: {  	s29 =	simm.s32 $0x4F00;
	s30 =	simm.s32 $0x4F80;
	s31 =	simm.s32 $0x0  }
0x9: {  	s1 =	sand.u32 $0x1, s1;
	s6 =	smul.u32 $0x5000, s12;
	[smem:$0x7FF] =	sst s4  }
0xa: {  	s26 =	sshll.u32 s12, $0x6;
	s5 =	sshll.u32 s1, $0x4;
	s7 =	smul.u32 $0x50000, s1  }
0xb: {  	_ =	strace $0x8000004D;
	s8 =	ssub.s32 $0x2, s1;
	p0 =	seq.s32 s1, $0x0  }
0xc: {  	s5 =	sor.u32 s12, s5;
	s9 =	sshrl.u32 s8, $0x1;
	s25 =	sadd.s32 s6, s3  }
0xd: {  	s11 =	sshrl.u32 s6, $0x3;
	s12 =	simm.s32 $0x5;
	s5 =	smul.u32 $0x2800, s5  }
0xe: {  	s7 =	sadd.s32 s6, s7;
	s8 =	ssub.s32 s8, s9;
	s9 =	simm.s32 $0x18400  }
0xf: {  	s7 =	sshrl.u32 s7, $0x3;
	s9 =	simm.s32 @!p0 $0x22400;
	s5 =	sshrl.u32 s5, $0x3  }
0x10: {  	s8 =	smax.u32 s8, $0x1;
	s7 =	sadd.s32 s7, s0;
	s10 =	sadd.s32 s5, s0  }
0x11: {  	s7 =	sadd.s32 $0x2C400, s7;
	s0 =	sadd.s32 s9, s0;
	s5 =	sadd.s32 $0x4400, s10  }
0x12: {  	s6 =	sadd.s32 $0xE400, s10;
	s9 =	sadd.s32 s0, s11;
	s10 =	sor.u32 $0x1C05, s26  }
0x13: {  	s11 =	sshrl.u32 s25, $0x3;
	s25 =	simm.s32 $0x4;
	s26 =	simm.s32 $0x4E00  }
.LBB2_1:
0x14: {  	[spmem:s11], [sflag:s10] =	dma.local [hbm:s9], $0xA00  }
0x15: {  	_ =	swait.ge [sflag:s12], $0xA00  }
0x16: {  	[sflag:s12] =	ssyncset.done $0x0  }
0x17: {  	[sflag:s12] =	ssyncadd.s32 $0xFFFFF600  }
0x18: {  	[tilespmem:s4], [sflag:$0x5] =	stream.linear.gather [hbm4b:s5+s4], $0x2800, $0x38;
	[tilespmem:$0xDE80] =	vst v63  }
0x19: {  	_ =	swait.ge [sflag:s12], $0x2800  }
0x1a: {  	[sflag:s12] =	ssyncset.done $0x0  }
0x1b: {  	s0 =	simm.s32 $0x2800;
	[sflag:s12] =	ssyncadd.s32 $0xFFFFD800  }
0x1c: {  	[tilespmem:s0], [sflag:$0x5] =	stream.linear.gather [hbm4b:s6+s4], $0x2800, $0x38;
	[tilespmem:$0xDE80] =	vst v63  }
0x1d: {  	_ =	swait.ge [sflag:s12], $0x2800  }
0x1e: {  	[sflag:s12] =	ssyncset.done $0x0  }
0x1f: {  	[sflag:s12] =	ssyncadd.s32 $0xFFFFD800  }
0x20: {  	[bflag:$0x0] =	sbarrier.arrive $0xFFFF  }
0x21: {  	[tilespmem:s15], [sflag:$0x1] =	stream.indirect.gather [hbm4b:s2+s14], $0x20, s4, s14, $0xb8;
	[tilespmem:$0xDE80] =	vst v63  }
0x22: {  	_ = 	snop  }
0x23: {  	[tilespmem:s17], [sflag:$0x2] =	stream.indirect.gather [hbm4b:s2+s14], $0x20, s16, s14, $0xb8;
	[tilespmem:$0xDE80] =	vst v63  }
0x24: {  	_ = 	snop  }
0x25: {  	[tilespmem:s19], [sflag:$0x3] =	stream.indirect.gather [hbm4b:s2+s14], $0x20, s18, s14, $0xb8;
	[tilespmem:$0xDE80] =	vst v63  }
0x26: {  	_ = 	snop  }
0x27: {  	[tilespmem:s21], [sflag:$0x4] =	stream.indirect.gather [hbm4b:s2+s14], $0x20, s20, s14, $0xb8;
	[tilespmem:$0xDE80] =	vst v63  }
0x28: {  	_ =	swait.ge [sflag:s22], $0xFA0  }
0x29: {  	[sflag:s22] =	ssyncset.done $0x0  }
0x2a: {  	s13 =	simm.s32 $0x2800;
	[sflag:s22] =	ssyncadd.s32 $0xFFFFF060  }
0x2b: {  	[spmem:s3] =	stream.indirect.scatter.add.f32 [tilespmem:s15], [sflag:$0x5], $0x20, s13, s14, $0xb8;
	[tilespmem:$0xDE80] =	vst v63  }
0x2c: {  	_ =	swait.ge [sflag:s12], $0xFA0  }
0x2d: {  	[sflag:s12] =	ssyncset.done $0x0  }
0x2e: {  	s1 =	simm.s32 $0x200;
	[sflag:s12] =	ssyncadd.s32 $0xFFFFF060  }
0x2f: {  	[tilespmem:s15], [sflag:$0x1] =	stream.indirect.gather [hbm4b:s2+s14], $0x20, s1, s14, $0xb8;
	[tilespmem:$0xDE80] =	vst v63  }
0x30: {  	_ =	swait.ge [sflag:s23], $0xFA0  }
0x31: {  	[sflag:s23] =	ssyncset.done $0x0  }
0x32: {  	s13 =	simm.s32 $0x2880;
	[sflag:s23] =	ssyncadd.s32 $0xFFFFF060  }
0x33: {  	[spmem:s3] =	stream.indirect.scatter.add.f32 [tilespmem:s17], [sflag:$0x5], $0x20, s13, s14, $0xb8;
	[tilespmem:$0xDE80] =	vst v63  }
0x34: {  	_ =	swait.ge [sflag:s12], $0xFA0  }
0x35: {  	[sflag:s12] =	ssyncset.done $0x0  }
0x36: {  	s1 =	simm.s32 $0x280;
	[sflag:s12] =	ssyncadd.s32 $0xFFFFF060  }
0x37: {  	[tilespmem:s17], [sflag:$0x2] =	stream.indirect.gather [hbm4b:s2+s14], $0x20, s1, s14, $0xb8;
	[tilespmem:$0xDE80] =	vst v63  }
0x38: {  	_ =	swait.ge [sflag:s24], $0xFA0  }
0x39: {  	[sflag:s24] =	ssyncset.done $0x0  }
0x3a: {  	s13 =	simm.s32 $0x2900;
	[sflag:s24] =	ssyncadd.s32 $0xFFFFF060  }
0x3b: {  	[spmem:s3] =	stream.indirect.scatter.add.f32 [tilespmem:s19], [sflag:$0x5], $0x20, s13, s14, $0xb8;
	[tilespmem:$0xDE80] =	vst v63  }
0x3c: {  	_ =	swait.ge [sflag:s12], $0xFA0  }
0x3d: {  	[sflag:s12] =	ssyncset.done $0x0  }
0x3e: {  	s1 =	simm.s32 $0x300;
	[sflag:s12] =	ssyncadd.s32 $0xFFFFF060  }
0x3f: {  	[tilespmem:s19], [sflag:$0x3] =	stream.indirect.gather [hbm4b:s2+s14], $0x20, s1, s14, $0xb8;
	[tilespmem:$0xDE80] =	vst v63  }
0x40: {  	_ =	swait.ge [sflag:s25], $0xFA0  }
0x41: {  	[sflag:s25] =	ssyncset.done $0x0  }
0x42: {  	s13 =	simm.s32 $0x2980;
	[sflag:s25] =	ssyncadd.s32 $0xFFFFF060  }
0x43: {  	[spmem:s3] =	stream.indirect.scatter.add.f32 [tilespmem:s21], [sflag:$0x5], $0x20, s13, s14, $0xb8;
	[tilespmem:$0xDE80] =	vst v63  }
0x44: {  	_ =	swait.ge [sflag:s12], $0xFA0  }
0x45: {  	[sflag:s12] =	ssyncset.done $0x0  }
0x46: {  	s0 =	simm.s32 $0x800;
	s1 =	simm.s32 $0x380;
	[sflag:s12] =	ssyncadd.s32 $0xFFFFF060  }
.LBB2_2:
0x47: {  	[tilespmem:s21], [sflag:$0x4] =	stream.indirect.gather [hbm4b:s2+s14], $0x20, s1, s14, $0xb8;
	[tilespmem:$0xDE80] =	vst v63  }
0x48: {  	s1 =	smov.u32 s0  }
0x49: {  	p0 =	sne.s32 s0, $0x9000;
	s0 =	sadd.s32 $0x800, s0;
	_ =	swait.ge [sflag:s22], $0xFA0  }
0x4a: {  	s1 =	sshra.s32 s1, $0x2;
	[sflag:s22] =	ssyncset.done $0x0  }
0x4b: {  	s13 =	sadd.s32 $0x2800, s1;
	[sflag:s22] =	ssyncadd.s32 $0xFFFFF060  }
0x4c: {  	[spmem:s3] =	stream.indirect.scatter.add.f32 [tilespmem:s15], [sflag:$0x5], $0x20, s13, s14, $0xb8;
	[tilespmem:$0xDE80] =	vst v63  }
0x4d: {  	_ =	swait.ge [sflag:s12], $0xFA0  }
0x4e: {  	[sflag:s12] =	ssyncset.done $0x0  }
0x4f: {  	s13 =	sadd.s32 $0x200, s1;
	[sflag:s12] =	ssyncadd.s32 $0xFFFFF060  }
0x50: {  	[tilespmem:s15], [sflag:$0x1] =	stream.indirect.gather [hbm4b:s2+s14], $0x20, s13, s14, $0xb8;
	[tilespmem:$0xDE80] =	vst v63  }
0x51: {  	_ =	swait.ge [sflag:s23], $0xFA0  }
0x52: {  	[sflag:s23] =	ssyncset.done $0x0  }
0x53: {  	s13 =	sadd.s32 $0x2880, s1;
	[sflag:s23] =	ssyncadd.s32 $0xFFFFF060  }
0x54: {  	[spmem:s3] =	stream.indirect.scatter.add.f32 [tilespmem:s17], [sflag:$0x5], $0x20, s13, s14, $0xb8;
	[tilespmem:$0xDE80] =	vst v63  }
0x55: {  	_ =	swait.ge [sflag:s12], $0xFA0  }
0x56: {  	[sflag:s12] =	ssyncset.done $0x0  }
0x57: {  	s13 =	sadd.s32 $0x280, s1;
	[sflag:s12] =	ssyncadd.s32 $0xFFFFF060  }
0x58: {  	[tilespmem:s17], [sflag:$0x2] =	stream.indirect.gather [hbm4b:s2+s14], $0x20, s13, s14, $0xb8;
	[tilespmem:$0xDE80] =	vst v63  }
0x59: {  	_ =	swait.ge [sflag:s24], $0xFA0  }
0x5a: {  	[sflag:s24] =	ssyncset.done $0x0  }
0x5b: {  	s13 =	sadd.s32 $0x2900, s1;
	[sflag:s24] =	ssyncadd.s32 $0xFFFFF060  }
0x5c: {  	[spmem:s3] =	stream.indirect.scatter.add.f32 [tilespmem:s19], [sflag:$0x5], $0x20, s13, s14, $0xb8;
	[tilespmem:$0xDE80] =	vst v63  }
0x5d: {  	_ =	swait.ge [sflag:s12], $0xFA0  }
0x5e: {  	[sflag:s12] =	ssyncset.done $0x0  }
0x5f: {  	s13 =	sadd.s32 $0x300, s1;
	[sflag:s12] =	ssyncadd.s32 $0xFFFFF060  }
0x60: {  	[tilespmem:s19], [sflag:$0x3] =	stream.indirect.gather [hbm4b:s2+s14], $0x20, s13, s14, $0xb8;
	[tilespmem:$0xDE80] =	vst v63  }
0x61: {  	_ =	swait.ge [sflag:s25], $0xFA0  }
0x62: {  	[sflag:s25] =	ssyncset.done $0x0  }
.Ltmp0:
0x63: {  	s13 =	sadd.s32 $0x2980, s1;
	[sflag:s25] =	ssyncadd.s32 $0xFFFFF060;
	(pc) =	sbr.rel @p0 .LBB2_2-.Ltmp0, $4  }
0x64: {  	[spmem:s3] =	stream.indirect.scatter.add.f32 [tilespmem:s21], [sflag:$0x5], $0x20, s13, s14, $0xb8;
	[tilespmem:$0xDE80] =	vst v63  }
0x65: {  	_ =	swait.ge [sflag:s12], $0xFA0  }
0x66: {  	[sflag:s12] =	ssyncset.done $0x0  }
0x67: {  	s1 =	sadd.s32 $0x380, s1;
	[sflag:s12] =	ssyncadd.s32 $0xFFFFF060  }
0x68: {  	[tilespmem:s21], [sflag:$0x4] =	stream.indirect.gather [hbm4b:s2+s14], $0x20, s1, s14, $0xb8;
	[tilespmem:$0xDE80] =	vst v63  }
0x69: {  	_ =	swait.ge [sflag:s22], $0xFA0  }
0x6a: {  	[sflag:s22] =	ssyncset.done $0x0  }
0x6b: {  	[sflag:s22] =	ssyncadd.s32 $0xFFFFF060  }
0x6c: {  	[spmem:s3] =	stream.indirect.scatter.add.f32 [tilespmem:s15], [sflag:$0x5], $0x20, s26, s14, $0xb8;
	[tilespmem:$0xDE80] =	vst v63  }
0x6d: {  	_ =	swait.ge [sflag:s12], $0xFA0  }
0x6e: {  	[sflag:s12] =	ssyncset.done $0x0  }
0x6f: {  	[sflag:s12] =	ssyncadd.s32 $0xFFFFF060  }
0x70: {  	_ =	swait.ge [sflag:s23], $0xFA0  }
0x71: {  	[sflag:s23] =	ssyncset.done $0x0  }
0x72: {  	[sflag:s23] =	ssyncadd.s32 $0xFFFFF060  }
0x73: {  	[spmem:s3] =	stream.indirect.scatter.add.f32 [tilespmem:s17], [sflag:$0x5], $0x20, s28, s14, $0xb8;
	[tilespmem:$0xDE80] =	vst v63  }
0x74: {  	_ =	swait.ge [sflag:s12], $0xFA0  }
0x75: {  	[sflag:s12] =	ssyncset.done $0x0  }
0x76: {  	[sflag:s12] =	ssyncadd.s32 $0xFFFFF060  }
0x77: {  	_ =	swait.ge [sflag:s24], $0xFA0  }
0x78: {  	[sflag:s24] =	ssyncset.done $0x0  }
0x79: {  	[sflag:s24] =	ssyncadd.s32 $0xFFFFF060  }
0x7a: {  	[spmem:s3] =	stream.indirect.scatter.add.f32 [tilespmem:s19], [sflag:$0x5], $0x20, s29, s14, $0xb8;
	[tilespmem:$0xDE80] =	vst v63  }
0x7b: {  	_ =	swait.ge [sflag:s12], $0xFA0  }
0x7c: {  	[sflag:s12] =	ssyncset.done $0x0  }
0x7d: {  	[sflag:s12] =	ssyncadd.s32 $0xFFFFF060  }
0x7e: {  	_ =	swait.ge [sflag:s25], $0xFA0  }
0x7f: {  	[sflag:s25] =	ssyncset.done $0x0  }
0x80: {  	[sflag:s25] =	ssyncadd.s32 $0xFFFFF060  }
0x81: {  	[spmem:s3] =	stream.indirect.scatter.add.f32 [tilespmem:s21], [sflag:$0x5], $0x20, s30, s14, $0xb8;
	[tilespmem:$0xDE80] =	vst v63  }
0x82: {  	_ =	swait.ge [sflag:s12], $0xFA0  }
0x83: {  	s31 =	sadd.s32 $0x1, s31;
	[sflag:s12] =	ssyncset.done $0x0  }
0x84: {  	p0 =	sne.s32 s31, s8;
	[sflag:s12] =	ssyncadd.s32 $0xFFFFF060  }
.Ltmp1:
0x85: {  	[bflag:$0x0] =	sbarrier.arrive $0xFFFF;
	(pc) =	sbr.rel @p0 .LBB2_1-.Ltmp1, $4  }
0x86: {  	[hbm:s7], [sflag:s10] =	dma.local [spmem:s11], $0xA00  }
0x87: {  	_ =	swait.ge [sflag:s12], $0xA00  }
0x88: {  	[sflag:s12] =	ssyncset.done $0x0  }
0x89: {  	[sflag:s12] =	ssyncadd.s32 $0xFFFFF600  }
0x8a: {  	_ =	sfence.sel $0x180000  }
0x8b: {  	[bflag:$0x0] =	sbarrier.arrive $0xFFFF  }
0x8c: {  	_ =	strace $0x9000004D  }
0x8d: {  	s0 =	stileid.u32;
	[bflag:$0x2] =	sbarrier.arrive $0xFFFF  }
0x8e: {  	p0 =	sne.s32 s0, $0x0;
	s0 =	rddreg [dreg:$0x3]  }
0x8f: {  	s0 =	sadd.s32 @!p0 $0x100000, s0  }
0x90: {  	[sflag:s0] =	ssyncadd.tile.s32 @!p0 $0x1;
	_ =	shalt  }
.Lfunc_end2:
_tile_overlayer_lowered:
.L_overlay_start_2:
0x91: {  	(tag) =	ssettag $0x2  }
0x92: {  	s0 =	rddreg [dreg:$0x0];
	s2 =	stileid.u32  }
0x93: {  	s1 =	rddreg [dreg:$0x1];
	p0 =	sne.s32 s2, $0x0  }
0x94: {  	s3 =	rddreg [dreg:$0x2];
	[bflag:$0x3] =	sbarrier.arrive $0xFFFF;
	s2 =	simm.s32 @!p0 $0x1C05  }
0x95: {  	[timem:s3], [sflag:s2] =	dma.local @!p0 [hbm:s0], s1  }
0x96: {  	s0 =	simm.s32 @!p0 $0x5  }
0x97: {  	_ =	swait.ge @!p0 [sflag:s0], s1  }
0x98: {  	s1 =	ssub.s32 @!p0 $0x0, s1;
	[sflag:s0] =	ssyncset.done @!p0 $0x0  }
0x99: {  	[sflag:s0] =	ssyncadd.s32 @!p0 s1  }
0x9a: {  	[bflag:$0x3] =	sbarrier.arrive $0xFFFF  }
0x9b: {  	_ =	shalt  }

</sc_bundles>
